<compile_context>
chip_gen: v7x
topology: tpu7x:2x2x1
jax: 0.10.2.dev20260603
libtpu: 0.0.44.dev20260713+nightly
codegen_flags: <defaults>
</compile_context>

<pallas_src>
import jax
import jax.numpy as jnp
from jax import lax
from jax.experimental import pallas as pl
from jax.experimental.pallas import tpu as pltpu
from jax.experimental.pallas import tpu_sc as plsc

_B, _S, _D = 1, 2048, 768
_E, _T, _K, _H = 16, 5, 2, 768
_N = _B * _S
_NPAIR = _N * _K
_NW = 32
_PPW = _NPAIR // _NW
_R = 256
_NT = _NPAIR // _R + _E
_NP = _NT * _R
_MW = 128


def _cv2_col(v):
    mu = jnp.sum(v, axis=0, keepdims=True) / _E
    var = jnp.sum((v - mu) ** 2, axis=0, keepdims=True) / (_E - 1)
    return var / (mu * mu + 1e-10)


def _gate_body(x_ref, gwt_ref, gb_ref, gws_ref, gbs_ref, ti_ref,
               pos_ref, meta_ref, loss_ref, imp_ref, te_ref, nv_ref):
    logits = jax.lax.dot_general(
        gwt_ref[...], x_ref[...], (((1,), (1,)), ((), ())),
        preferred_element_type=jnp.float32) + gb_ref[...]
    ti = ti_ref[...]
    io0 = jax.lax.broadcasted_iota(jnp.int32, (_E, _N), 0)
    loss = jnp.zeros((1, 1), jnp.float32)
    i1r = jnp.zeros((1, _N), jnp.int32)
    i2r = jnp.zeros((1, _N), jnp.int32)
    impc = jnp.zeros((_E, 1), jnp.float32)
    for t in range(_T):
        lt = logits[t * _E:(t + 1) * _E, :]
        m1 = jnp.max(lt, axis=0, keepdims=True)
        i1 = jnp.min(jnp.where(lt == m1, io0, _E), axis=0, keepdims=True)
        lt2 = jnp.where(io0 == i1, -jnp.inf, lt)
        m2 = jnp.max(lt2, axis=0, keepdims=True)
        i2 = jnp.min(jnp.where(lt2 == m2, io0, _E), axis=0, keepdims=True)
        wa = jax.nn.sigmoid(m1 - m2)
        wb = jax.nn.sigmoid(m2 - m1)
        gt = jnp.where(io0 == i1, wa, 0.0) + jnp.where(io0 == i2, wb, 0.0)
        imp = jnp.sum(gt, axis=1, keepdims=True)
        ld = jnp.sum((gt > 0).astype(jnp.float32), axis=1, keepdims=True)
        loss = loss + _cv2_col(imp) + _cv2_col(ld)
        sel = ti == t
        i1r = jnp.where(sel, i1, i1r)
        i2r = jnp.where(sel, i2, i2r)
        impc = jnp.where(sel, imp, impc)
    loss_ref[...] = loss
    imp_ref[...] = impc

    ioc = jax.lax.broadcasted_iota(jnp.int32, (_N, _E), 1)
    ltc = jax.lax.dot_general(
        x_ref[...], gws_ref[...], (((1,), (1,)), ((), ())),
        preferred_element_type=jnp.float32) + gbs_ref[...]
    m1c = jnp.max(ltc, axis=1, keepdims=True)
    i1c = jnp.min(jnp.where(ltc == m1c, ioc, _E), axis=1, keepdims=True)
    ltc2 = jnp.where(ioc == i1c, -jnp.inf, ltc)
    m2c = jnp.max(ltc2, axis=1, keepdims=True)
    wac = jax.nn.sigmoid(m1c - m2c)
    wbc = jax.nn.sigmoid(m2c - m1c)
    gpair = jnp.concatenate([wac, wbc], axis=0)
    meta_ref[...] = jnp.concatenate(
        [gpair, jnp.zeros((_NPAIR, _MW - 1), jnp.float32)], axis=1)

    iop = jax.lax.broadcasted_iota(jnp.int32, (_E, _NPAIR), 0)
    eids = jnp.concatenate([i1r, i2r], axis=1)
    onehot = (iop == eids).astype(jnp.int32)
    incl = onehot
    k = 1
    while k < _NPAIR:
        incl = incl + jnp.concatenate(
            [jnp.zeros((_E, k), jnp.int32), incl[:, :_NPAIR - k]], axis=1)
        k *= 2
    excl = incl - onehot
    cnt = incl[:, _NPAIR - 1:_NPAIR]
    region = ((cnt + _R - 1) // _R) * _R
    ioc16 = jax.lax.broadcasted_iota(jnp.int32, (_E, 1), 0)
    io_t = jax.lax.broadcasted_iota(jnp.int32, (1, _NT), 1)

    def row(vec, e):
        return jnp.sum(jnp.where(ioc16 == e, vec, 0), axis=0, keepdims=True)

    starts = jnp.zeros((_E, 1), jnp.int32)
    acc = jnp.zeros((1, 1), jnp.int32)
    for e in range(_E):
        starts = starts + jnp.where(ioc16 == e, acc, 0)
        acc = acc + row(region, e)
    posr = jnp.sum((excl + starts) * onehot, axis=0, keepdims=True)
    pos_ref[...] = posr.reshape(_NW, _PPW)

    writ_end = starts + cnt
    tiles_incl = (starts + region) // _R
    te = jnp.zeros((1, _NT), jnp.int32)
    for e in range(_E):
        te = te + (io_t >= row(tiles_incl, e)).astype(jnp.int32)
    te = jnp.minimum(te, _E - 1)
    we_t = jnp.zeros((1, _NT), jnp.int32)
    for e in range(_E):
        we_t = we_t + jnp.where(te == e, 1, 0) * row(writ_end, e)
    nv_ref[...] = jnp.clip(we_t - io_t * _R, 0, _R).reshape(_NT)
    te_ref[...] = te.reshape(_NT)


def _sc_body(pos_hbm, meta_hbm, x_hbm, xs_hbm, ms_hbm,
             pos_v, meta_v, rows_v, sem, sem2):
    c = lax.axis_index("c")
    s = lax.axis_index("s")
    wid = s * 2 + c
    tok_base = pl.multiple_of((wid * _PPW) % _N, _PPW)
    pltpu.sync_copy(pos_hbm.at[wid], pos_v)
    pltpu.sync_copy(meta_hbm.at[pl.ds(wid * _PPW, _PPW)], meta_v)
    pltpu.sync_copy(x_hbm.at[pl.ds(tok_base, _PPW)], rows_v)
    pltpu.async_copy(rows_v, xs_hbm.at[pos_v], sem).wait()
    pltpu.async_copy(meta_v, ms_hbm.at[pos_v], sem2).wait()


def _sc_dispatch(pos2d, meta, x):
    fn = pl.kernel(
        _sc_body,
        out_type=[jax.ShapeDtypeStruct((_NP, _D), jnp.float32),
                  jax.ShapeDtypeStruct((_NP, _MW), jnp.float32)],
        mesh=plsc.VectorSubcoreMesh(core_axis_name="c", subcore_axis_name="s"),
        scratch_types=[
            pltpu.VMEM((_PPW,), jnp.int32),
            pltpu.VMEM((_PPW, _MW), jnp.float32),
            pltpu.VMEM((_PPW, _D), jnp.float32),
            pltpu.SemaphoreType.DMA,
            pltpu.SemaphoreType.DMA,
        ],
    )
    return fn(pos2d, meta, x)


def _mm_body(te_ref, nv_ref, xs_ref, ms_ref, w1_ref, b1_ref, w2_ref, b2_ref,
             imp_ref, loss_ref, lng_ref, lnb_ref, hw_ref, hb_ref, ty_ref,
             scores_ref, tot_ref, ploss_ref, ysum_ref, vacc_ref):
    s = pl.program_id(0)

    @pl.when(s == 0)
    def _init():
        ysum_ref[...] = jnp.zeros((1, _H), jnp.float32)
        vacc_ref[...] = jnp.zeros((1, _H), jnp.float32)

    nv = nv_ref[s]

    @pl.when(nv > 0)
    def _tile():
        rows = xs_ref[...]
        h = jax.nn.relu(
            jax.lax.dot_general(rows, w1_ref[0], (((1,), (1,)), ((), ())),
                                preferred_element_type=jnp.float32)
            + b1_ref[0])
        valid = jax.lax.broadcasted_iota(jnp.int32, (_R, 1), 0) < nv
        g = jnp.where(valid, ms_ref[:, 0:1], 0.0)
        h = jnp.where(valid, h, 0.0)
        hg = h * g
        k = _R // 2
        while k >= 8:
            hg = hg[:k] + hg[k:]
            k //= 2
        vacc_ref[...] += jnp.sum(hg, axis=0, keepdims=True)
        nxt = jnp.minimum(s + 1, _NT - 1)
        flush = ((s == _NT - 1) | (te_ref[nxt] != te_ref[s])
                 | (nv_ref[nxt] == 0))

        @pl.when(flush)
        def _flush():
            col = jnp.sum(w2_ref[0] * vacc_ref[...], axis=1, keepdims=True)
            ysum_ref[...] += col.reshape(1, _H)
            vacc_ref[...] = jnp.zeros((1, _H), jnp.float32)

    @pl.when(s == _NT - 1)
    def _final():
        mm = ysum_ref[...] + jax.lax.dot_general(
            imp_ref[...], b2_ref[...], (((0,), (0,)), ((), ())),
            precision=jax.lax.Precision.HIGHEST,
            preferred_element_type=jnp.float32)
        mu = jnp.sum(mm, keepdims=True) / _H
        var = jnp.sum((mm - mu) ** 2, keepdims=True) / _H
        fin = (mm - mu) / jnp.sqrt(var + 1e-5) * lng_ref[...] + lnb_ref[...]
        out = jnp.sum(fin * hw_ref[...], keepdims=True) + hb_ref[...]
        sc = jax.nn.sigmoid(out)
        scores_ref[...] = sc
        tot_ref[...] = loss_ref[...] * 0.01
        ploss_ref[...] = (sc - ty_ref[...]) ** 2


@jax.jit
def kernel(mm_embed, task_index, true_y, gate_W, gate_b, exp_W1, exp_b1,
           exp_W2, exp_b2, ln_g, ln_b, head_W, head_b):
    x = mm_embed.reshape(_N, _D)
    gwt = gate_W.reshape(_T * _E, _D)
    gb = gate_b.reshape(_T * _E, 1)
    ti = task_index.reshape(1, 1)
    ty = true_y.reshape(1, 1)

    full = lambda s: pl.BlockSpec(s, lambda *_: (0,) * len(s))

    gws = jax.lax.dynamic_index_in_dim(
        gate_W, task_index[0], axis=0, keepdims=False).reshape(_E, _D)
    gbs = jax.lax.dynamic_index_in_dim(
        gate_b, task_index[0], axis=0, keepdims=False).reshape(1, _E)

    pos2d, meta, loss, imp, te, nv = pl.pallas_call(
        _gate_body,
        in_specs=[full((_N, _D)), full((_T * _E, _D)), full((_T * _E, 1)),
                  full((_E, _D)), full((1, _E)), full((1, 1))],
        out_specs=[full((_NW, _PPW)), full((_NPAIR, _MW)), full((1, 1)),
                   full((_E, 1)), full((_NT,)), full((_NT,))],
        out_shape=[
            jax.ShapeDtypeStruct((_NW, _PPW), jnp.int32),
            jax.ShapeDtypeStruct((_NPAIR, _MW), jnp.float32),
            jax.ShapeDtypeStruct((1, 1), jnp.float32),
            jax.ShapeDtypeStruct((_E, 1), jnp.float32),
            jax.ShapeDtypeStruct((_NT,), jnp.int32),
            jax.ShapeDtypeStruct((_NT,), jnp.int32),
        ],
    )(x, gwt, gb, gws, gbs, ti)

    xs, ms = _sc_dispatch(pos2d, meta, x)

    def xs_map(s, te_r, nv_r):
        return (jnp.where(nv_r[s] > 0, s, 0), 0)

    def w_map(s, te_r, nv_r):
        return (te_r[s], 0, 0)

    fullp = lambda s: pl.BlockSpec(s, lambda i, te_r, nv_r: (0,) * len(s))

    scores, tot, ploss = pl.pallas_call(
        _mm_body,
        grid_spec=pltpu.PrefetchScalarGridSpec(
            num_scalar_prefetch=2,
            grid=(_NT,),
            in_specs=[
                pl.BlockSpec((_R, _D), xs_map),
                pl.BlockSpec((_R, _MW), xs_map),
                pl.BlockSpec((1, _H, _D), w_map),
                pl.BlockSpec((1, 1, _H), w_map),
                pl.BlockSpec((1, _D, _H), w_map),
                fullp((_E, _D)),
                fullp((_E, 1)),
                fullp((1, 1)),
                fullp((1, _H)),
                fullp((1, _H)),
                fullp((1, _H)),
                fullp((1, 1)),
                fullp((1, 1)),
            ],
            out_specs=[fullp((1, 1))] * 3,
            scratch_shapes=[pltpu.VMEM((1, _H), jnp.float32),
                            pltpu.VMEM((1, _H), jnp.float32)],
        ),
        out_shape=[jax.ShapeDtypeStruct((1, 1), jnp.float32)] * 3,
    )(te, nv,
      xs, ms, exp_W1, exp_b1.reshape(_E, 1, _H), exp_W2, exp_b2,
      imp, loss, ln_g.reshape(1, _H), ln_b.reshape(1, _H),
      head_W.reshape(1, _H), head_b.reshape(1, 1), ty)

    return (scores.astype(jnp.float32),
            tot.reshape(()).astype(jnp.float32),
            ploss.reshape(()).astype(jnp.float32))

# --- scband reference (transcript-rebuilt; emitter-appended) ---
"""Pipeline reference for scband-mmo-e-60112362275421 (READ-ONLY COPY).

The authoritative reference and input builder live on the scoring server;
editing this copy changes nothing except your own understanding.
"""

import jax, jax.numpy as jnp
import numpy as np

B, S, D = 1, 2048, 768
E, T, K, H = 16, 5, 2, 768


def _mlp(x, W1, b1, W2, b2):
    h = jax.nn.relu(x @ W1.T + b1)
    return h @ W2.T + b2


def _cv_squared(v):
    v = v.astype(jnp.float32)
    if v.shape[0] == 1:
        return jnp.float32(0.0)
    return jnp.var(v, ddof=1) / (jnp.mean(v) ** 2 + 1e-10)


def setup_inputs(seed: int = 0):
    key = jax.random.key(seed)
    ks = jax.random.split(key, 8)
    mm_embed = jax.random.normal(ks[0], (B, S, D), jnp.float32)
    task_index = jnp.zeros((1,), jnp.int32)
    true_y = jax.random.uniform(ks[1], (B, 1), jnp.float32)
    s = 1.0 / np.sqrt(D)
    sh = 1.0 / np.sqrt(H)
    gate_W = jax.random.uniform(ks[2], (T, E, D), jnp.float32, -s, s)
    gate_b = jnp.zeros((T, E), jnp.float32)
    exp_W1 = jax.random.uniform(ks[3], (E, H, D), jnp.float32, -s, s)
    exp_b1 = jnp.zeros((E, H), jnp.float32)
    exp_W2 = jax.random.uniform(ks[4], (E, D, H), jnp.float32, -sh, sh)
    exp_b2 = jnp.zeros((E, D), jnp.float32)
    ln_g = jnp.ones((H,), jnp.float32)
    ln_b = jnp.zeros((H,), jnp.float32)
    head_W = jax.random.uniform(ks[5], (1, H), jnp.float32, -sh, sh)
    head_b = jnp.zeros((1,), jnp.float32)
    return {"mm_embed": mm_embed, "task_index": task_index, "true_y": true_y,
            "gate_W": gate_W, "gate_b": gate_b, "exp_W1": exp_W1, "exp_b1": exp_b1,
            "exp_W2": exp_W2, "exp_b2": exp_b2, "ln_g": ln_g, "ln_b": ln_b,
            "head_W": head_W, "head_b": head_b}


def reference(mm_embed, task_index, true_y, gate_W, gate_b, exp_W1, exp_b1,
              exp_W2, exp_b2, ln_g, ln_b, head_W, head_b):
    # criterion is a callable in the torch module; we use MSE here.
    x = mm_embed.reshape(-1, mm_embed.shape[2])
    N = x.shape[0]
    rows = jnp.arange(N)
    outputs = []
    total_loss = jnp.float32(0.0)
    for t in range(T):
        # noisy_top_k_gating with noisy_gating=False (eval path)
        logits = x @ gate_W[t].T + gate_b[t]
        top_l, top_i = jax.lax.top_k(logits, min(K + 1, E))
        tk_l = top_l[:, :K]
        tk_i = top_i[:, :K]
        tk_g = jax.nn.softmax(tk_l, axis=1)
        gates = jnp.zeros_like(logits).at[rows[:, None], tk_i].set(tk_g)
        importance = gates.sum(0)
        load = (gates > 0).sum(0)
        total_loss = total_loss + _cv_squared(importance) + _cv_squared(load)
        # SparseDispatcher: dispatch tokens to experts, combine via scatter-add
        y = jnp.zeros((N, exp_W2.shape[1]), jnp.float32)
        for e in range(E):
            mask_e = gates[:, e] > 0
            out_e = _mlp(x, exp_W1[e], exp_b1[e], exp_W2[e], exp_b2[e])
            y = y + jnp.where(mask_e[:, None],
                              out_e * gates[:, e][:, None],
                              jnp.float32(0.0))
        outputs.append(y)
    total_loss = total_loss * 0.01
    output = jnp.stack(outputs)
    tmp = output[task_index[0]]
    mm_moe = tmp.reshape(mm_embed.shape).sum(axis=1)
    mu = mm_moe.mean(-1, keepdims=True)
    var = mm_moe.var(-1, keepdims=True)
    final = (mm_moe - mu) / jnp.sqrt(var + 1e-5) * ln_g + ln_b
    # task 0 -> mortality head + sigmoid
    out = final @ head_W.T + head_b
    scores = jax.nn.sigmoid(out)
    pred_loss = jnp.mean((scores - true_y) ** 2)
    return scores, total_loss, pred_loss

if __name__ == "__main__":
    import jax
    _d = setup_inputs()
    print(jax.jit(kernel)(*tuple(_d.values())))

</pallas_src>

<mosaic_0001>
#map = affine_map<(d0, d1) -> (0, 0)>
module attributes {stable_mosaic.version = 14 : i64} {
  func.func @_sc_body(%arg0: i32, %arg1: i32, %arg2: memref<32x128xi32, #tpu.memory_space<hbm>>, %arg3: memref<4096x128xf32, #tpu.memory_space<hbm>>, %arg4: memref<2048x768xf32, #tpu.memory_space<hbm>>, %arg5: memref<8192x768xf32, #tpu.memory_space<hbm>>, %arg6: memref<8192x128xf32, #tpu.memory_space<hbm>>, %arg7: memref<128xi32, #tpu.memory_space<vmem>>, %arg8: memref<128x128xf32, #tpu.memory_space<vmem>>, %arg9: memref<128x768xf32, #tpu.memory_space<vmem>>, %arg10: memref<!tpu.dma_semaphore, #tpu.memory_space<semaphore_mem>>, %arg11: memref<!tpu.dma_semaphore, #tpu.memory_space<semaphore_mem>>) attributes {dimension_semantics = [#tpu.dimension_semantics<core_parallel>, #tpu.dimension_semantics<subcore_parallel>], iteration_bounds = array<i64: 2, 16>, scalar_prefetch = 0 : i64, scratch_operands = 5 : i64, tpu.core_type = #tpu.core_type<sc_vector_subcore>, window_params = [{transform_indices = #map}, {transform_indices = #map}, {transform_indices = #map}, {transform_indices = #map}, {transform_indices = #map}]} {
    %mul3A = arith.constant 2 : i32
    %mul3A_0 = arith.muli %arg1, %mul3A : i32
    %add3A = arith.addi %mul3A_0, %arg0 : i32
    %mul3A_1 = arith.constant 128 : i32
    %mul3A_2 = arith.muli %add3A, %mul3A_1 : i32
    %jit3A = arith.constant 2048 : i32
    %eq3A = arith.constant 0 : i32
    %eq3A_3 = arith.cmpi eq, %jit3A, %eq3A : i32
    %jit3A_4 = arith.constant 1 : i32
    %select_n3A = arith.select %eq3A_3, %jit3A_4, %jit3A : i32
    %rem3A = arith.remsi %mul3A_2, %select_n3A : i32
    %ne3A = arith.constant 0 : i32
    %ne3A_5 = arith.cmpi ne, %rem3A, %ne3A : i32
    %lt3A = arith.constant 0 : i32
    %lt3A_6 = arith.cmpi slt, %rem3A, %lt3A : i32
    %lt3A_7 = arith.constant 0 : i32
    %lt3A_8 = arith.cmpi slt, %select_n3A, %lt3A_7 : i32
    %ne3A_9 = arith.xori %lt3A_6, %lt3A_8 : i1
    %and3A = arith.andi %ne3A_9, %ne3A_5 : i1
    %add3A_10 = arith.addi %rem3A, %select_n3A : i32
    %select_n3A_11 = arith.select %and3A, %add3A_10, %rem3A : i32
    %multiple_of3A = tpu.assume_multiple %select_n3A_11, 128 : i32
    "tpu.region"() ({
      %run_scoped3A = tpu.sem_alloc : memref<!tpu.dma_semaphore, #tpu.memory_space<semaphore_mem>>
      %dma_start3A_24 = arith.constant 0 : i32
      %dma_start3A_25 = tpu.memref_slice %arg2[%add3A, %dma_start3A_24] : memref<32x128xi32, #tpu.memory_space<hbm>> -> memref<1x128xi32, #tpu.memory_space<hbm>>
      %dma_start3A_26 = tpu.memref_squeeze %dma_start3A_25 : memref<1x128xi32, #tpu.memory_space<hbm>> -> memref<128xi32, #tpu.memory_space<hbm>>
      %dma_start3A_27 = arith.constant 0 : i32
      %dma_start3A_28 = tpu.memref_slice %arg2[%add3A, %dma_start3A_27] : memref<32x128xi32, #tpu.memory_space<hbm>> -> memref<1x128xi32, #tpu.memory_space<hbm>>
      %dma_start3A_29 = tpu.memref_squeeze %dma_start3A_28 : memref<1x128xi32, #tpu.memory_space<hbm>> -> memref<128xi32, #tpu.memory_space<hbm>>
      tpu.enqueue_dma source(%dma_start3A_29 : memref<128xi32, #tpu.memory_space<hbm>>) target(%arg7 : memref<128xi32, #tpu.memory_space<vmem>>) target_semaphore(%run_scoped3A : memref<!tpu.dma_semaphore, #tpu.memory_space<semaphore_mem>>)
      %dma_wait3A_30 = arith.constant 0 : i32
      %dma_wait3A_31 = tpu.memref_slice %arg2[%add3A, %dma_wait3A_30] : memref<32x128xi32, #tpu.memory_space<hbm>> -> memref<1x128xi32, #tpu.memory_space<hbm>>
      %dma_wait3A_32 = tpu.memref_squeeze %dma_wait3A_31 : memref<1x128xi32, #tpu.memory_space<hbm>> -> memref<128xi32, #tpu.memory_space<hbm>>
      %dma_wait3A_33 = arith.constant 0 : i32
      %dma_wait3A_34 = tpu.memref_slice %arg2[%add3A, %dma_wait3A_33] : memref<32x128xi32, #tpu.memory_space<hbm>> -> memref<1x128xi32, #tpu.memory_space<hbm>>
      %dma_wait3A_35 = tpu.memref_squeeze %dma_wait3A_34 : memref<1x128xi32, #tpu.memory_space<hbm>> -> memref<128xi32, #tpu.memory_space<hbm>>
      tpu.wait_dma2 semaphore(%run_scoped3A : memref<!tpu.dma_semaphore, #tpu.memory_space<semaphore_mem>>) src(%dma_wait3A_35 : memref<128xi32, #tpu.memory_space<hbm>>) dst(%arg7 : memref<128xi32, #tpu.memory_space<vmem>>)
      tpu.yield
    }) : () -> ()
    %mul3A_12 = arith.constant 128 : i32
    %mul3A_13 = arith.muli %add3A, %mul3A_12 : i32
    "tpu.region"() ({
      %run_scoped3A = tpu.sem_alloc : memref<!tpu.dma_semaphore, #tpu.memory_space<semaphore_mem>>
      %dma_start3A_24 = arith.constant 0 : i32
      %dma_start3A_25 = tpu.memref_slice %arg3[%mul3A_13, %dma_start3A_24] : memref<4096x128xf32, #tpu.memory_space<hbm>> -> memref<128x128xf32, #tpu.memory_space<hbm>>
      %dma_start3A_26 = arith.constant 0 : i32
      %dma_start3A_27 = tpu.memref_slice %arg3[%mul3A_13, %dma_start3A_26] : memref<4096x128xf32, #tpu.memory_space<hbm>> -> memref<128x128xf32, #tpu.memory_space<hbm>>
      tpu.enqueue_dma source(%dma_start3A_27 : memref<128x128xf32, #tpu.memory_space<hbm>>) target(%arg8 : memref<128x128xf32, #tpu.memory_space<vmem>>) target_semaphore(%run_scoped3A : memref<!tpu.dma_semaphore, #tpu.memory_space<semaphore_mem>>)
      %dma_wait3A_28 = arith.constant 0 : i32
      %dma_wait3A_29 = tpu.memref_slice %arg3[%mul3A_13, %dma_wait3A_28] : memref<4096x128xf32, #tpu.memory_space<hbm>> -> memref<128x128xf32, #tpu.memory_space<hbm>>
      %dma_wait3A_30 = arith.constant 0 : i32
      %dma_wait3A_31 = tpu.memref_slice %arg3[%mul3A_13, %dma_wait3A_30] : memref<4096x128xf32, #tpu.memory_space<hbm>> -> memref<128x128xf32, #tpu.memory_space<hbm>>
      tpu.wait_dma2 semaphore(%run_scoped3A : memref<!tpu.dma_semaphore, #tpu.memory_space<semaphore_mem>>) src(%dma_wait3A_31 : memref<128x128xf32, #tpu.memory_space<hbm>>) dst(%arg8 : memref<128x128xf32, #tpu.memory_space<vmem>>)
      tpu.yield
    }) : () -> ()
    "tpu.region"() ({
      %run_scoped3A = tpu.sem_alloc : memref<!tpu.dma_semaphore, #tpu.memory_space<semaphore_mem>>
      %dma_start3A_24 = arith.constant 0 : i32
      %dma_start3A_25 = tpu.memref_slice %arg4[%multiple_of3A, %dma_start3A_24] : memref<2048x768xf32, #tpu.memory_space<hbm>> -> memref<128x768xf32, #tpu.memory_space<hbm>>
      %dma_start3A_26 = arith.constant 0 : i32
      %dma_start3A_27 = tpu.memref_slice %arg4[%multiple_of3A, %dma_start3A_26] : memref<2048x768xf32, #tpu.memory_space<hbm>> -> memref<128x768xf32, #tpu.memory_space<hbm>>
      tpu.enqueue_dma source(%dma_start3A_27 : memref<128x768xf32, #tpu.memory_space<hbm>>) target(%arg9 : memref<128x768xf32, #tpu.memory_space<vmem>>) target_semaphore(%run_scoped3A : memref<!tpu.dma_semaphore, #tpu.memory_space<semaphore_mem>>)
      %dma_wait3A_28 = arith.constant 0 : i32
      %dma_wait3A_29 = tpu.memref_slice %arg4[%multiple_of3A, %dma_wait3A_28] : memref<2048x768xf32, #tpu.memory_space<hbm>> -> memref<128x768xf32, #tpu.memory_space<hbm>>
      %dma_wait3A_30 = arith.constant 0 : i32
      %dma_wait3A_31 = tpu.memref_slice %arg4[%multiple_of3A, %dma_wait3A_30] : memref<2048x768xf32, #tpu.memory_space<hbm>> -> memref<128x768xf32, #tpu.memory_space<hbm>>
      tpu.wait_dma2 semaphore(%run_scoped3A : memref<!tpu.dma_semaphore, #tpu.memory_space<semaphore_mem>>) src(%dma_wait3A_31 : memref<128x768xf32, #tpu.memory_space<hbm>>) dst(%arg9 : memref<128x768xf32, #tpu.memory_space<vmem>>)
      tpu.yield
    }) : () -> ()
    %dma_start3A = arith.constant 0 : i32
    %dma_start3A_14 = arith.constant 0 : i32
    %dma_start3A_15 = tpu.memref_slice %arg5[%dma_start3A, %dma_start3A_14] : memref<8192x768xf32, #tpu.memory_space<hbm>> -> memref<8192x768xf32, #tpu.memory_space<hbm>>
    tpu.enqueue_indirect_dma source(%arg9 : memref<128x768xf32, #tpu.memory_space<vmem>>) target(%dma_start3A_15 : memref<8192x768xf32, #tpu.memory_space<hbm>>) offsets(%arg7 : memref<128xi32, #tpu.memory_space<vmem>>) semaphore(%arg10 : memref<!tpu.dma_semaphore, #tpu.memory_space<semaphore_mem>>)
    %dma_wait3A = arith.constant 0 : i32
    %dma_wait3A_16 = arith.constant 0 : i32
    %dma_wait3A_17 = tpu.memref_slice %arg5[%dma_wait3A, %dma_wait3A_16] : memref<8192x768xf32, #tpu.memory_space<hbm>> -> memref<8192x768xf32, #tpu.memory_space<hbm>>
    tpu.wait_indirect_dma semaphore(%arg10 : memref<!tpu.dma_semaphore, #tpu.memory_space<semaphore_mem>>) src(%arg9 : memref<128x768xf32, #tpu.memory_space<vmem>>) dst(%dma_wait3A_17 : memref<8192x768xf32, #tpu.memory_space<hbm>>)
    %dma_start3A_18 = arith.constant 0 : i32
    %dma_start3A_19 = arith.constant 0 : i32
    %dma_start3A_20 = tpu.memref_slice %arg6[%dma_start3A_18, %dma_start3A_19] : memref<8192x128xf32, #tpu.memory_space<hbm>> -> memref<8192x128xf32, #tpu.memory_space<hbm>>
    tpu.enqueue_indirect_dma source(%arg8 : memref<128x128xf32, #tpu.memory_space<vmem>>) target(%dma_start3A_20 : memref<8192x128xf32, #tpu.memory_space<hbm>>) offsets(%arg7 : memref<128xi32, #tpu.memory_space<vmem>>) semaphore(%arg11 : memref<!tpu.dma_semaphore, #tpu.memory_space<semaphore_mem>>)
    %dma_wait3A_21 = arith.constant 0 : i32
    %dma_wait3A_22 = arith.constant 0 : i32
    %dma_wait3A_23 = tpu.memref_slice %arg6[%dma_wait3A_21, %dma_wait3A_22] : memref<8192x128xf32, #tpu.memory_space<hbm>> -> memref<8192x128xf32, #tpu.memory_space<hbm>>
    tpu.wait_indirect_dma semaphore(%arg11 : memref<!tpu.dma_semaphore, #tpu.memory_space<semaphore_mem>>) src(%arg8 : memref<128x128xf32, #tpu.memory_space<vmem>>) dst(%dma_wait3A_23 : memref<8192x128xf32, #tpu.memory_space<hbm>>)
    return
  }
}

module attributes {stable_mosaic.version = 14 : i64} {
  func.func @_gate_body(%arg0: memref<2048x768xf32, #tpu.memory_space<vmem>>, %arg1: memref<80x768xf32, #tpu.memory_space<vmem>>, %arg2: memref<80x1xf32, #tpu.memory_space<vmem>>, %arg3: memref<16x768xf32, #tpu.memory_space<vmem>>, %arg4: memref<1x16xf32, #tpu.memory_space<vmem>>, %arg5: memref<1x1xi32, #tpu.memory_space<vmem>>, %arg6: memref<32x128xi32, #tpu.memory_space<vmem>>, %arg7: memref<4096x128xf32, #tpu.memory_space<vmem>>, %arg8: memref<1x1xf32, #tpu.memory_space<vmem>>, %arg9: memref<16x1xf32, #tpu.memory_space<vmem>>, %arg10: memref<32xi32, #tpu.memory_space<vmem>>, %arg11: memref<32xi32, #tpu.memory_space<vmem>>) attributes {dimension_semantics = [], scalar_prefetch = 0 : i64, scratch_operands = 0 : i64, tpu.core_type = #tpu.core_type<tc>} {
    %get3A = arith.constant 0 : index
    %get3A_0 = arith.constant 0 : index
    %get3A_1 = vector.load %arg1[%get3A, %get3A_0] : memref<80x768xf32, #tpu.memory_space<vmem>>, vector<80x768xf32>
    %get3A_2 = arith.constant 0 : index
    %get3A_3 = arith.constant 0 : index
    %get3A_4 = vector.load %arg0[%get3A_2, %get3A_3] : memref<2048x768xf32, #tpu.memory_space<vmem>>, vector<2048x768xf32>
    %dot_general3A = arith.constant dense<0.000000e+00> : vector<80x2048xf32>
    %dot_general3A_5 = tpu.matmul %get3A_1, %get3A_4, %dot_general3A {dimension_numbers = #tpu.dot_dimension_numbers<[1], [1], [0], [0], [0, 0, 1, 0], [], []>, transpose_lhs_hint = false} : vector<80x768xf32>, vector<2048x768xf32>, vector<80x2048xf32> -> vector<80x2048xf32>
    %get3A_6 = arith.constant 0 : index
    %get3A_7 = arith.constant 0 : index
    %get3A_8 = vector.load %arg2[%get3A_6, %get3A_7] : memref<80x1xf32, #tpu.memory_space<vmem>>, vector<80x1xf32>
    %add3A = vector.broadcast %get3A_8 : vector<80x1xf32> to vector<80x2048xf32>
    %add3A_9 = arith.addf %dot_general3A_5, %add3A : vector<80x2048xf32>
    %get3A_10 = arith.constant 0 : index
    %get3A_11 = arith.constant 0 : index
    %get3A_12 = vector.load %arg5[%get3A_10, %get3A_11] : memref<1x1xi32, #tpu.memory_space<vmem>>, vector<1x1xi32>
    %iota3A = tpu.iota {dimensions = array<i32: 0>} : vector<16x2048xi32>
    %broadcast_in_dim3A = arith.constant 0.000000e+00 : f32
    %broadcast_in_dim3A_13 = vector.broadcast %broadcast_in_dim3A : f32 to vector<1x1xf32>
    %broadcast_in_dim3A_14 = arith.constant 0 : i32
    %broadcast_in_dim3A_15 = vector.broadcast %broadcast_in_dim3A_14 : i32 to vector<1x2048xi32>
    %broadcast_in_dim3A_16 = arith.constant 0 : i32
    %broadcast_in_dim3A_17 = vector.broadcast %broadcast_in_dim3A_16 : i32 to vector<1x2048xi32>
    %broadcast_in_dim3A_18 = arith.constant 0.000000e+00 : f32
    %broadcast_in_dim3A_19 = vector.broadcast %broadcast_in_dim3A_18 : f32 to vector<16x1xf32>
    %slice3A = vector.extract_strided_slice %add3A_9 {offsets = [0, 0], sizes = [16, 2048], strides = [1, 1]} : vector<80x2048xf32> to vector<16x2048xf32>
    %reduce_max3A = arith.constant dense<0xFF800000> : vector<2048xf32>
    %reduce_max3A_20 = vector.multi_reduction <maximumf>, %slice3A, %reduce_max3A [0] : vector<16x2048xf32> to vector<2048xf32>
    %broadcast_in_dim3A_21 = vector.shape_cast %reduce_max3A_20 : vector<2048xf32> to vector<1x2048xf32>
    %eq3A = vector.broadcast %broadcast_in_dim3A_21 : vector<1x2048xf32> to vector<16x2048xf32>
    %eq3A_22 = arith.cmpf oeq, %slice3A, %eq3A : vector<16x2048xf32>
    %jit3A = arith.constant 16 : i32
    %broadcast_in_dim3A_23 = vector.broadcast %jit3A : i32 to vector<16x2048xi32>
    %select_n3A = arith.select %eq3A_22, %iota3A, %broadcast_in_dim3A_23 : vector<16x2048xi1>, vector<16x2048xi32>
    %reduce_min3A = arith.constant dense<2147483647> : vector<2048xi32>
    %reduce_min3A_24 = vector.multi_reduction <minsi>, %select_n3A, %reduce_min3A [0] : vector<16x2048xi32> to vector<2048xi32>
    %broadcast_in_dim3A_25 = vector.shape_cast %reduce_min3A_24 : vector<2048xi32> to vector<1x2048xi32>
    %eq3A_26 = vector.broadcast %broadcast_in_dim3A_25 : vector<1x2048xi32> to vector<16x2048xi32>
    %eq3A_27 = arith.cmpi eq, %iota3A, %eq3A_26 : vector<16x2048xi32>
    %jit3A_28 = arith.constant 0xFF800000 : f32
    %broadcast_in_dim3A_29 = vector.broadcast %jit3A_28 : f32 to vector<16x2048xf32>
    %select_n3A_30 = arith.select %eq3A_27, %broadcast_in_dim3A_29, %slice3A : vector<16x2048xi1>, vector<16x2048xf32>
    %reduce_max3A_31 = arith.constant dense<0xFF800000> : vector<2048xf32>
    %reduce_max3A_32 = vector.multi_reduction <maximumf>, %select_n3A_30, %reduce_max3A_31 [0] : vector<16x2048xf32> to vector<2048xf32>
    %broadcast_in_dim3A_33 = vector.shape_cast %reduce_max3A_32 : vector<2048xf32> to vector<1x2048xf32>
    %eq3A_34 = vector.broadcast %broadcast_in_dim3A_33 : vector<1x2048xf32> to vector<16x2048xf32>
    %eq3A_35 = arith.cmpf oeq, %select_n3A_30, %eq3A_34 : vector<16x2048xf32>
    %jit3A_36 = arith.constant 16 : i32
    %broadcast_in_dim3A_37 = vector.broadcast %jit3A_36 : i32 to vector<16x2048xi32>
    %select_n3A_38 = arith.select %eq3A_35, %iota3A, %broadcast_in_dim3A_37 : vector<16x2048xi1>, vector<16x2048xi32>
    %reduce_min3A_39 = arith.constant dense<2147483647> : vector<2048xi32>
    %reduce_min3A_40 = vector.multi_reduction <minsi>, %select_n3A_38, %reduce_min3A_39 [0] : vector<16x2048xi32> to vector<2048xi32>
    %broadcast_in_dim3A_41 = vector.shape_cast %reduce_min3A_40 : vector<2048xi32> to vector<1x2048xi32>
    %sub3A = arith.subf %broadcast_in_dim3A_21, %broadcast_in_dim3A_33 : vector<1x2048xf32>
    %logistic3A = arith.negf %sub3A : vector<1x2048xf32>
    %logistic3A_42 = math.exp %logistic3A : vector<1x2048xf32>
    %logistic3A_43 = arith.constant 1.000000e+00 : f32
    %logistic3A_44 = vector.broadcast %logistic3A_43 : f32 to vector<1x2048xf32>
    %logistic3A_45 = arith.addf %logistic3A_44, %logistic3A_42 : vector<1x2048xf32>
    %logistic3A_46 = arith.divf %logistic3A_44, %logistic3A_45 : vector<1x2048xf32>
    %sub3A_47 = arith.subf %broadcast_in_dim3A_33, %broadcast_in_dim3A_21 : vector<1x2048xf32>
    %logistic3A_48 = arith.negf %sub3A_47 : vector<1x2048xf32>
    %logistic3A_49 = math.exp %logistic3A_48 : vector<1x2048xf32>
    %logistic3A_50 = arith.constant 1.000000e+00 : f32
    %logistic3A_51 = vector.broadcast %logistic3A_50 : f32 to vector<1x2048xf32>
    %logistic3A_52 = arith.addf %logistic3A_51, %logistic3A_49 : vector<1x2048xf32>
    %logistic3A_53 = arith.divf %logistic3A_51, %logistic3A_52 : vector<1x2048xf32>
    %eq3A_54 = vector.broadcast %broadcast_in_dim3A_25 : vector<1x2048xi32> to vector<16x2048xi32>
    %eq3A_55 = arith.cmpi eq, %iota3A, %eq3A_54 : vector<16x2048xi32>
    %jit3A_56 = arith.constant 0.000000e+00 : f32
    %broadcast_in_dim3A_57 = vector.shape_cast %logistic3A_46 : vector<1x2048xf32> to vector<1x2048xf32>
    %broadcast_in_dim3A_58 = vector.broadcast %broadcast_in_dim3A_57 : vector<1x2048xf32> to vector<16x2048xf32>
    %broadcast_in_dim3A_59 = vector.broadcast %jit3A_56 : f32 to vector<16x2048xf32>
    %select_n3A_60 = arith.select %eq3A_55, %broadcast_in_dim3A_58, %broadcast_in_dim3A_59 : vector<16x2048xi1>, vector<16x2048xf32>
    %eq3A_61 = vector.broadcast %broadcast_in_dim3A_41 : vector<1x2048xi32> to vector<16x2048xi32>
    %eq3A_62 = arith.cmpi eq, %iota3A, %eq3A_61 : vector<16x2048xi32>
    %jit3A_63 = arith.constant 0.000000e+00 : f32
    %broadcast_in_dim3A_64 = vector.shape_cast %logistic3A_53 : vector<1x2048xf32> to vector<1x2048xf32>
    %broadcast_in_dim3A_65 = vector.broadcast %broadcast_in_dim3A_64 : vector<1x2048xf32> to vector<16x2048xf32>
    %broadcast_in_dim3A_66 = vector.broadcast %jit3A_63 : f32 to vector<16x2048xf32>
    %select_n3A_67 = arith.select %eq3A_62, %broadcast_in_dim3A_65, %broadcast_in_dim3A_66 : vector<16x2048xi1>, vector<16x2048xf32>
    %add3A_68 = arith.addf %select_n3A_60, %select_n3A_67 : vector<16x2048xf32>
    %reduce_sum3A = arith.constant dense<0.000000e+00> : vector<16xf32>
    %reduce_sum3A_69 = vector.multi_reduction <add>, %add3A_68, %reduce_sum3A [1] : vector<16x2048xf32> to vector<16xf32>
    %broadcast_in_dim3A_70 = vector.shape_cast %reduce_sum3A_69 : vector<16xf32> to vector<16x1xf32>
    %gt3A = arith.constant 0.000000e+00 : f32
    %gt3A_71 = vector.broadcast %gt3A : f32 to vector<16x2048xf32>
    %gt3A_72 = arith.cmpf ogt, %add3A_68, %gt3A_71 : vector<16x2048xf32>
    %convert_element_type3A = arith.extui %gt3A_72 : vector<16x2048xi1> to vector<16x2048xi32>
    %convert_element_type3A_73 = arith.sitofp %convert_element_type3A : vector<16x2048xi32> to vector<16x2048xf32>
    %reduce_sum3A_74 = arith.constant dense<0.000000e+00> : vector<16xf32>
    %reduce_sum3A_75 = vector.multi_reduction <add>, %convert_element_type3A_73, %reduce_sum3A_74 [1] : vector<16x2048xf32> to vector<16xf32>
    %broadcast_in_dim3A_76 = vector.shape_cast %reduce_sum3A_75 : vector<16xf32> to vector<16x1xf32>
    %reduce_sum3A_77 = arith.constant dense<0.000000e+00> : vector<1xf32>
    %reduce_sum3A_78 = vector.multi_reduction <add>, %broadcast_in_dim3A_70, %reduce_sum3A_77 [0] : vector<16x1xf32> to vector<1xf32>
    %broadcast_in_dim3A_79 = vector.shape_cast %reduce_sum3A_78 : vector<1xf32> to vector<1x1xf32>
    %div3A = arith.constant 1.600000e+01 : f32
    %div3A_80 = vector.broadcast %div3A : f32 to vector<1x1xf32>
    %div3A_81 = arith.divf %broadcast_in_dim3A_79, %div3A_80 : vector<1x1xf32>
    %sub3A_82 = vector.broadcast %div3A_81 : vector<1x1xf32> to vector<16x1xf32>
    %sub3A_83 = arith.subf %broadcast_in_dim3A_70, %sub3A_82 : vector<16x1xf32>
    %integer_pow3A = arith.mulf %sub3A_83, %sub3A_83 : vector<16x1xf32>
    %reduce_sum3A_84 = arith.constant dense<0.000000e+00> : vector<1xf32>
    %reduce_sum3A_85 = vector.multi_reduction <add>, %integer_pow3A, %reduce_sum3A_84 [0] : vector<16x1xf32> to vector<1xf32>
    %broadcast_in_dim3A_86 = vector.shape_cast %reduce_sum3A_85 : vector<1xf32> to vector<1x1xf32>
    %div3A_87 = arith.constant 1.500000e+01 : f32
    %div3A_88 = vector.broadcast %div3A_87 : f32 to vector<1x1xf32>
    %div3A_89 = arith.divf %broadcast_in_dim3A_86, %div3A_88 : vector<1x1xf32>
    %mul3A = arith.mulf %div3A_81, %div3A_81 : vector<1x1xf32>
    %add3A_90 = arith.constant 1.000000e-10 : f32
    %add3A_91 = vector.broadcast %add3A_90 : f32 to vector<1x1xf32>
    %add3A_92 = arith.addf %mul3A, %add3A_91 : vector<1x1xf32>
    %div3A_93 = arith.divf %div3A_89, %add3A_92 : vector<1x1xf32>
    %add3A_94 = arith.addf %broadcast_in_dim3A_13, %div3A_93 : vector<1x1xf32>
    %reduce_sum3A_95 = arith.constant dense<0.000000e+00> : vector<1xf32>
    %reduce_sum3A_96 = vector.multi_reduction <add>, %broadcast_in_dim3A_76, %reduce_sum3A_95 [0] : vector<16x1xf32> to vector<1xf32>
    %broadcast_in_dim3A_97 = vector.shape_cast %reduce_sum3A_96 : vector<1xf32> to vector<1x1xf32>
    %div3A_98 = arith.constant 1.600000e+01 : f32
    %div3A_99 = vector.broadcast %div3A_98 : f32 to vector<1x1xf32>
    %div3A_100 = arith.divf %broadcast_in_dim3A_97, %div3A_99 : vector<1x1xf32>
    %sub3A_101 = vector.broadcast %div3A_100 : vector<1x1xf32> to vector<16x1xf32>
    %sub3A_102 = arith.subf %broadcast_in_dim3A_76, %sub3A_101 : vector<16x1xf32>
    %integer_pow3A_103 = arith.mulf %sub3A_102, %sub3A_102 : vector<16x1xf32>
    %reduce_sum3A_104 = arith.constant dense<0.000000e+00> : vector<1xf32>
    %reduce_sum3A_105 = vector.multi_reduction <add>, %integer_pow3A_103, %reduce_sum3A_104 [0] : vector<16x1xf32> to vector<1xf32>
    %broadcast_in_dim3A_106 = vector.shape_cast %reduce_sum3A_105 : vector<1xf32> to vector<1x1xf32>
    %div3A_107 = arith.constant 1.500000e+01 : f32
    %div3A_108 = vector.broadcast %div3A_107 : f32 to vector<1x1xf32>
    %div3A_109 = arith.divf %broadcast_in_dim3A_106, %div3A_108 : vector<1x1xf32>
    %mul3A_110 = arith.mulf %div3A_100, %div3A_100 : vector<1x1xf32>
    %add3A_111 = arith.constant 1.000000e-10 : f32
    %add3A_112 = vector.broadcast %add3A_111 : f32 to vector<1x1xf32>
    %add3A_113 = arith.addf %mul3A_110, %add3A_112 : vector<1x1xf32>
    %div3A_114 = arith.divf %div3A_109, %add3A_113 : vector<1x1xf32>
    %add3A_115 = arith.addf %add3A_94, %div3A_114 : vector<1x1xf32>
    %eq3A_116 = arith.constant 0 : i32
    %eq3A_117 = vector.broadcast %eq3A_116 : i32 to vector<1x1xi32>
    %eq3A_118 = arith.cmpi eq, %get3A_12, %eq3A_117 : vector<1x1xi32>
    %broadcast_in_dim3A_119 = vector.shape_cast %eq3A_118 : vector<1x1xi1> to vector<1x1xi1>
    %broadcast_in_dim3A_120 = vector.broadcast %broadcast_in_dim3A_119 : vector<1x1xi1> to vector<1x2048xi1>
    %select_n3A_121 = arith.select %broadcast_in_dim3A_120, %broadcast_in_dim3A_25, %broadcast_in_dim3A_15 : vector<1x2048xi1>, vector<1x2048xi32>
    %broadcast_in_dim3A_122 = vector.shape_cast %eq3A_118 : vector<1x1xi1> to vector<1x1xi1>
    %broadcast_in_dim3A_123 = vector.broadcast %broadcast_in_dim3A_122 : vector<1x1xi1> to vector<1x2048xi1>
    %select_n3A_124 = arith.select %broadcast_in_dim3A_123, %broadcast_in_dim3A_41, %broadcast_in_dim3A_17 : vector<1x2048xi1>, vector<1x2048xi32>
    %broadcast_in_dim3A_125 = vector.shape_cast %eq3A_118 : vector<1x1xi1> to vector<1x1xi1>
    %broadcast_in_dim3A_126 = vector.broadcast %broadcast_in_dim3A_125 : vector<1x1xi1> to vector<16x1xi1>
    %select_n3A_127 = arith.select %broadcast_in_dim3A_126, %broadcast_in_dim3A_70, %broadcast_in_dim3A_19 : vector<16x1xi1>, vector<16x1xf32>
    %slice3A_128 = vector.extract_strided_slice %add3A_9 {offsets = [16, 0], sizes = [16, 2048], strides = [1, 1]} : vector<80x2048xf32> to vector<16x2048xf32>
    %reduce_max3A_129 = arith.constant dense<0xFF800000> : vector<2048xf32>
    %reduce_max3A_130 = vector.multi_reduction <maximumf>, %slice3A_128, %reduce_max3A_129 [0] : vector<16x2048xf32> to vector<2048xf32>
    %broadcast_in_dim3A_131 = vector.shape_cast %reduce_max3A_130 : vector<2048xf32> to vector<1x2048xf32>
    %eq3A_132 = vector.broadcast %broadcast_in_dim3A_131 : vector<1x2048xf32> to vector<16x2048xf32>
    %eq3A_133 = arith.cmpf oeq, %slice3A_128, %eq3A_132 : vector<16x2048xf32>
    %jit3A_134 = arith.constant 16 : i32
    %broadcast_in_dim3A_135 = vector.broadcast %jit3A_134 : i32 to vector<16x2048xi32>
    %select_n3A_136 = arith.select %eq3A_133, %iota3A, %broadcast_in_dim3A_135 : vector<16x2048xi1>, vector<16x2048xi32>
    %reduce_min3A_137 = arith.constant dense<2147483647> : vector<2048xi32>
    %reduce_min3A_138 = vector.multi_reduction <minsi>, %select_n3A_136, %reduce_min3A_137 [0] : vector<16x2048xi32> to vector<2048xi32>
    %broadcast_in_dim3A_139 = vector.shape_cast %reduce_min3A_138 : vector<2048xi32> to vector<1x2048xi32>
    %eq3A_140 = vector.broadcast %broadcast_in_dim3A_139 : vector<1x2048xi32> to vector<16x2048xi32>
    %eq3A_141 = arith.cmpi eq, %iota3A, %eq3A_140 : vector<16x2048xi32>
    %jit3A_142 = arith.constant 0xFF800000 : f32
    %broadcast_in_dim3A_143 = vector.broadcast %jit3A_142 : f32 to vector<16x2048xf32>
    %select_n3A_144 = arith.select %eq3A_141, %broadcast_in_dim3A_143, %slice3A_128 : vector<16x2048xi1>, vector<16x2048xf32>
    %reduce_max3A_145 = arith.constant dense<0xFF800000> : vector<2048xf32>
    %reduce_max3A_146 = vector.multi_reduction <maximumf>, %select_n3A_144, %reduce_max3A_145 [0] : vector<16x2048xf32> to vector<2048xf32>
    %broadcast_in_dim3A_147 = vector.shape_cast %reduce_max3A_146 : vector<2048xf32> to vector<1x2048xf32>
    %eq3A_148 = vector.broadcast %broadcast_in_dim3A_147 : vector<1x2048xf32> to vector<16x2048xf32>
    %eq3A_149 = arith.cmpf oeq, %select_n3A_144, %eq3A_148 : vector<16x2048xf32>
    %jit3A_150 = arith.constant 16 : i32
    %broadcast_in_dim3A_151 = vector.broadcast %jit3A_150 : i32 to vector<16x2048xi32>
    %select_n3A_152 = arith.select %eq3A_149, %iota3A, %broadcast_in_dim3A_151 : vector<16x2048xi1>, vector<16x2048xi32>
    %reduce_min3A_153 = arith.constant dense<2147483647> : vector<2048xi32>
    %reduce_min3A_154 = vector.multi_reduction <minsi>, %select_n3A_152, %reduce_min3A_153 [0] : vector<16x2048xi32> to vector<2048xi32>
    %broadcast_in_dim3A_155 = vector.shape_cast %reduce_min3A_154 : vector<2048xi32> to vector<1x2048xi32>
    %sub3A_156 = arith.subf %broadcast_in_dim3A_131, %broadcast_in_dim3A_147 : vector<1x2048xf32>
    %logistic3A_157 = arith.negf %sub3A_156 : vector<1x2048xf32>
    %logistic3A_158 = math.exp %logistic3A_157 : vector<1x2048xf32>
    %logistic3A_159 = arith.constant 1.000000e+00 : f32
    %logistic3A_160 = vector.broadcast %logistic3A_159 : f32 to vector<1x2048xf32>
    %logistic3A_161 = arith.addf %logistic3A_160, %logistic3A_158 : vector<1x2048xf32>
    %logistic3A_162 = arith.divf %logistic3A_160, %logistic3A_161 : vector<1x2048xf32>
    %sub3A_163 = arith.subf %broadcast_in_dim3A_147, %broadcast_in_dim3A_131 : vector<1x2048xf32>
    %logistic3A_164 = arith.negf %sub3A_163 : vector<1x2048xf32>
    %logistic3A_165 = math.exp %logistic3A_164 : vector<1x2048xf32>
    %logistic3A_166 = arith.constant 1.000000e+00 : f32
    %logistic3A_167 = vector.broadcast %logistic3A_166 : f32 to vector<1x2048xf32>
    %logistic3A_168 = arith.addf %logistic3A_167, %logistic3A_165 : vector<1x2048xf32>
    %logistic3A_169 = arith.divf %logistic3A_167, %logistic3A_168 : vector<1x2048xf32>
    %eq3A_170 = vector.broadcast %broadcast_in_dim3A_139 : vector<1x2048xi32> to vector<16x2048xi32>
    %eq3A_171 = arith.cmpi eq, %iota3A, %eq3A_170 : vector<16x2048xi32>
    %jit3A_172 = arith.constant 0.000000e+00 : f32
    %broadcast_in_dim3A_173 = vector.shape_cast %logistic3A_162 : vector<1x2048xf32> to vector<1x2048xf32>
    %broadcast_in_dim3A_174 = vector.broadcast %broadcast_in_dim3A_173 : vector<1x2048xf32> to vector<16x2048xf32>
    %broadcast_in_dim3A_175 = vector.broadcast %jit3A_172 : f32 to vector<16x2048xf32>
    %select_n3A_176 = arith.select %eq3A_171, %broadcast_in_dim3A_174, %broadcast_in_dim3A_175 : vector<16x2048xi1>, vector<16x2048xf32>
    %eq3A_177 = vector.broadcast %broadcast_in_dim3A_155 : vector<1x2048xi32> to vector<16x2048xi32>
    %eq3A_178 = arith.cmpi eq, %iota3A, %eq3A_177 : vector<16x2048xi32>
    %jit3A_179 = arith.constant 0.000000e+00 : f32
    %broadcast_in_dim3A_180 = vector.shape_cast %logistic3A_169 : vector<1x2048xf32> to vector<1x2048xf32>
    %broadcast_in_dim3A_181 = vector.broadcast %broadcast_in_dim3A_180 : vector<1x2048xf32> to vector<16x2048xf32>
    %broadcast_in_dim3A_182 = vector.broadcast %jit3A_179 : f32 to vector<16x2048xf32>
    %select_n3A_183 = arith.select %eq3A_178, %broadcast_in_dim3A_181, %broadcast_in_dim3A_182 : vector<16x2048xi1>, vector<16x2048xf32>
    %add3A_184 = arith.addf %select_n3A_176, %select_n3A_183 : vector<16x2048xf32>
    %reduce_sum3A_185 = arith.constant dense<0.000000e+00> : vector<16xf32>
    %reduce_sum3A_186 = vector.multi_reduction <add>, %add3A_184, %reduce_sum3A_185 [1] : vector<16x2048xf32> to vector<16xf32>
    %broadcast_in_dim3A_187 = vector.shape_cast %reduce_sum3A_186 : vector<16xf32> to vector<16x1xf32>
    %gt3A_188 = arith.constant 0.000000e+00 : f32
    %gt3A_189 = vector.broadcast %gt3A_188 : f32 to vector<16x2048xf32>
    %gt3A_190 = arith.cmpf ogt, %add3A_184, %gt3A_189 : vector<16x2048xf32>
    %convert_element_type3A_191 = arith.extui %gt3A_190 : vector<16x2048xi1> to vector<16x2048xi32>
    %convert_element_type3A_192 = arith.sitofp %convert_element_type3A_191 : vector<16x2048xi32> to vector<16x2048xf32>
    %reduce_sum3A_193 = arith.constant dense<0.000000e+00> : vector<16xf32>
    %reduce_sum3A_194 = vector.multi_reduction <add>, %convert_element_type3A_192, %reduce_sum3A_193 [1] : vector<16x2048xf32> to vector<16xf32>
    %broadcast_in_dim3A_195 = vector.shape_cast %reduce_sum3A_194 : vector<16xf32> to vector<16x1xf32>
    %reduce_sum3A_196 = arith.constant dense<0.000000e+00> : vector<1xf32>
    %reduce_sum3A_197 = vector.multi_reduction <add>, %broadcast_in_dim3A_187, %reduce_sum3A_196 [0] : vector<16x1xf32> to vector<1xf32>
    %broadcast_in_dim3A_198 = vector.shape_cast %reduce_sum3A_197 : vector<1xf32> to vector<1x1xf32>
    %div3A_199 = arith.constant 1.600000e+01 : f32
    %div3A_200 = vector.broadcast %div3A_199 : f32 to vector<1x1xf32>
    %div3A_201 = arith.divf %broadcast_in_dim3A_198, %div3A_200 : vector<1x1xf32>
    %sub3A_202 = vector.broadcast %div3A_201 : vector<1x1xf32> to vector<16x1xf32>
    %sub3A_203 = arith.subf %broadcast_in_dim3A_187, %sub3A_202 : vector<16x1xf32>
    %integer_pow3A_204 = arith.mulf %sub3A_203, %sub3A_203 : vector<16x1xf32>
    %reduce_sum3A_205 = arith.constant dense<0.000000e+00> : vector<1xf32>
    %reduce_sum3A_206 = vector.multi_reduction <add>, %integer_pow3A_204, %reduce_sum3A_205 [0] : vector<16x1xf32> to vector<1xf32>
    %broadcast_in_dim3A_207 = vector.shape_cast %reduce_sum3A_206 : vector<1xf32> to vector<1x1xf32>
    %div3A_208 = arith.constant 1.500000e+01 : f32
    %div3A_209 = vector.broadcast %div3A_208 : f32 to vector<1x1xf32>
    %div3A_210 = arith.divf %broadcast_in_dim3A_207, %div3A_209 : vector<1x1xf32>
    %mul3A_211 = arith.mulf %div3A_201, %div3A_201 : vector<1x1xf32>
    %add3A_212 = arith.constant 1.000000e-10 : f32
    %add3A_213 = vector.broadcast %add3A_212 : f32 to vector<1x1xf32>
    %add3A_214 = arith.addf %mul3A_211, %add3A_213 : vector<1x1xf32>
    %div3A_215 = arith.divf %div3A_210, %add3A_214 : vector<1x1xf32>
    %add3A_216 = arith.addf %add3A_115, %div3A_215 : vector<1x1xf32>
    %reduce_sum3A_217 = arith.constant dense<0.000000e+00> : vector<1xf32>
    %reduce_sum3A_218 = vector.multi_reduction <add>, %broadcast_in_dim3A_195, %reduce_sum3A_217 [0] : vector<16x1xf32> to vector<1xf32>
    %broadcast_in_dim3A_219 = vector.shape_cast %reduce_sum3A_218 : vector<1xf32> to vector<1x1xf32>
    %div3A_220 = arith.constant 1.600000e+01 : f32
    %div3A_221 = vector.broadcast %div3A_220 : f32 to vector<1x1xf32>
    %div3A_222 = arith.divf %broadcast_in_dim3A_219, %div3A_221 : vector<1x1xf32>
    %sub3A_223 = vector.broadcast %div3A_222 : vector<1x1xf32> to vector<16x1xf32>
    %sub3A_224 = arith.subf %broadcast_in_dim3A_195, %sub3A_223 : vector<16x1xf32>
    %integer_pow3A_225 = arith.mulf %sub3A_224, %sub3A_224 : vector<16x1xf32>
    %reduce_sum3A_226 = arith.constant dense<0.000000e+00> : vector<1xf32>
    %reduce_sum3A_227 = vector.multi_reduction <add>, %integer_pow3A_225, %reduce_sum3A_226 [0] : vector<16x1xf32> to vector<1xf32>
    %broadcast_in_dim3A_228 = vector.shape_cast %reduce_sum3A_227 : vector<1xf32> to vector<1x1xf32>
    %div3A_229 = arith.constant 1.500000e+01 : f32
    %div3A_230 = vector.broadcast %div3A_229 : f32 to vector<1x1xf32>
    %div3A_231 = arith.divf %broadcast_in_dim3A_228, %div3A_230 : vector<1x1xf32>
    %mul3A_232 = arith.mulf %div3A_222, %div3A_222 : vector<1x1xf32>
    %add3A_233 = arith.constant 1.000000e-10 : f32
    %add3A_234 = vector.broadcast %add3A_233 : f32 to vector<1x1xf32>
    %add3A_235 = arith.addf %mul3A_232, %add3A_234 : vector<1x1xf32>
    %div3A_236 = arith.divf %div3A_231, %add3A_235 : vector<1x1xf32>
    %add3A_237 = arith.addf %add3A_216, %div3A_236 : vector<1x1xf32>
    %eq3A_238 = arith.constant 1 : i32
    %eq3A_239 = vector.broadcast %eq3A_238 : i32 to vector<1x1xi32>
    %eq3A_240 = arith.cmpi eq, %get3A_12, %eq3A_239 : vector<1x1xi32>
    %broadcast_in_dim3A_241 = vector.shape_cast %eq3A_240 : vector<1x1xi1> to vector<1x1xi1>
    %broadcast_in_dim3A_242 = vector.broadcast %broadcast_in_dim3A_241 : vector<1x1xi1> to vector<1x2048xi1>
    %select_n3A_243 = arith.select %broadcast_in_dim3A_242, %broadcast_in_dim3A_139, %select_n3A_121 : vector<1x2048xi1>, vector<1x2048xi32>
    %broadcast_in_dim3A_244 = vector.shape_cast %eq3A_240 : vector<1x1xi1> to vector<1x1xi1>
    %broadcast_in_dim3A_245 = vector.broadcast %broadcast_in_dim3A_244 : vector<1x1xi1> to vector<1x2048xi1>
    %select_n3A_246 = arith.select %broadcast_in_dim3A_245, %broadcast_in_dim3A_155, %select_n3A_124 : vector<1x2048xi1>, vector<1x2048xi32>
    %broadcast_in_dim3A_247 = vector.shape_cast %eq3A_240 : vector<1x1xi1> to vector<1x1xi1>
    %broadcast_in_dim3A_248 = vector.broadcast %broadcast_in_dim3A_247 : vector<1x1xi1> to vector<16x1xi1>
    %select_n3A_249 = arith.select %broadcast_in_dim3A_248, %broadcast_in_dim3A_187, %select_n3A_127 : vector<16x1xi1>, vector<16x1xf32>
    %slice3A_250 = vector.extract_strided_slice %add3A_9 {offsets = [32, 0], sizes = [16, 2048], strides = [1, 1]} : vector<80x2048xf32> to vector<16x2048xf32>
    %reduce_max3A_251 = arith.constant dense<0xFF800000> : vector<2048xf32>
    %reduce_max3A_252 = vector.multi_reduction <maximumf>, %slice3A_250, %reduce_max3A_251 [0] : vector<16x2048xf32> to vector<2048xf32>
    %broadcast_in_dim3A_253 = vector.shape_cast %reduce_max3A_252 : vector<2048xf32> to vector<1x2048xf32>
    %eq3A_254 = vector.broadcast %broadcast_in_dim3A_253 : vector<1x2048xf32> to vector<16x2048xf32>
    %eq3A_255 = arith.cmpf oeq, %slice3A_250, %eq3A_254 : vector<16x2048xf32>
    %jit3A_256 = arith.constant 16 : i32
    %broadcast_in_dim3A_257 = vector.broadcast %jit3A_256 : i32 to vector<16x2048xi32>
    %select_n3A_258 = arith.select %eq3A_255, %iota3A, %broadcast_in_dim3A_257 : vector<16x2048xi1>, vector<16x2048xi32>
    %reduce_min3A_259 = arith.constant dense<2147483647> : vector<2048xi32>
    %reduce_min3A_260 = vector.multi_reduction <minsi>, %select_n3A_258, %reduce_min3A_259 [0] : vector<16x2048xi32> to vector<2048xi32>
    %broadcast_in_dim3A_261 = vector.shape_cast %reduce_min3A_260 : vector<2048xi32> to vector<1x2048xi32>
    %eq3A_262 = vector.broadcast %broadcast_in_dim3A_261 : vector<1x2048xi32> to vector<16x2048xi32>
    %eq3A_263 = arith.cmpi eq, %iota3A, %eq3A_262 : vector<16x2048xi32>
    %jit3A_264 = arith.constant 0xFF800000 : f32
    %broadcast_in_dim3A_265 = vector.broadcast %jit3A_264 : f32 to vector<16x2048xf32>
    %select_n3A_266 = arith.select %eq3A_263, %broadcast_in_dim3A_265, %slice3A_250 : vector<16x2048xi1>, vector<16x2048xf32>
    %reduce_max3A_267 = arith.constant dense<0xFF800000> : vector<2048xf32>
    %reduce_max3A_268 = vector.multi_reduction <maximumf>, %select_n3A_266, %reduce_max3A_267 [0] : vector<16x2048xf32> to vector<2048xf32>
    %broadcast_in_dim3A_269 = vector.shape_cast %reduce_max3A_268 : vector<2048xf32> to vector<1x2048xf32>
    %eq3A_270 = vector.broadcast %broadcast_in_dim3A_269 : vector<1x2048xf32> to vector<16x2048xf32>
    %eq3A_271 = arith.cmpf oeq, %select_n3A_266, %eq3A_270 : vector<16x2048xf32>
    %jit3A_272 = arith.constant 16 : i32
    %broadcast_in_dim3A_273 = vector.broadcast %jit3A_272 : i32 to vector<16x2048xi32>
    %select_n3A_274 = arith.select %eq3A_271, %iota3A, %broadcast_in_dim3A_273 : vector<16x2048xi1>, vector<16x2048xi32>
    %reduce_min3A_275 = arith.constant dense<2147483647> : vector<2048xi32>
    %reduce_min3A_276 = vector.multi_reduction <minsi>, %select_n3A_274, %reduce_min3A_275 [0] : vector<16x2048xi32> to vector<2048xi32>
    %broadcast_in_dim3A_277 = vector.shape_cast %reduce_min3A_276 : vector<2048xi32> to vector<1x2048xi32>
    %sub3A_278 = arith.subf %broadcast_in_dim3A_253, %broadcast_in_dim3A_269 : vector<1x2048xf32>
    %logistic3A_279 = arith.negf %sub3A_278 : vector<1x2048xf32>
    %logistic3A_280 = math.exp %logistic3A_279 : vector<1x2048xf32>
    %logistic3A_281 = arith.constant 1.000000e+00 : f32
    %logistic3A_282 = vector.broadcast %logistic3A_281 : f32 to vector<1x2048xf32>
    %logistic3A_283 = arith.addf %logistic3A_282, %logistic3A_280 : vector<1x2048xf32>
    %logistic3A_284 = arith.divf %logistic3A_282, %logistic3A_283 : vector<1x2048xf32>
    %sub3A_285 = arith.subf %broadcast_in_dim3A_269, %broadcast_in_dim3A_253 : vector<1x2048xf32>
    %logistic3A_286 = arith.negf %sub3A_285 : vector<1x2048xf32>
    %logistic3A_287 = math.exp %logistic3A_286 : vector<1x2048xf32>
    %logistic3A_288 = arith.constant 1.000000e+00 : f32
    %logistic3A_289 = vector.broadcast %logistic3A_288 : f32 to vector<1x2048xf32>
    %logistic3A_290 = arith.addf %logistic3A_289, %logistic3A_287 : vector<1x2048xf32>
    %logistic3A_291 = arith.divf %logistic3A_289, %logistic3A_290 : vector<1x2048xf32>
    %eq3A_292 = vector.broadcast %broadcast_in_dim3A_261 : vector<1x2048xi32> to vector<16x2048xi32>
    %eq3A_293 = arith.cmpi eq, %iota3A, %eq3A_292 : vector<16x2048xi32>
    %jit3A_294 = arith.constant 0.000000e+00 : f32
    %broadcast_in_dim3A_295 = vector.shape_cast %logistic3A_284 : vector<1x2048xf32> to vector<1x2048xf32>
    %broadcast_in_dim3A_296 = vector.broadcast %broadcast_in_dim3A_295 : vector<1x2048xf32> to vector<16x2048xf32>
    %broadcast_in_dim3A_297 = vector.broadcast %jit3A_294 : f32 to vector<16x2048xf32>
    %select_n3A_298 = arith.select %eq3A_293, %broadcast_in_dim3A_296, %broadcast_in_dim3A_297 : vector<16x2048xi1>, vector<16x2048xf32>
    %eq3A_299 = vector.broadcast %broadcast_in_dim3A_277 : vector<1x2048xi32> to vector<16x2048xi32>
    %eq3A_300 = arith.cmpi eq, %iota3A, %eq3A_299 : vector<16x2048xi32>
    %jit3A_301 = arith.constant 0.000000e+00 : f32
    %broadcast_in_dim3A_302 = vector.shape_cast %logistic3A_291 : vector<1x2048xf32> to vector<1x2048xf32>
    %broadcast_in_dim3A_303 = vector.broadcast %broadcast_in_dim3A_302 : vector<1x2048xf32> to vector<16x2048xf32>
    %broadcast_in_dim3A_304 = vector.broadcast %jit3A_301 : f32 to vector<16x2048xf32>
    %select_n3A_305 = arith.select %eq3A_300, %broadcast_in_dim3A_303, %broadcast_in_dim3A_304 : vector<16x2048xi1>, vector<16x2048xf32>
    %add3A_306 = arith.addf %select_n3A_298, %select_n3A_305 : vector<16x2048xf32>
    %reduce_sum3A_307 = arith.constant dense<0.000000e+00> : vector<16xf32>
    %reduce_sum3A_308 = vector.multi_reduction <add>, %add3A_306, %reduce_sum3A_307 [1] : vector<16x2048xf32> to vector<16xf32>
    %broadcast_in_dim3A_309 = vector.shape_cast %reduce_sum3A_308 : vector<16xf32> to vector<16x1xf32>
    %gt3A_310 = arith.constant 0.000000e+00 : f32
    %gt3A_311 = vector.broadcast %gt3A_310 : f32 to vector<16x2048xf32>
    %gt3A_312 = arith.cmpf ogt, %add3A_306, %gt3A_311 : vector<16x2048xf32>
    %convert_element_type3A_313 = arith.extui %gt3A_312 : vector<16x2048xi1> to vector<16x2048xi32>
    %convert_element_type3A_314 = arith.sitofp %convert_element_type3A_313 : vector<16x2048xi32> to vector<16x2048xf32>
    %reduce_sum3A_315 = arith.constant dense<0.000000e+00> : vector<16xf32>
    %reduce_sum3A_316 = vector.multi_reduction <add>, %convert_element_type3A_314, %reduce_sum3A_315 [1] : vector<16x2048xf32> to vector<16xf32>
    %broadcast_in_dim3A_317 = vector.shape_cast %reduce_sum3A_316 : vector<16xf32> to vector<16x1xf32>
    %reduce_sum3A_318 = arith.constant dense<0.000000e+00> : vector<1xf32>
    %reduce_sum3A_319 = vector.multi_reduction <add>, %broadcast_in_dim3A_309, %reduce_sum3A_318 [0] : vector<16x1xf32> to vector<1xf32>
    %broadcast_in_dim3A_320 = vector.shape_cast %reduce_sum3A_319 : vector<1xf32> to vector<1x1xf32>
    %div3A_321 = arith.constant 1.600000e+01 : f32
    %div3A_322 = vector.broadcast %div3A_321 : f32 to vector<1x1xf32>
    %div3A_323 = arith.divf %broadcast_in_dim3A_320, %div3A_322 : vector<1x1xf32>
    %sub3A_324 = vector.broadcast %div3A_323 : vector<1x1xf32> to vector<16x1xf32>
    %sub3A_325 = arith.subf %broadcast_in_dim3A_309, %sub3A_324 : vector<16x1xf32>
    %integer_pow3A_326 = arith.mulf %sub3A_325, %sub3A_325 : vector<16x1xf32>
    %reduce_sum3A_327 = arith.constant dense<0.000000e+00> : vector<1xf32>
    %reduce_sum3A_328 = vector.multi_reduction <add>, %integer_pow3A_326, %reduce_sum3A_327 [0] : vector<16x1xf32> to vector<1xf32>
    %broadcast_in_dim3A_329 = vector.shape_cast %reduce_sum3A_328 : vector<1xf32> to vector<1x1xf32>
    %div3A_330 = arith.constant 1.500000e+01 : f32
    %div3A_331 = vector.broadcast %div3A_330 : f32 to vector<1x1xf32>
    %div3A_332 = arith.divf %broadcast_in_dim3A_329, %div3A_331 : vector<1x1xf32>
    %mul3A_333 = arith.mulf %div3A_323, %div3A_323 : vector<1x1xf32>
    %add3A_334 = arith.constant 1.000000e-10 : f32
    %add3A_335 = vector.broadcast %add3A_334 : f32 to vector<1x1xf32>
    %add3A_336 = arith.addf %mul3A_333, %add3A_335 : vector<1x1xf32>
    %div3A_337 = arith.divf %div3A_332, %add3A_336 : vector<1x1xf32>
    %add3A_338 = arith.addf %add3A_237, %div3A_337 : vector<1x1xf32>
    %reduce_sum3A_339 = arith.constant dense<0.000000e+00> : vector<1xf32>
    %reduce_sum3A_340 = vector.multi_reduction <add>, %broadcast_in_dim3A_317, %reduce_sum3A_339 [0] : vector<16x1xf32> to vector<1xf32>
    %broadcast_in_dim3A_341 = vector.shape_cast %reduce_sum3A_340 : vector<1xf32> to vector<1x1xf32>
    %div3A_342 = arith.constant 1.600000e+01 : f32
    %div3A_343 = vector.broadcast %div3A_342 : f32 to vector<1x1xf32>
    %div3A_344 = arith.divf %broadcast_in_dim3A_341, %div3A_343 : vector<1x1xf32>
    %sub3A_345 = vector.broadcast %div3A_344 : vector<1x1xf32> to vector<16x1xf32>
    %sub3A_346 = arith.subf %broadcast_in_dim3A_317, %sub3A_345 : vector<16x1xf32>
    %integer_pow3A_347 = arith.mulf %sub3A_346, %sub3A_346 : vector<16x1xf32>
    %reduce_sum3A_348 = arith.constant dense<0.000000e+00> : vector<1xf32>
    %reduce_sum3A_349 = vector.multi_reduction <add>, %integer_pow3A_347, %reduce_sum3A_348 [0] : vector<16x1xf32> to vector<1xf32>
    %broadcast_in_dim3A_350 = vector.shape_cast %reduce_sum3A_349 : vector<1xf32> to vector<1x1xf32>
    %div3A_351 = arith.constant 1.500000e+01 : f32
    %div3A_352 = vector.broadcast %div3A_351 : f32 to vector<1x1xf32>
    %div3A_353 = arith.divf %broadcast_in_dim3A_350, %div3A_352 : vector<1x1xf32>
    %mul3A_354 = arith.mulf %div3A_344, %div3A_344 : vector<1x1xf32>
    %add3A_355 = arith.constant 1.000000e-10 : f32
    %add3A_356 = vector.broadcast %add3A_355 : f32 to vector<1x1xf32>
    %add3A_357 = arith.addf %mul3A_354, %add3A_356 : vector<1x1xf32>
    %div3A_358 = arith.divf %div3A_353, %add3A_357 : vector<1x1xf32>
    %add3A_359 = arith.addf %add3A_338, %div3A_358 : vector<1x1xf32>
    %eq3A_360 = arith.constant 2 : i32
    %eq3A_361 = vector.broadcast %eq3A_360 : i32 to vector<1x1xi32>
    %eq3A_362 = arith.cmpi eq, %get3A_12, %eq3A_361 : vector<1x1xi32>
    %broadcast_in_dim3A_363 = vector.shape_cast %eq3A_362 : vector<1x1xi1> to vector<1x1xi1>
    %broadcast_in_dim3A_364 = vector.broadcast %broadcast_in_dim3A_363 : vector<1x1xi1> to vector<1x2048xi1>
    %select_n3A_365 = arith.select %broadcast_in_dim3A_364, %broadcast_in_dim3A_261, %select_n3A_243 : vector<1x2048xi1>, vector<1x2048xi32>
    %broadcast_in_dim3A_366 = vector.shape_cast %eq3A_362 : vector<1x1xi1> to vector<1x1xi1>
    %broadcast_in_dim3A_367 = vector.broadcast %broadcast_in_dim3A_366 : vector<1x1xi1> to vector<1x2048xi1>
    %select_n3A_368 = arith.select %broadcast_in_dim3A_367, %broadcast_in_dim3A_277, %select_n3A_246 : vector<1x2048xi1>, vector<1x2048xi32>
    %broadcast_in_dim3A_369 = vector.shape_cast %eq3A_362 : vector<1x1xi1> to vector<1x1xi1>
    %broadcast_in_dim3A_370 = vector.broadcast %broadcast_in_dim3A_369 : vector<1x1xi1> to vector<16x1xi1>
    %select_n3A_371 = arith.select %broadcast_in_dim3A_370, %broadcast_in_dim3A_309, %select_n3A_249 : vector<16x1xi1>, vector<16x1xf32>
    %slice3A_372 = vector.extract_strided_slice %add3A_9 {offsets = [48, 0], sizes = [16, 2048], strides = [1, 1]} : vector<80x2048xf32> to vector<16x2048xf32>
    %reduce_max3A_373 = arith.constant dense<0xFF800000> : vector<2048xf32>
    %reduce_max3A_374 = vector.multi_reduction <maximumf>, %slice3A_372, %reduce_max3A_373 [0] : vector<16x2048xf32> to vector<2048xf32>
    %broadcast_in_dim3A_375 = vector.shape_cast %reduce_max3A_374 : vector<2048xf32> to vector<1x2048xf32>
    %eq3A_376 = vector.broadcast %broadcast_in_dim3A_375 : vector<1x2048xf32> to vector<16x2048xf32>
    %eq3A_377 = arith.cmpf oeq, %slice3A_372, %eq3A_376 : vector<16x2048xf32>
    %jit3A_378 = arith.constant 16 : i32
    %broadcast_in_dim3A_379 = vector.broadcast %jit3A_378 : i32 to vector<16x2048xi32>
    %select_n3A_380 = arith.select %eq3A_377, %iota3A, %broadcast_in_dim3A_379 : vector<16x2048xi1>, vector<16x2048xi32>
    %reduce_min3A_381 = arith.constant dense<2147483647> : vector<2048xi32>
    %reduce_min3A_382 = vector.multi_reduction <minsi>, %select_n3A_380, %reduce_min3A_381 [0] : vector<16x2048xi32> to vector<2048xi32>
    %broadcast_in_dim3A_383 = vector.shape_cast %reduce_min3A_382 : vector<2048xi32> to vector<1x2048xi32>
    %eq3A_384 = vector.broadcast %broadcast_in_dim3A_383 : vector<1x2048xi32> to vector<16x2048xi32>
    %eq3A_385 = arith.cmpi eq, %iota3A, %eq3A_384 : vector<16x2048xi32>
    %jit3A_386 = arith.constant 0xFF800000 : f32
    %broadcast_in_dim3A_387 = vector.broadcast %jit3A_386 : f32 to vector<16x2048xf32>
    %select_n3A_388 = arith.select %eq3A_385, %broadcast_in_dim3A_387, %slice3A_372 : vector<16x2048xi1>, vector<16x2048xf32>
    %reduce_max3A_389 = arith.constant dense<0xFF800000> : vector<2048xf32>
    %reduce_max3A_390 = vector.multi_reduction <maximumf>, %select_n3A_388, %reduce_max3A_389 [0] : vector<16x2048xf32> to vector<2048xf32>
    %broadcast_in_dim3A_391 = vector.shape_cast %reduce_max3A_390 : vector<2048xf32> to vector<1x2048xf32>
    %eq3A_392 = vector.broadcast %broadcast_in_dim3A_391 : vector<1x2048xf32> to vector<16x2048xf32>
    %eq3A_393 = arith.cmpf oeq, %select_n3A_388, %eq3A_392 : vector<16x2048xf32>
    %jit3A_394 = arith.constant 16 : i32
    %broadcast_in_dim3A_395 = vector.broadcast %jit3A_394 : i32 to vector<16x2048xi32>
    %select_n3A_396 = arith.select %eq3A_393, %iota3A, %broadcast_in_dim3A_395 : vector<16x2048xi1>, vector<16x2048xi32>
    %reduce_min3A_397 = arith.constant dense<2147483647> : vector<2048xi32>
    %reduce_min3A_398 = vector.multi_reduction <minsi>, %select_n3A_396, %reduce_min3A_397 [0] : vector<16x2048xi32> to vector<2048xi32>
    %broadcast_in_dim3A_399 = vector.shape_cast %reduce_min3A_398 : vector<2048xi32> to vector<1x2048xi32>
    %sub3A_400 = arith.subf %broadcast_in_dim3A_375, %broadcast_in_dim3A_391 : vector<1x2048xf32>
    %logistic3A_401 = arith.negf %sub3A_400 : vector<1x2048xf32>
    %logistic3A_402 = math.exp %logistic3A_401 : vector<1x2048xf32>
    %logistic3A_403 = arith.constant 1.000000e+00 : f32
    %logistic3A_404 = vector.broadcast %logistic3A_403 : f32 to vector<1x2048xf32>
    %logistic3A_405 = arith.addf %logistic3A_404, %logistic3A_402 : vector<1x2048xf32>
    %logistic3A_406 = arith.divf %logistic3A_404, %logistic3A_405 : vector<1x2048xf32>
    %sub3A_407 = arith.subf %broadcast_in_dim3A_391, %broadcast_in_dim3A_375 : vector<1x2048xf32>
    %logistic3A_408 = arith.negf %sub3A_407 : vector<1x2048xf32>
    %logistic3A_409 = math.exp %logistic3A_408 : vector<1x2048xf32>
    %logistic3A_410 = arith.constant 1.000000e+00 : f32
    %logistic3A_411 = vector.broadcast %logistic3A_410 : f32 to vector<1x2048xf32>
    %logistic3A_412 = arith.addf %logistic3A_411, %logistic3A_409 : vector<1x2048xf32>
    %logistic3A_413 = arith.divf %logistic3A_411, %logistic3A_412 : vector<1x2048xf32>
    %eq3A_414 = vector.broadcast %broadcast_in_dim3A_383 : vector<1x2048xi32> to vector<16x2048xi32>
    %eq3A_415 = arith.cmpi eq, %iota3A, %eq3A_414 : vector<16x2048xi32>
    %jit3A_416 = arith.constant 0.000000e+00 : f32
    %broadcast_in_dim3A_417 = vector.shape_cast %logistic3A_406 : vector<1x2048xf32> to vector<1x2048xf32>
    %broadcast_in_dim3A_418 = vector.broadcast %broadcast_in_dim3A_417 : vector<1x2048xf32> to vector<16x2048xf32>
    %broadcast_in_dim3A_419 = vector.broadcast %jit3A_416 : f32 to vector<16x2048xf32>
    %select_n3A_420 = arith.select %eq3A_415, %broadcast_in_dim3A_418, %broadcast_in_dim3A_419 : vector<16x2048xi1>, vector<16x2048xf32>
    %eq3A_421 = vector.broadcast %broadcast_in_dim3A_399 : vector<1x2048xi32> to vector<16x2048xi32>
    %eq3A_422 = arith.cmpi eq, %iota3A, %eq3A_421 : vector<16x2048xi32>
    %jit3A_423 = arith.constant 0.000000e+00 : f32
    %broadcast_in_dim3A_424 = vector.shape_cast %logistic3A_413 : vector<1x2048xf32> to vector<1x2048xf32>
    %broadcast_in_dim3A_425 = vector.broadcast %broadcast_in_dim3A_424 : vector<1x2048xf32> to vector<16x2048xf32>
    %broadcast_in_dim3A_426 = vector.broadcast %jit3A_423 : f32 to vector<16x2048xf32>
    %select_n3A_427 = arith.select %eq3A_422, %broadcast_in_dim3A_425, %broadcast_in_dim3A_426 : vector<16x2048xi1>, vector<16x2048xf32>
    %add3A_428 = arith.addf %select_n3A_420, %select_n3A_427 : vector<16x2048xf32>
    %reduce_sum3A_429 = arith.constant dense<0.000000e+00> : vector<16xf32>
    %reduce_sum3A_430 = vector.multi_reduction <add>, %add3A_428, %reduce_sum3A_429 [1] : vector<16x2048xf32> to vector<16xf32>
    %broadcast_in_dim3A_431 = vector.shape_cast %reduce_sum3A_430 : vector<16xf32> to vector<16x1xf32>
    %gt3A_432 = arith.constant 0.000000e+00 : f32
    %gt3A_433 = vector.broadcast %gt3A_432 : f32 to vector<16x2048xf32>
    %gt3A_434 = arith.cmpf ogt, %add3A_428, %gt3A_433 : vector<16x2048xf32>
    %convert_element_type3A_435 = arith.extui %gt3A_434 : vector<16x2048xi1> to vector<16x2048xi32>
    %convert_element_type3A_436 = arith.sitofp %convert_element_type3A_435 : vector<16x2048xi32> to vector<16x2048xf32>
    %reduce_sum3A_437 = arith.constant dense<0.000000e+00> : vector<16xf32>
    %reduce_sum3A_438 = vector.multi_reduction <add>, %convert_element_type3A_436, %reduce_sum3A_437 [1] : vector<16x2048xf32> to vector<16xf32>
    %broadcast_in_dim3A_439 = vector.shape_cast %reduce_sum3A_438 : vector<16xf32> to vector<16x1xf32>
    %reduce_sum3A_440 = arith.constant dense<0.000000e+00> : vector<1xf32>
    %reduce_sum3A_441 = vector.multi_reduction <add>, %broadcast_in_dim3A_431, %reduce_sum3A_440 [0] : vector<16x1xf32> to vector<1xf32>
    %broadcast_in_dim3A_442 = vector.shape_cast %reduce_sum3A_441 : vector<1xf32> to vector<1x1xf32>
    %div3A_443 = arith.constant 1.600000e+01 : f32
    %div3A_444 = vector.broadcast %div3A_443 : f32 to vector<1x1xf32>
    %div3A_445 = arith.divf %broadcast_in_dim3A_442, %div3A_444 : vector<1x1xf32>
    %sub3A_446 = vector.broadcast %div3A_445 : vector<1x1xf32> to vector<16x1xf32>
    %sub3A_447 = arith.subf %broadcast_in_dim3A_431, %sub3A_446 : vector<16x1xf32>
    %integer_pow3A_448 = arith.mulf %sub3A_447, %sub3A_447 : vector<16x1xf32>
    %reduce_sum3A_449 = arith.constant dense<0.000000e+00> : vector<1xf32>
    %reduce_sum3A_450 = vector.multi_reduction <add>, %integer_pow3A_448, %reduce_sum3A_449 [0] : vector<16x1xf32> to vector<1xf32>
    %broadcast_in_dim3A_451 = vector.shape_cast %reduce_sum3A_450 : vector<1xf32> to vector<1x1xf32>
    %div3A_452 = arith.constant 1.500000e+01 : f32
    %div3A_453 = vector.broadcast %div3A_452 : f32 to vector<1x1xf32>
    %div3A_454 = arith.divf %broadcast_in_dim3A_451, %div3A_453 : vector<1x1xf32>
    %mul3A_455 = arith.mulf %div3A_445, %div3A_445 : vector<1x1xf32>
    %add3A_456 = arith.constant 1.000000e-10 : f32
    %add3A_457 = vector.broadcast %add3A_456 : f32 to vector<1x1xf32>
    %add3A_458 = arith.addf %mul3A_455, %add3A_457 : vector<1x1xf32>
    %div3A_459 = arith.divf %div3A_454, %add3A_458 : vector<1x1xf32>
    %add3A_460 = arith.addf %add3A_359, %div3A_459 : vector<1x1xf32>
    %reduce_sum3A_461 = arith.constant dense<0.000000e+00> : vector<1xf32>
    %reduce_sum3A_462 = vector.multi_reduction <add>, %broadcast_in_dim3A_439, %reduce_sum3A_461 [0] : vector<16x1xf32> to vector<1xf32>
    %broadcast_in_dim3A_463 = vector.shape_cast %reduce_sum3A_462 : vector<1xf32> to vector<1x1xf32>
    %div3A_464 = arith.constant 1.600000e+01 : f32
    %div3A_465 = vector.broadcast %div3A_464 : f32 to vector<1x1xf32>
    %div3A_466 = arith.divf %broadcast_in_dim3A_463, %div3A_465 : vector<1x1xf32>
    %sub3A_467 = vector.broadcast %div3A_466 : vector<1x1xf32> to vector<16x1xf32>
    %sub3A_468 = arith.subf %broadcast_in_dim3A_439, %sub3A_467 : vector<16x1xf32>
    %integer_pow3A_469 = arith.mulf %sub3A_468, %sub3A_468 : vector<16x1xf32>
    %reduce_sum3A_470 = arith.constant dense<0.000000e+00> : vector<1xf32>
    %reduce_sum3A_471 = vector.multi_reduction <add>, %integer_pow3A_469, %reduce_sum3A_470 [0] : vector<16x1xf32> to vector<1xf32>
    %broadcast_in_dim3A_472 = vector.shape_cast %reduce_sum3A_471 : vector<1xf32> to vector<1x1xf32>
    %div3A_473 = arith.constant 1.500000e+01 : f32
    %div3A_474 = vector.broadcast %div3A_473 : f32 to vector<1x1xf32>
    %div3A_475 = arith.divf %broadcast_in_dim3A_472, %div3A_474 : vector<1x1xf32>
    %mul3A_476 = arith.mulf %div3A_466, %div3A_466 : vector<1x1xf32>
    %add3A_477 = arith.constant 1.000000e-10 : f32
    %add3A_478 = vector.broadcast %add3A_477 : f32 to vector<1x1xf32>
    %add3A_479 = arith.addf %mul3A_476, %add3A_478 : vector<1x1xf32>
    %div3A_480 = arith.divf %div3A_475, %add3A_479 : vector<1x1xf32>
    %add3A_481 = arith.addf %add3A_460, %div3A_480 : vector<1x1xf32>
    %eq3A_482 = arith.constant 3 : i32
    %eq3A_483 = vector.broadcast %eq3A_482 : i32 to vector<1x1xi32>
    %eq3A_484 = arith.cmpi eq, %get3A_12, %eq3A_483 : vector<1x1xi32>
    %broadcast_in_dim3A_485 = vector.shape_cast %eq3A_484 : vector<1x1xi1> to vector<1x1xi1>
    %broadcast_in_dim3A_486 = vector.broadcast %broadcast_in_dim3A_485 : vector<1x1xi1> to vector<1x2048xi1>
    %select_n3A_487 = arith.select %broadcast_in_dim3A_486, %broadcast_in_dim3A_383, %select_n3A_365 : vector<1x2048xi1>, vector<1x2048xi32>
    %broadcast_in_dim3A_488 = vector.shape_cast %eq3A_484 : vector<1x1xi1> to vector<1x1xi1>
    %broadcast_in_dim3A_489 = vector.broadcast %broadcast_in_dim3A_488 : vector<1x1xi1> to vector<1x2048xi1>
    %select_n3A_490 = arith.select %broadcast_in_dim3A_489, %broadcast_in_dim3A_399, %select_n3A_368 : vector<1x2048xi1>, vector<1x2048xi32>
    %broadcast_in_dim3A_491 = vector.shape_cast %eq3A_484 : vector<1x1xi1> to vector<1x1xi1>
    %broadcast_in_dim3A_492 = vector.broadcast %broadcast_in_dim3A_491 : vector<1x1xi1> to vector<16x1xi1>
    %select_n3A_493 = arith.select %broadcast_in_dim3A_492, %broadcast_in_dim3A_431, %select_n3A_371 : vector<16x1xi1>, vector<16x1xf32>
    %slice3A_494 = vector.extract_strided_slice %add3A_9 {offsets = [64, 0], sizes = [16, 2048], strides = [1, 1]} : vector<80x2048xf32> to vector<16x2048xf32>
    %reduce_max3A_495 = arith.constant dense<0xFF800000> : vector<2048xf32>
    %reduce_max3A_496 = vector.multi_reduction <maximumf>, %slice3A_494, %reduce_max3A_495 [0] : vector<16x2048xf32> to vector<2048xf32>
    %broadcast_in_dim3A_497 = vector.shape_cast %reduce_max3A_496 : vector<2048xf32> to vector<1x2048xf32>
    %eq3A_498 = vector.broadcast %broadcast_in_dim3A_497 : vector<1x2048xf32> to vector<16x2048xf32>
    %eq3A_499 = arith.cmpf oeq, %slice3A_494, %eq3A_498 : vector<16x2048xf32>
    %jit3A_500 = arith.constant 16 : i32
    %broadcast_in_dim3A_501 = vector.broadcast %jit3A_500 : i32 to vector<16x2048xi32>
    %select_n3A_502 = arith.select %eq3A_499, %iota3A, %broadcast_in_dim3A_501 : vector<16x2048xi1>, vector<16x2048xi32>
    %reduce_min3A_503 = arith.constant dense<2147483647> : vector<2048xi32>
    %reduce_min3A_504 = vector.multi_reduction <minsi>, %select_n3A_502, %reduce_min3A_503 [0] : vector<16x2048xi32> to vector<2048xi32>
    %broadcast_in_dim3A_505 = vector.shape_cast %reduce_min3A_504 : vector<2048xi32> to vector<1x2048xi32>
    %eq3A_506 = vector.broadcast %broadcast_in_dim3A_505 : vector<1x2048xi32> to vector<16x2048xi32>
    %eq3A_507 = arith.cmpi eq, %iota3A, %eq3A_506 : vector<16x2048xi32>
    %jit3A_508 = arith.constant 0xFF800000 : f32
    %broadcast_in_dim3A_509 = vector.broadcast %jit3A_508 : f32 to vector<16x2048xf32>
    %select_n3A_510 = arith.select %eq3A_507, %broadcast_in_dim3A_509, %slice3A_494 : vector<16x2048xi1>, vector<16x2048xf32>
    %reduce_max3A_511 = arith.constant dense<0xFF800000> : vector<2048xf32>
    %reduce_max3A_512 = vector.multi_reduction <maximumf>, %select_n3A_510, %reduce_max3A_511 [0] : vector<16x2048xf32> to vector<2048xf32>
    %broadcast_in_dim3A_513 = vector.shape_cast %reduce_max3A_512 : vector<2048xf32> to vector<1x2048xf32>
    %eq3A_514 = vector.broadcast %broadcast_in_dim3A_513 : vector<1x2048xf32> to vector<16x2048xf32>
    %eq3A_515 = arith.cmpf oeq, %select_n3A_510, %eq3A_514 : vector<16x2048xf32>
    %jit3A_516 = arith.constant 16 : i32
    %broadcast_in_dim3A_517 = vector.broadcast %jit3A_516 : i32 to vector<16x2048xi32>
    %select_n3A_518 = arith.select %eq3A_515, %iota3A, %broadcast_in_dim3A_517 : vector<16x2048xi1>, vector<16x2048xi32>
    %reduce_min3A_519 = arith.constant dense<2147483647> : vector<2048xi32>
    %reduce_min3A_520 = vector.multi_reduction <minsi>, %select_n3A_518, %reduce_min3A_519 [0] : vector<16x2048xi32> to vector<2048xi32>
    %broadcast_in_dim3A_521 = vector.shape_cast %reduce_min3A_520 : vector<2048xi32> to vector<1x2048xi32>
    %sub3A_522 = arith.subf %broadcast_in_dim3A_497, %broadcast_in_dim3A_513 : vector<1x2048xf32>
    %logistic3A_523 = arith.negf %sub3A_522 : vector<1x2048xf32>
    %logistic3A_524 = math.exp %logistic3A_523 : vector<1x2048xf32>
    %logistic3A_525 = arith.constant 1.000000e+00 : f32
    %logistic3A_526 = vector.broadcast %logistic3A_525 : f32 to vector<1x2048xf32>
    %logistic3A_527 = arith.addf %logistic3A_526, %logistic3A_524 : vector<1x2048xf32>
    %logistic3A_528 = arith.divf %logistic3A_526, %logistic3A_527 : vector<1x2048xf32>
    %sub3A_529 = arith.subf %broadcast_in_dim3A_513, %broadcast_in_dim3A_497 : vector<1x2048xf32>
    %logistic3A_530 = arith.negf %sub3A_529 : vector<1x2048xf32>
    %logistic3A_531 = math.exp %logistic3A_530 : vector<1x2048xf32>
    %logistic3A_532 = arith.constant 1.000000e+00 : f32
    %logistic3A_533 = vector.broadcast %logistic3A_532 : f32 to vector<1x2048xf32>
    %logistic3A_534 = arith.addf %logistic3A_533, %logistic3A_531 : vector<1x2048xf32>
    %logistic3A_535 = arith.divf %logistic3A_533, %logistic3A_534 : vector<1x2048xf32>
    %eq3A_536 = vector.broadcast %broadcast_in_dim3A_505 : vector<1x2048xi32> to vector<16x2048xi32>
    %eq3A_537 = arith.cmpi eq, %iota3A, %eq3A_536 : vector<16x2048xi32>
    %jit3A_538 = arith.constant 0.000000e+00 : f32
    %broadcast_in_dim3A_539 = vector.shape_cast %logistic3A_528 : vector<1x2048xf32> to vector<1x2048xf32>
    %broadcast_in_dim3A_540 = vector.broadcast %broadcast_in_dim3A_539 : vector<1x2048xf32> to vector<16x2048xf32>
    %broadcast_in_dim3A_541 = vector.broadcast %jit3A_538 : f32 to vector<16x2048xf32>
    %select_n3A_542 = arith.select %eq3A_537, %broadcast_in_dim3A_540, %broadcast_in_dim3A_541 : vector<16x2048xi1>, vector<16x2048xf32>
    %eq3A_543 = vector.broadcast %broadcast_in_dim3A_521 : vector<1x2048xi32> to vector<16x2048xi32>
    %eq3A_544 = arith.cmpi eq, %iota3A, %eq3A_543 : vector<16x2048xi32>
    %jit3A_545 = arith.constant 0.000000e+00 : f32
    %broadcast_in_dim3A_546 = vector.shape_cast %logistic3A_535 : vector<1x2048xf32> to vector<1x2048xf32>
    %broadcast_in_dim3A_547 = vector.broadcast %broadcast_in_dim3A_546 : vector<1x2048xf32> to vector<16x2048xf32>
    %broadcast_in_dim3A_548 = vector.broadcast %jit3A_545 : f32 to vector<16x2048xf32>
    %select_n3A_549 = arith.select %eq3A_544, %broadcast_in_dim3A_547, %broadcast_in_dim3A_548 : vector<16x2048xi1>, vector<16x2048xf32>
    %add3A_550 = arith.addf %select_n3A_542, %select_n3A_549 : vector<16x2048xf32>
    %reduce_sum3A_551 = arith.constant dense<0.000000e+00> : vector<16xf32>
    %reduce_sum3A_552 = vector.multi_reduction <add>, %add3A_550, %reduce_sum3A_551 [1] : vector<16x2048xf32> to vector<16xf32>
    %broadcast_in_dim3A_553 = vector.shape_cast %reduce_sum3A_552 : vector<16xf32> to vector<16x1xf32>
    %gt3A_554 = arith.constant 0.000000e+00 : f32
    %gt3A_555 = vector.broadcast %gt3A_554 : f32 to vector<16x2048xf32>
    %gt3A_556 = arith.cmpf ogt, %add3A_550, %gt3A_555 : vector<16x2048xf32>
    %convert_element_type3A_557 = arith.extui %gt3A_556 : vector<16x2048xi1> to vector<16x2048xi32>
    %convert_element_type3A_558 = arith.sitofp %convert_element_type3A_557 : vector<16x2048xi32> to vector<16x2048xf32>
    %reduce_sum3A_559 = arith.constant dense<0.000000e+00> : vector<16xf32>
    %reduce_sum3A_560 = vector.multi_reduction <add>, %convert_element_type3A_558, %reduce_sum3A_559 [1] : vector<16x2048xf32> to vector<16xf32>
    %broadcast_in_dim3A_561 = vector.shape_cast %reduce_sum3A_560 : vector<16xf32> to vector<16x1xf32>
    %reduce_sum3A_562 = arith.constant dense<0.000000e+00> : vector<1xf32>
    %reduce_sum3A_563 = vector.multi_reduction <add>, %broadcast_in_dim3A_553, %reduce_sum3A_562 [0] : vector<16x1xf32> to vector<1xf32>
    %broadcast_in_dim3A_564 = vector.shape_cast %reduce_sum3A_563 : vector<1xf32> to vector<1x1xf32>
    %div3A_565 = arith.constant 1.600000e+01 : f32
    %div3A_566 = vector.broadcast %div3A_565 : f32 to vector<1x1xf32>
    %div3A_567 = arith.divf %broadcast_in_dim3A_564, %div3A_566 : vector<1x1xf32>
    %sub3A_568 = vector.broadcast %div3A_567 : vector<1x1xf32> to vector<16x1xf32>
    %sub3A_569 = arith.subf %broadcast_in_dim3A_553, %sub3A_568 : vector<16x1xf32>
    %integer_pow3A_570 = arith.mulf %sub3A_569, %sub3A_569 : vector<16x1xf32>
    %reduce_sum3A_571 = arith.constant dense<0.000000e+00> : vector<1xf32>
    %reduce_sum3A_572 = vector.multi_reduction <add>, %integer_pow3A_570, %reduce_sum3A_571 [0] : vector<16x1xf32> to vector<1xf32>
    %broadcast_in_dim3A_573 = vector.shape_cast %reduce_sum3A_572 : vector<1xf32> to vector<1x1xf32>
    %div3A_574 = arith.constant 1.500000e+01 : f32
    %div3A_575 = vector.broadcast %div3A_574 : f32 to vector<1x1xf32>
    %div3A_576 = arith.divf %broadcast_in_dim3A_573, %div3A_575 : vector<1x1xf32>
    %mul3A_577 = arith.mulf %div3A_567, %div3A_567 : vector<1x1xf32>
    %add3A_578 = arith.constant 1.000000e-10 : f32
    %add3A_579 = vector.broadcast %add3A_578 : f32 to vector<1x1xf32>
    %add3A_580 = arith.addf %mul3A_577, %add3A_579 : vector<1x1xf32>
    %div3A_581 = arith.divf %div3A_576, %add3A_580 : vector<1x1xf32>
    %add3A_582 = arith.addf %add3A_481, %div3A_581 : vector<1x1xf32>
    %reduce_sum3A_583 = arith.constant dense<0.000000e+00> : vector<1xf32>
    %reduce_sum3A_584 = vector.multi_reduction <add>, %broadcast_in_dim3A_561, %reduce_sum3A_583 [0] : vector<16x1xf32> to vector<1xf32>
    %broadcast_in_dim3A_585 = vector.shape_cast %reduce_sum3A_584 : vector<1xf32> to vector<1x1xf32>
    %div3A_586 = arith.constant 1.600000e+01 : f32
    %div3A_587 = vector.broadcast %div3A_586 : f32 to vector<1x1xf32>
    %div3A_588 = arith.divf %broadcast_in_dim3A_585, %div3A_587 : vector<1x1xf32>
    %sub3A_589 = vector.broadcast %div3A_588 : vector<1x1xf32> to vector<16x1xf32>
    %sub3A_590 = arith.subf %broadcast_in_dim3A_561, %sub3A_589 : vector<16x1xf32>
    %integer_pow3A_591 = arith.mulf %sub3A_590, %sub3A_590 : vector<16x1xf32>
    %reduce_sum3A_592 = arith.constant dense<0.000000e+00> : vector<1xf32>
    %reduce_sum3A_593 = vector.multi_reduction <add>, %integer_pow3A_591, %reduce_sum3A_592 [0] : vector<16x1xf32> to vector<1xf32>
    %broadcast_in_dim3A_594 = vector.shape_cast %reduce_sum3A_593 : vector<1xf32> to vector<1x1xf32>
    %div3A_595 = arith.constant 1.500000e+01 : f32
    %div3A_596 = vector.broadcast %div3A_595 : f32 to vector<1x1xf32>
    %div3A_597 = arith.divf %broadcast_in_dim3A_594, %div3A_596 : vector<1x1xf32>
    %mul3A_598 = arith.mulf %div3A_588, %div3A_588 : vector<1x1xf32>
    %add3A_599 = arith.constant 1.000000e-10 : f32
    %add3A_600 = vector.broadcast %add3A_599 : f32 to vector<1x1xf32>
    %add3A_601 = arith.addf %mul3A_598, %add3A_600 : vector<1x1xf32>
    %div3A_602 = arith.divf %div3A_597, %add3A_601 : vector<1x1xf32>
    %add3A_603 = arith.addf %add3A_582, %div3A_602 : vector<1x1xf32>
    %eq3A_604 = arith.constant 4 : i32
    %eq3A_605 = vector.broadcast %eq3A_604 : i32 to vector<1x1xi32>
    %eq3A_606 = arith.cmpi eq, %get3A_12, %eq3A_605 : vector<1x1xi32>
    %broadcast_in_dim3A_607 = vector.shape_cast %eq3A_606 : vector<1x1xi1> to vector<1x1xi1>
    %broadcast_in_dim3A_608 = vector.broadcast %broadcast_in_dim3A_607 : vector<1x1xi1> to vector<1x2048xi1>
    %select_n3A_609 = arith.select %broadcast_in_dim3A_608, %broadcast_in_dim3A_505, %select_n3A_487 : vector<1x2048xi1>, vector<1x2048xi32>
    %broadcast_in_dim3A_610 = vector.shape_cast %eq3A_606 : vector<1x1xi1> to vector<1x1xi1>
    %broadcast_in_dim3A_611 = vector.broadcast %broadcast_in_dim3A_610 : vector<1x1xi1> to vector<1x2048xi1>
    %select_n3A_612 = arith.select %broadcast_in_dim3A_611, %broadcast_in_dim3A_521, %select_n3A_490 : vector<1x2048xi1>, vector<1x2048xi32>
    %broadcast_in_dim3A_613 = vector.shape_cast %eq3A_606 : vector<1x1xi1> to vector<1x1xi1>
    %broadcast_in_dim3A_614 = vector.broadcast %broadcast_in_dim3A_613 : vector<1x1xi1> to vector<16x1xi1>
    %select_n3A_615 = arith.select %broadcast_in_dim3A_614, %broadcast_in_dim3A_553, %select_n3A_493 : vector<16x1xi1>, vector<16x1xf32>
    %swap3A = arith.constant 0 : index
    %swap3A_616 = arith.constant 0 : index
    %swap3A_617 = vector.load %arg8[%swap3A, %swap3A_616] : memref<1x1xf32, #tpu.memory_space<vmem>>, vector<1x1xf32>
    tpu.vector_store %arg8[%swap3A, %swap3A_616], %add3A_603 {strides = array<i32>} : memref<1x1xf32, #tpu.memory_space<vmem>>, vector<1x1xf32>,
    %swap3A_618 = arith.constant 0 : index
    %swap3A_619 = arith.constant 0 : index
    %swap3A_620 = vector.load %arg9[%swap3A_618, %swap3A_619] : memref<16x1xf32, #tpu.memory_space<vmem>>, vector<16x1xf32>
    tpu.vector_store %arg9[%swap3A_618, %swap3A_619], %select_n3A_615 {strides = array<i32>} : memref<16x1xf32, #tpu.memory_space<vmem>>, vector<16x1xf32>,
    %iota3A_621 = tpu.iota {dimensions = array<i32: 1>} : vector<2048x16xi32>
    %get3A_622 = arith.constant 0 : index
    %get3A_623 = arith.constant 0 : index
    %get3A_624 = vector.load %arg0[%get3A_622, %get3A_623] : memref<2048x768xf32, #tpu.memory_space<vmem>>, vector<2048x768xf32>
    %get3A_625 = arith.constant 0 : index
    %get3A_626 = arith.constant 0 : index
    %get3A_627 = vector.load %arg3[%get3A_625, %get3A_626] : memref<16x768xf32, #tpu.memory_space<vmem>>, vector<16x768xf32>
    %dot_general3A_628 = arith.constant dense<0.000000e+00> : vector<2048x16xf32>
    %dot_general3A_629 = tpu.matmul %get3A_624, %get3A_627, %dot_general3A_628 {dimension_numbers = #tpu.dot_dimension_numbers<[1], [1], [0], [0], [0, 0, 1, 0], [], []>, transpose_lhs_hint = false} : vector<2048x768xf32>, vector<16x768xf32>, vector<2048x16xf32> -> vector<2048x16xf32>
    %get3A_630 = arith.constant 0 : index
    %get3A_631 = arith.constant 0 : index
    %get3A_632 = vector.load %arg4[%get3A_630, %get3A_631] : memref<1x16xf32, #tpu.memory_space<vmem>>, vector<1x16xf32>
    %add3A_633 = vector.broadcast %get3A_632 : vector<1x16xf32> to vector<2048x16xf32>
    %add3A_634 = arith.addf %dot_general3A_629, %add3A_633 : vector<2048x16xf32>
    %reduce_max3A_635 = arith.constant dense<0xFF800000> : vector<2048xf32>
    %reduce_max3A_636 = vector.multi_reduction <maximumf>, %add3A_634, %reduce_max3A_635 [1] : vector<2048x16xf32> to vector<2048xf32>
    %broadcast_in_dim3A_637 = vector.shape_cast %reduce_max3A_636 : vector<2048xf32> to vector<2048x1xf32>
    %eq3A_638 = vector.broadcast %broadcast_in_dim3A_637 : vector<2048x1xf32> to vector<2048x16xf32>
    %eq3A_639 = arith.cmpf oeq, %add3A_634, %eq3A_638 : vector<2048x16xf32>
    %jit3A_640 = arith.constant 16 : i32
    %broadcast_in_dim3A_641 = vector.broadcast %jit3A_640 : i32 to vector<2048x16xi32>
    %select_n3A_642 = arith.select %eq3A_639, %iota3A_621, %broadcast_in_dim3A_641 : vector<2048x16xi1>, vector<2048x16xi32>
    %reduce_min3A_643 = arith.constant dense<2147483647> : vector<2048xi32>
    %reduce_min3A_644 = vector.multi_reduction <minsi>, %select_n3A_642, %reduce_min3A_643 [1] : vector<2048x16xi32> to vector<2048xi32>
    %broadcast_in_dim3A_645 = vector.shape_cast %reduce_min3A_644 : vector<2048xi32> to vector<2048x1xi32>
    %eq3A_646 = vector.broadcast %broadcast_in_dim3A_645 : vector<2048x1xi32> to vector<2048x16xi32>
    %eq3A_647 = arith.cmpi eq, %iota3A_621, %eq3A_646 : vector<2048x16xi32>
    %jit3A_648 = arith.constant 0xFF800000 : f32
    %broadcast_in_dim3A_649 = vector.broadcast %jit3A_648 : f32 to vector<2048x16xf32>
    %select_n3A_650 = arith.select %eq3A_647, %broadcast_in_dim3A_649, %add3A_634 : vector<2048x16xi1>, vector<2048x16xf32>
    %reduce_max3A_651 = arith.constant dense<0xFF800000> : vector<2048xf32>
    %reduce_max3A_652 = vector.multi_reduction <maximumf>, %select_n3A_650, %reduce_max3A_651 [1] : vector<2048x16xf32> to vector<2048xf32>
    %broadcast_in_dim3A_653 = vector.shape_cast %reduce_max3A_652 : vector<2048xf32> to vector<2048x1xf32>
    %sub3A_654 = arith.subf %broadcast_in_dim3A_637, %broadcast_in_dim3A_653 : vector<2048x1xf32>
    %logistic3A_655 = arith.negf %sub3A_654 : vector<2048x1xf32>
    %logistic3A_656 = math.exp %logistic3A_655 : vector<2048x1xf32>
    %logistic3A_657 = arith.constant 1.000000e+00 : f32
    %logistic3A_658 = vector.broadcast %logistic3A_657 : f32 to vector<2048x1xf32>
    %logistic3A_659 = arith.addf %logistic3A_658, %logistic3A_656 : vector<2048x1xf32>
    %logistic3A_660 = arith.divf %logistic3A_658, %logistic3A_659 : vector<2048x1xf32>
    %sub3A_661 = arith.subf %broadcast_in_dim3A_653, %broadcast_in_dim3A_637 : vector<2048x1xf32>
    %logistic3A_662 = arith.negf %sub3A_661 : vector<2048x1xf32>
    %logistic3A_663 = math.exp %logistic3A_662 : vector<2048x1xf32>
    %logistic3A_664 = arith.constant 1.000000e+00 : f32
    %logistic3A_665 = vector.broadcast %logistic3A_664 : f32 to vector<2048x1xf32>
    %logistic3A_666 = arith.addf %logistic3A_665, %logistic3A_663 : vector<2048x1xf32>
    %logistic3A_667 = arith.divf %logistic3A_665, %logistic3A_666 : vector<2048x1xf32>
    %concatenate3A = tpu.concatenate %logistic3A_660, %logistic3A_667 in 0 : vector<2048x1xf32>, vector<2048x1xf32> -> vector<4096x1xf32>
    %broadcast_in_dim3A_668 = arith.constant 0.000000e+00 : f32
    %broadcast_in_dim3A_669 = vector.broadcast %broadcast_in_dim3A_668 : f32 to vector<4096x127xf32>
    %concatenate3A_670 = tpu.concatenate %concatenate3A, %broadcast_in_dim3A_669 in 1 : vector<4096x1xf32>, vector<4096x127xf32> -> vector<4096x128xf32>
    %swap3A_671 = arith.constant 0 : index
    %swap3A_672 = arith.constant 0 : index
    %swap3A_673 = vector.load %arg7[%swap3A_671, %swap3A_672] : memref<4096x128xf32, #tpu.memory_space<vmem>>, vector<4096x128xf32>
    tpu.vector_store %arg7[%swap3A_671, %swap3A_672], %concatenate3A_670 {strides = array<i32>} : memref<4096x128xf32, #tpu.memory_space<vmem>>, vector<4096x128xf32>,
    %iota3A_674 = tpu.iota {dimensions = array<i32: 0>} : vector<16x4096xi32>
    %concatenate3A_675 = tpu.concatenate %select_n3A_609, %select_n3A_612 in 1 : vector<1x2048xi32>, vector<1x2048xi32> -> vector<1x4096xi32>
    %eq3A_676 = vector.broadcast %concatenate3A_675 : vector<1x4096xi32> to vector<16x4096xi32>
    %eq3A_677 = arith.cmpi eq, %iota3A_674, %eq3A_676 : vector<16x4096xi32>
    %convert_element_type3A_678 = arith.extui %eq3A_677 : vector<16x4096xi1> to vector<16x4096xi32>
    %broadcast_in_dim3A_679 = arith.constant 0 : i32
    %broadcast_in_dim3A_680 = vector.broadcast %broadcast_in_dim3A_679 : i32 to vector<16x1xi32>
    %slice3A_681 = vector.extract_strided_slice %convert_element_type3A_678 {offsets = [0, 0], sizes = [16, 4095], strides = [1, 1]} : vector<16x4096xi32> to vector<16x4095xi32>
    %concatenate3A_682 = tpu.concatenate %broadcast_in_dim3A_680, %slice3A_681 in 1 : vector<16x1xi32>, vector<16x4095xi32> -> vector<16x4096xi32>
    %add3A_683 = arith.addi %convert_element_type3A_678, %concatenate3A_682 : vector<16x4096xi32>
    %broadcast_in_dim3A_684 = arith.constant 0 : i32
    %broadcast_in_dim3A_685 = vector.broadcast %broadcast_in_dim3A_684 : i32 to vector<16x2xi32>
    %slice3A_686 = vector.extract_strided_slice %add3A_683 {offsets = [0, 0], sizes = [16, 4094], strides = [1, 1]} : vector<16x4096xi32> to vector<16x4094xi32>
    %concatenate3A_687 = tpu.concatenate %broadcast_in_dim3A_685, %slice3A_686 in 1 : vector<16x2xi32>, vector<16x4094xi32> -> vector<16x4096xi32>
    %add3A_688 = arith.addi %add3A_683, %concatenate3A_687 : vector<16x4096xi32>
    %broadcast_in_dim3A_689 = arith.constant 0 : i32
    %broadcast_in_dim3A_690 = vector.broadcast %broadcast_in_dim3A_689 : i32 to vector<16x4xi32>
    %slice3A_691 = vector.extract_strided_slice %add3A_688 {offsets = [0, 0], sizes = [16, 4092], strides = [1, 1]} : vector<16x4096xi32> to vector<16x4092xi32>
    %concatenate3A_692 = tpu.concatenate %broadcast_in_dim3A_690, %slice3A_691 in 1 : vector<16x4xi32>, vector<16x4092xi32> -> vector<16x4096xi32>
    %add3A_693 = arith.addi %add3A_688, %concatenate3A_692 : vector<16x4096xi32>
    %broadcast_in_dim3A_694 = arith.constant 0 : i32
    %broadcast_in_dim3A_695 = vector.broadcast %broadcast_in_dim3A_694 : i32 to vector<16x8xi32>
    %slice3A_696 = vector.extract_strided_slice %add3A_693 {offsets = [0, 0], sizes = [16, 4088], strides = [1, 1]} : vector<16x4096xi32> to vector<16x4088xi32>
    %concatenate3A_697 = tpu.concatenate %broadcast_in_dim3A_695, %slice3A_696 in 1 : vector<16x8xi32>, vector<16x4088xi32> -> vector<16x4096xi32>
    %add3A_698 = arith.addi %add3A_693, %concatenate3A_697 : vector<16x4096xi32>
    %broadcast_in_dim3A_699 = arith.constant 0 : i32
    %broadcast_in_dim3A_700 = vector.broadcast %broadcast_in_dim3A_699 : i32 to vector<16x16xi32>
    %slice3A_701 = vector.extract_strided_slice %add3A_698 {offsets = [0, 0], sizes = [16, 4080], strides = [1, 1]} : vector<16x4096xi32> to vector<16x4080xi32>
    %concatenate3A_702 = tpu.concatenate %broadcast_in_dim3A_700, %slice3A_701 in 1 : vector<16x16xi32>, vector<16x4080xi32> -> vector<16x4096xi32>
    %add3A_703 = arith.addi %add3A_698, %concatenate3A_702 : vector<16x4096xi32>
    %broadcast_in_dim3A_704 = arith.constant 0 : i32
    %broadcast_in_dim3A_705 = vector.broadcast %broadcast_in_dim3A_704 : i32 to vector<16x32xi32>
    %slice3A_706 = vector.extract_strided_slice %add3A_703 {offsets = [0, 0], sizes = [16, 4064], strides = [1, 1]} : vector<16x4096xi32> to vector<16x4064xi32>
    %concatenate3A_707 = tpu.concatenate %broadcast_in_dim3A_705, %slice3A_706 in 1 : vector<16x32xi32>, vector<16x4064xi32> -> vector<16x4096xi32>
    %add3A_708 = arith.addi %add3A_703, %concatenate3A_707 : vector<16x4096xi32>
    %broadcast_in_dim3A_709 = arith.constant 0 : i32
    %broadcast_in_dim3A_710 = vector.broadcast %broadcast_in_dim3A_709 : i32 to vector<16x64xi32>
    %slice3A_711 = vector.extract_strided_slice %add3A_708 {offsets = [0, 0], sizes = [16, 4032], strides = [1, 1]} : vector<16x4096xi32> to vector<16x4032xi32>
    %concatenate3A_712 = tpu.concatenate %broadcast_in_dim3A_710, %slice3A_711 in 1 : vector<16x64xi32>, vector<16x4032xi32> -> vector<16x4096xi32>
    %add3A_713 = arith.addi %add3A_708, %concatenate3A_712 : vector<16x4096xi32>
    %broadcast_in_dim3A_714 = arith.constant 0 : i32
    %broadcast_in_dim3A_715 = vector.broadcast %broadcast_in_dim3A_714 : i32 to vector<16x128xi32>
    %slice3A_716 = vector.extract_strided_slice %add3A_713 {offsets = [0, 0], sizes = [16, 3968], strides = [1, 1]} : vector<16x4096xi32> to vector<16x3968xi32>
    %concatenate3A_717 = tpu.concatenate %broadcast_in_dim3A_715, %slice3A_716 in 1 : vector<16x128xi32>, vector<16x3968xi32> -> vector<16x4096xi32>
    %add3A_718 = arith.addi %add3A_713, %concatenate3A_717 : vector<16x4096xi32>
    %broadcast_in_dim3A_719 = arith.constant 0 : i32
    %broadcast_in_dim3A_720 = vector.broadcast %broadcast_in_dim3A_719 : i32 to vector<16x256xi32>
    %slice3A_721 = vector.extract_strided_slice %add3A_718 {offsets = [0, 0], sizes = [16, 3840], strides = [1, 1]} : vector<16x4096xi32> to vector<16x3840xi32>
    %concatenate3A_722 = tpu.concatenate %broadcast_in_dim3A_720, %slice3A_721 in 1 : vector<16x256xi32>, vector<16x3840xi32> -> vector<16x4096xi32>
    %add3A_723 = arith.addi %add3A_718, %concatenate3A_722 : vector<16x4096xi32>
    %broadcast_in_dim3A_724 = arith.constant 0 : i32
    %broadcast_in_dim3A_725 = vector.broadcast %broadcast_in_dim3A_724 : i32 to vector<16x512xi32>
    %slice3A_726 = vector.extract_strided_slice %add3A_723 {offsets = [0, 0], sizes = [16, 3584], strides = [1, 1]} : vector<16x4096xi32> to vector<16x3584xi32>
    %concatenate3A_727 = tpu.concatenate %broadcast_in_dim3A_725, %slice3A_726 in 1 : vector<16x512xi32>, vector<16x3584xi32> -> vector<16x4096xi32>
    %add3A_728 = arith.addi %add3A_723, %concatenate3A_727 : vector<16x4096xi32>
    %broadcast_in_dim3A_729 = arith.constant 0 : i32
    %broadcast_in_dim3A_730 = vector.broadcast %broadcast_in_dim3A_729 : i32 to vector<16x1024xi32>
    %slice3A_731 = vector.extract_strided_slice %add3A_728 {offsets = [0, 0], sizes = [16, 3072], strides = [1, 1]} : vector<16x4096xi32> to vector<16x3072xi32>
    %concatenate3A_732 = tpu.concatenate %broadcast_in_dim3A_730, %slice3A_731 in 1 : vector<16x1024xi32>, vector<16x3072xi32> -> vector<16x4096xi32>
    %add3A_733 = arith.addi %add3A_728, %concatenate3A_732 : vector<16x4096xi32>
    %broadcast_in_dim3A_734 = arith.constant 0 : i32
    %broadcast_in_dim3A_735 = vector.broadcast %broadcast_in_dim3A_734 : i32 to vector<16x2048xi32>
    %slice3A_736 = vector.extract_strided_slice %add3A_733 {offsets = [0, 0], sizes = [16, 2048], strides = [1, 1]} : vector<16x4096xi32> to vector<16x2048xi32>
    %concatenate3A_737 = tpu.concatenate %broadcast_in_dim3A_735, %slice3A_736 in 1 : vector<16x2048xi32>, vector<16x2048xi32> -> vector<16x4096xi32>
    %add3A_738 = arith.addi %add3A_733, %concatenate3A_737 : vector<16x4096xi32>
    %sub3A_739 = arith.subi %add3A_738, %convert_element_type3A_678 : vector<16x4096xi32>
    %slice3A_740 = vector.extract_strided_slice %add3A_738 {offsets = [0, 4095], sizes = [16, 1], strides = [1, 1]} : vector<16x4096xi32> to vector<16x1xi32>
    %add3A_741 = arith.constant 256 : i32
    %add3A_742 = vector.broadcast %add3A_741 : i32 to vector<16x1xi32>
    %add3A_743 = arith.addi %slice3A_740, %add3A_742 : vector<16x1xi32>
    %sub3A_744 = arith.constant 1 : i32
    %sub3A_745 = vector.broadcast %sub3A_744 : i32 to vector<16x1xi32>
    %sub3A_746 = arith.subi %add3A_743, %sub3A_745 : vector<16x1xi32>
    %jit3A_747 = arith.constant 256 : i32
    %div3A_748 = vector.broadcast %jit3A_747 : i32 to vector<16x1xi32>
    %div3A_749 = arith.divsi %sub3A_746, %div3A_748 : vector<16x1xi32>
    %sign3A = arith.constant 0 : i32
    %sign3A_750 = vector.broadcast %sign3A : i32 to vector<16x1xi32>
    %sign3A_751 = arith.cmpi sgt, %sub3A_746, %sign3A_750 : vector<16x1xi32>
    %sign3A_752 = arith.extui %sign3A_751 : vector<16x1xi1> to vector<16x1xi32>
    %sign3A_753 = arith.constant 0 : i32
    %sign3A_754 = vector.broadcast %sign3A_753 : i32 to vector<16x1xi32>
    %sign3A_755 = arith.cmpi slt, %sub3A_746, %sign3A_754 : vector<16x1xi32>
    %sign3A_756 = arith.extui %sign3A_755 : vector<16x1xi1> to vector<16x1xi32>
    %sign3A_757 = arith.subi %sign3A_752, %sign3A_756 : vector<16x1xi32>
    %sign3A_758 = arith.constant 0 : i32
    %sign3A_759 = arith.cmpi sgt, %jit3A_747, %sign3A_758 : i32
    %sign3A_760 = arith.extui %sign3A_759 : i1 to i32
    %sign3A_761 = arith.constant 0 : i32
    %sign3A_762 = arith.cmpi slt, %jit3A_747, %sign3A_761 : i32
    %sign3A_763 = arith.extui %sign3A_762 : i1 to i32
    %sign3A_764 = arith.subi %sign3A_760, %sign3A_763 : i32
    %ne3A = vector.broadcast %sign3A_764 : i32 to vector<16x1xi32>
    %ne3A_765 = arith.cmpi ne, %sign3A_757, %ne3A : vector<16x1xi32>
    %rem3A = vector.broadcast %jit3A_747 : i32 to vector<16x1xi32>
    %rem3A_766 = arith.remsi %sub3A_746, %rem3A : vector<16x1xi32>
    %ne3A_767 = arith.constant 0 : i32
    %ne3A_768 = vector.broadcast %ne3A_767 : i32 to vector<16x1xi32>
    %ne3A_769 = arith.cmpi ne, %rem3A_766, %ne3A_768 : vector<16x1xi32>
    %and3A = arith.andi %ne3A_765, %ne3A_769 : vector<16x1xi1>
    %sub3A_770 = arith.constant 1 : i32
    %sub3A_771 = vector.broadcast %sub3A_770 : i32 to vector<16x1xi32>
    %sub3A_772 = arith.subi %div3A_749, %sub3A_771 : vector<16x1xi32>
    %select_n3A_773 = arith.select %and3A, %sub3A_772, %div3A_749 : vector<16x1xi1>, vector<16x1xi32>
    %mul3A_774 = arith.constant 256 : i32
    %mul3A_775 = vector.broadcast %mul3A_774 : i32 to vector<16x1xi32>
    %mul3A_776 = arith.muli %select_n3A_773, %mul3A_775 : vector<16x1xi32>
    %iota3A_777 = tpu.iota {dimensions = array<i32: 0>} : vector<16x1xi32>
    %iota3A_778 = tpu.iota {dimensions = array<i32: 1>} : vector<1x32xi32>
    %broadcast_in_dim3A_779 = arith.constant 0 : i32
    %broadcast_in_dim3A_780 = vector.broadcast %broadcast_in_dim3A_779 : i32 to vector<16x1xi32>
    %broadcast_in_dim3A_781 = arith.constant 0 : i32
    %broadcast_in_dim3A_782 = vector.broadcast %broadcast_in_dim3A_781 : i32 to vector<1x1xi32>
    %eq3A_783 = arith.constant 0 : i32
    %eq3A_784 = vector.broadcast %eq3A_783 : i32 to vector<16x1xi32>
    %eq3A_785 = arith.cmpi eq, %iota3A_777, %eq3A_784 : vector<16x1xi32>
    %jit3A_786 = arith.constant 0 : i32
    %broadcast_in_dim3A_787 = vector.shape_cast %broadcast_in_dim3A_782 : vector<1x1xi32> to vector<1x1xi32>
    %broadcast_in_dim3A_788 = vector.broadcast %broadcast_in_dim3A_787 : vector<1x1xi32> to vector<16x1xi32>
    %broadcast_in_dim3A_789 = vector.broadcast %jit3A_786 : i32 to vector<16x1xi32>
    %select_n3A_790 = arith.select %eq3A_785, %broadcast_in_dim3A_788, %broadcast_in_dim3A_789 : vector<16x1xi1>, vector<16x1xi32>
    %add3A_791 = arith.addi %broadcast_in_dim3A_780, %select_n3A_790 : vector<16x1xi32>
    %eq3A_792 = arith.constant 0 : i32
    %eq3A_793 = vector.broadcast %eq3A_792 : i32 to vector<16x1xi32>
    %eq3A_794 = arith.cmpi eq, %iota3A_777, %eq3A_793 : vector<16x1xi32>
    %jit3A_795 = arith.constant 0 : i32
    %broadcast_in_dim3A_796 = vector.broadcast %jit3A_795 : i32 to vector<16x1xi32>
    %select_n3A_797 = arith.select %eq3A_794, %mul3A_776, %broadcast_in_dim3A_796 : vector<16x1xi1>, vector<16x1xi32>
    %reduce_sum3A_798 = arith.constant dense<0> : vector<1xi32>
    %reduce_sum3A_799 = vector.multi_reduction <add>, %select_n3A_797, %reduce_sum3A_798 [0] : vector<16x1xi32> to vector<1xi32>
    %broadcast_in_dim3A_800 = vector.shape_cast %reduce_sum3A_799 : vector<1xi32> to vector<1x1xi32>
    %add3A_801 = arith.addi %broadcast_in_dim3A_782, %broadcast_in_dim3A_800 : vector<1x1xi32>
    %eq3A_802 = arith.constant 1 : i32
    %eq3A_803 = vector.broadcast %eq3A_802 : i32 to vector<16x1xi32>
    %eq3A_804 = arith.cmpi eq, %iota3A_777, %eq3A_803 : vector<16x1xi32>
    %jit3A_805 = arith.constant 0 : i32
    %broadcast_in_dim3A_806 = vector.shape_cast %add3A_801 : vector<1x1xi32> to vector<1x1xi32>
    %broadcast_in_dim3A_807 = vector.broadcast %broadcast_in_dim3A_806 : vector<1x1xi32> to vector<16x1xi32>
    %broadcast_in_dim3A_808 = vector.broadcast %jit3A_805 : i32 to vector<16x1xi32>
    %select_n3A_809 = arith.select %eq3A_804, %broadcast_in_dim3A_807, %broadcast_in_dim3A_808 : vector<16x1xi1>, vector<16x1xi32>
    %add3A_810 = arith.addi %add3A_791, %select_n3A_809 : vector<16x1xi32>
    %eq3A_811 = arith.constant 1 : i32
    %eq3A_812 = vector.broadcast %eq3A_811 : i32 to vector<16x1xi32>
    %eq3A_813 = arith.cmpi eq, %iota3A_777, %eq3A_812 : vector<16x1xi32>
    %jit3A_814 = arith.constant 0 : i32
    %broadcast_in_dim3A_815 = vector.broadcast %jit3A_814 : i32 to vector<16x1xi32>
    %select_n3A_816 = arith.select %eq3A_813, %mul3A_776, %broadcast_in_dim3A_815 : vector<16x1xi1>, vector<16x1xi32>
    %reduce_sum3A_817 = arith.constant dense<0> : vector<1xi32>
    %reduce_sum3A_818 = vector.multi_reduction <add>, %select_n3A_816, %reduce_sum3A_817 [0] : vector<16x1xi32> to vector<1xi32>
    %broadcast_in_dim3A_819 = vector.shape_cast %reduce_sum3A_818 : vector<1xi32> to vector<1x1xi32>
    %add3A_820 = arith.addi %add3A_801, %broadcast_in_dim3A_819 : vector<1x1xi32>
    %eq3A_821 = arith.constant 2 : i32
    %eq3A_822 = vector.broadcast %eq3A_821 : i32 to vector<16x1xi32>
    %eq3A_823 = arith.cmpi eq, %iota3A_777, %eq3A_822 : vector<16x1xi32>
    %jit3A_824 = arith.constant 0 : i32
    %broadcast_in_dim3A_825 = vector.shape_cast %add3A_820 : vector<1x1xi32> to vector<1x1xi32>
    %broadcast_in_dim3A_826 = vector.broadcast %broadcast_in_dim3A_825 : vector<1x1xi32> to vector<16x1xi32>
    %broadcast_in_dim3A_827 = vector.broadcast %jit3A_824 : i32 to vector<16x1xi32>
    %select_n3A_828 = arith.select %eq3A_823, %broadcast_in_dim3A_826, %broadcast_in_dim3A_827 : vector<16x1xi1>, vector<16x1xi32>
    %add3A_829 = arith.addi %add3A_810, %select_n3A_828 : vector<16x1xi32>
    %eq3A_830 = arith.constant 2 : i32
    %eq3A_831 = vector.broadcast %eq3A_830 : i32 to vector<16x1xi32>
    %eq3A_832 = arith.cmpi eq, %iota3A_777, %eq3A_831 : vector<16x1xi32>
    %jit3A_833 = arith.constant 0 : i32
    %broadcast_in_dim3A_834 = vector.broadcast %jit3A_833 : i32 to vector<16x1xi32>
    %select_n3A_835 = arith.select %eq3A_832, %mul3A_776, %broadcast_in_dim3A_834 : vector<16x1xi1>, vector<16x1xi32>
    %reduce_sum3A_836 = arith.constant dense<0> : vector<1xi32>
    %reduce_sum3A_837 = vector.multi_reduction <add>, %select_n3A_835, %reduce_sum3A_836 [0] : vector<16x1xi32> to vector<1xi32>
    %broadcast_in_dim3A_838 = vector.shape_cast %reduce_sum3A_837 : vector<1xi32> to vector<1x1xi32>
    %add3A_839 = arith.addi %add3A_820, %broadcast_in_dim3A_838 : vector<1x1xi32>
    %eq3A_840 = arith.constant 3 : i32
    %eq3A_841 = vector.broadcast %eq3A_840 : i32 to vector<16x1xi32>
    %eq3A_842 = arith.cmpi eq, %iota3A_777, %eq3A_841 : vector<16x1xi32>
    %jit3A_843 = arith.constant 0 : i32
    %broadcast_in_dim3A_844 = vector.shape_cast %add3A_839 : vector<1x1xi32> to vector<1x1xi32>
    %broadcast_in_dim3A_845 = vector.broadcast %broadcast_in_dim3A_844 : vector<1x1xi32> to vector<16x1xi32>
    %broadcast_in_dim3A_846 = vector.broadcast %jit3A_843 : i32 to vector<16x1xi32>
    %select_n3A_847 = arith.select %eq3A_842, %broadcast_in_dim3A_845, %broadcast_in_dim3A_846 : vector<16x1xi1>, vector<16x1xi32>
    %add3A_848 = arith.addi %add3A_829, %select_n3A_847 : vector<16x1xi32>
    %eq3A_849 = arith.constant 3 : i32
    %eq3A_850 = vector.broadcast %eq3A_849 : i32 to vector<16x1xi32>
    %eq3A_851 = arith.cmpi eq, %iota3A_777, %eq3A_850 : vector<16x1xi32>
    %jit3A_852 = arith.constant 0 : i32
    %broadcast_in_dim3A_853 = vector.broadcast %jit3A_852 : i32 to vector<16x1xi32>
    %select_n3A_854 = arith.select %eq3A_851, %mul3A_776, %broadcast_in_dim3A_853 : vector<16x1xi1>, vector<16x1xi32>
    %reduce_sum3A_855 = arith.constant dense<0> : vector<1xi32>
    %reduce_sum3A_856 = vector.multi_reduction <add>, %select_n3A_854, %reduce_sum3A_855 [0] : vector<16x1xi32> to vector<1xi32>
    %broadcast_in_dim3A_857 = vector.shape_cast %reduce_sum3A_856 : vector<1xi32> to vector<1x1xi32>
    %add3A_858 = arith.addi %add3A_839, %broadcast_in_dim3A_857 : vector<1x1xi32>
    %eq3A_859 = arith.constant 4 : i32
    %eq3A_860 = vector.broadcast %eq3A_859 : i32 to vector<16x1xi32>
    %eq3A_861 = arith.cmpi eq, %iota3A_777, %eq3A_860 : vector<16x1xi32>
    %jit3A_862 = arith.constant 0 : i32
    %broadcast_in_dim3A_863 = vector.shape_cast %add3A_858 : vector<1x1xi32> to vector<1x1xi32>
    %broadcast_in_dim3A_864 = vector.broadcast %broadcast_in_dim3A_863 : vector<1x1xi32> to vector<16x1xi32>
    %broadcast_in_dim3A_865 = vector.broadcast %jit3A_862 : i32 to vector<16x1xi32>
    %select_n3A_866 = arith.select %eq3A_861, %broadcast_in_dim3A_864, %broadcast_in_dim3A_865 : vector<16x1xi1>, vector<16x1xi32>
    %add3A_867 = arith.addi %add3A_848, %select_n3A_866 : vector<16x1xi32>
    %eq3A_868 = arith.constant 4 : i32
    %eq3A_869 = vector.broadcast %eq3A_868 : i32 to vector<16x1xi32>
    %eq3A_870 = arith.cmpi eq, %iota3A_777, %eq3A_869 : vector<16x1xi32>
    %jit3A_871 = arith.constant 0 : i32
    %broadcast_in_dim3A_872 = vector.broadcast %jit3A_871 : i32 to vector<16x1xi32>
    %select_n3A_873 = arith.select %eq3A_870, %mul3A_776, %broadcast_in_dim3A_872 : vector<16x1xi1>, vector<16x1xi32>
    %reduce_sum3A_874 = arith.constant dense<0> : vector<1xi32>
    %reduce_sum3A_875 = vector.multi_reduction <add>, %select_n3A_873, %reduce_sum3A_874 [0] : vector<16x1xi32> to vector<1xi32>
    %broadcast_in_dim3A_876 = vector.shape_cast %reduce_sum3A_875 : vector<1xi32> to vector<1x1xi32>
    %add3A_877 = arith.addi %add3A_858, %broadcast_in_dim3A_876 : vector<1x1xi32>
    %eq3A_878 = arith.constant 5 : i32
    %eq3A_879 = vector.broadcast %eq3A_878 : i32 to vector<16x1xi32>
    %eq3A_880 = arith.cmpi eq, %iota3A_777, %eq3A_879 : vector<16x1xi32>
    %jit3A_881 = arith.constant 0 : i32
    %broadcast_in_dim3A_882 = vector.shape_cast %add3A_877 : vector<1x1xi32> to vector<1x1xi32>
    %broadcast_in_dim3A_883 = vector.broadcast %broadcast_in_dim3A_882 : vector<1x1xi32> to vector<16x1xi32>
    %broadcast_in_dim3A_884 = vector.broadcast %jit3A_881 : i32 to vector<16x1xi32>
    %select_n3A_885 = arith.select %eq3A_880, %broadcast_in_dim3A_883, %broadcast_in_dim3A_884 : vector<16x1xi1>, vector<16x1xi32>
    %add3A_886 = arith.addi %add3A_867, %select_n3A_885 : vector<16x1xi32>
    %eq3A_887 = arith.constant 5 : i32
    %eq3A_888 = vector.broadcast %eq3A_887 : i32 to vector<16x1xi32>
    %eq3A_889 = arith.cmpi eq, %iota3A_777, %eq3A_888 : vector<16x1xi32>
    %jit3A_890 = arith.constant 0 : i32
    %broadcast_in_dim3A_891 = vector.broadcast %jit3A_890 : i32 to vector<16x1xi32>
    %select_n3A_892 = arith.select %eq3A_889, %mul3A_776, %broadcast_in_dim3A_891 : vector<16x1xi1>, vector<16x1xi32>
    %reduce_sum3A_893 = arith.constant dense<0> : vector<1xi32>
    %reduce_sum3A_894 = vector.multi_reduction <add>, %select_n3A_892, %reduce_sum3A_893 [0] : vector<16x1xi32> to vector<1xi32>
    %broadcast_in_dim3A_895 = vector.shape_cast %reduce_sum3A_894 : vector<1xi32> to vector<1x1xi32>
    %add3A_896 = arith.addi %add3A_877, %broadcast_in_dim3A_895 : vector<1x1xi32>
    %eq3A_897 = arith.constant 6 : i32
    %eq3A_898 = vector.broadcast %eq3A_897 : i32 to vector<16x1xi32>
    %eq3A_899 = arith.cmpi eq, %iota3A_777, %eq3A_898 : vector<16x1xi32>
    %jit3A_900 = arith.constant 0 : i32
    %broadcast_in_dim3A_901 = vector.shape_cast %add3A_896 : vector<1x1xi32> to vector<1x1xi32>
    %broadcast_in_dim3A_902 = vector.broadcast %broadcast_in_dim3A_901 : vector<1x1xi32> to vector<16x1xi32>
    %broadcast_in_dim3A_903 = vector.broadcast %jit3A_900 : i32 to vector<16x1xi32>
    %select_n3A_904 = arith.select %eq3A_899, %broadcast_in_dim3A_902, %broadcast_in_dim3A_903 : vector<16x1xi1>, vector<16x1xi32>
    %add3A_905 = arith.addi %add3A_886, %select_n3A_904 : vector<16x1xi32>
    %eq3A_906 = arith.constant 6 : i32
    %eq3A_907 = vector.broadcast %eq3A_906 : i32 to vector<16x1xi32>
    %eq3A_908 = arith.cmpi eq, %iota3A_777, %eq3A_907 : vector<16x1xi32>
    %jit3A_909 = arith.constant 0 : i32
    %broadcast_in_dim3A_910 = vector.broadcast %jit3A_909 : i32 to vector<16x1xi32>
    %select_n3A_911 = arith.select %eq3A_908, %mul3A_776, %broadcast_in_dim3A_910 : vector<16x1xi1>, vector<16x1xi32>
    %reduce_sum3A_912 = arith.constant dense<0> : vector<1xi32>
    %reduce_sum3A_913 = vector.multi_reduction <add>, %select_n3A_911, %reduce_sum3A_912 [0] : vector<16x1xi32> to vector<1xi32>
    %broadcast_in_dim3A_914 = vector.shape_cast %reduce_sum3A_913 : vector<1xi32> to vector<1x1xi32>
    %add3A_915 = arith.addi %add3A_896, %broadcast_in_dim3A_914 : vector<1x1xi32>
    %eq3A_916 = arith.constant 7 : i32
    %eq3A_917 = vector.broadcast %eq3A_916 : i32 to vector<16x1xi32>
    %eq3A_918 = arith.cmpi eq, %iota3A_777, %eq3A_917 : vector<16x1xi32>
    %jit3A_919 = arith.constant 0 : i32
    %broadcast_in_dim3A_920 = vector.shape_cast %add3A_915 : vector<1x1xi32> to vector<1x1xi32>
    %broadcast_in_dim3A_921 = vector.broadcast %broadcast_in_dim3A_920 : vector<1x1xi32> to vector<16x1xi32>
    %broadcast_in_dim3A_922 = vector.broadcast %jit3A_919 : i32 to vector<16x1xi32>
    %select_n3A_923 = arith.select %eq3A_918, %broadcast_in_dim3A_921, %broadcast_in_dim3A_922 : vector<16x1xi1>, vector<16x1xi32>
    %add3A_924 = arith.addi %add3A_905, %select_n3A_923 : vector<16x1xi32>
    %eq3A_925 = arith.constant 7 : i32
    %eq3A_926 = vector.broadcast %eq3A_925 : i32 to vector<16x1xi32>
    %eq3A_927 = arith.cmpi eq, %iota3A_777, %eq3A_926 : vector<16x1xi32>
    %jit3A_928 = arith.constant 0 : i32
    %broadcast_in_dim3A_929 = vector.broadcast %jit3A_928 : i32 to vector<16x1xi32>
    %select_n3A_930 = arith.select %eq3A_927, %mul3A_776, %broadcast_in_dim3A_929 : vector<16x1xi1>, vector<16x1xi32>
    %reduce_sum3A_931 = arith.constant dense<0> : vector<1xi32>
    %reduce_sum3A_932 = vector.multi_reduction <add>, %select_n3A_930, %reduce_sum3A_931 [0] : vector<16x1xi32> to vector<1xi32>
    %broadcast_in_dim3A_933 = vector.shape_cast %reduce_sum3A_932 : vector<1xi32> to vector<1x1xi32>
    %add3A_934 = arith.addi %add3A_915, %broadcast_in_dim3A_933 : vector<1x1xi32>
    %eq3A_935 = arith.constant 8 : i32
    %eq3A_936 = vector.broadcast %eq3A_935 : i32 to vector<16x1xi32>
    %eq3A_937 = arith.cmpi eq, %iota3A_777, %eq3A_936 : vector<16x1xi32>
    %jit3A_938 = arith.constant 0 : i32
    %broadcast_in_dim3A_939 = vector.shape_cast %add3A_934 : vector<1x1xi32> to vector<1x1xi32>
    %broadcast_in_dim3A_940 = vector.broadcast %broadcast_in_dim3A_939 : vector<1x1xi32> to vector<16x1xi32>
    %broadcast_in_dim3A_941 = vector.broadcast %jit3A_938 : i32 to vector<16x1xi32>
    %select_n3A_942 = arith.select %eq3A_937, %broadcast_in_dim3A_940, %broadcast_in_dim3A_941 : vector<16x1xi1>, vector<16x1xi32>
    %add3A_943 = arith.addi %add3A_924, %select_n3A_942 : vector<16x1xi32>
    %eq3A_944 = arith.constant 8 : i32
    %eq3A_945 = vector.broadcast %eq3A_944 : i32 to vector<16x1xi32>
    %eq3A_946 = arith.cmpi eq, %iota3A_777, %eq3A_945 : vector<16x1xi32>
    %jit3A_947 = arith.constant 0 : i32
    %broadcast_in_dim3A_948 = vector.broadcast %jit3A_947 : i32 to vector<16x1xi32>
    %select_n3A_949 = arith.select %eq3A_946, %mul3A_776, %broadcast_in_dim3A_948 : vector<16x1xi1>, vector<16x1xi32>
    %reduce_sum3A_950 = arith.constant dense<0> : vector<1xi32>
    %reduce_sum3A_951 = vector.multi_reduction <add>, %select_n3A_949, %reduce_sum3A_950 [0] : vector<16x1xi32> to vector<1xi32>
    %broadcast_in_dim3A_952 = vector.shape_cast %reduce_sum3A_951 : vector<1xi32> to vector<1x1xi32>
    %add3A_953 = arith.addi %add3A_934, %broadcast_in_dim3A_952 : vector<1x1xi32>
    %eq3A_954 = arith.constant 9 : i32
    %eq3A_955 = vector.broadcast %eq3A_954 : i32 to vector<16x1xi32>
    %eq3A_956 = arith.cmpi eq, %iota3A_777, %eq3A_955 : vector<16x1xi32>
    %jit3A_957 = arith.constant 0 : i32
    %broadcast_in_dim3A_958 = vector.shape_cast %add3A_953 : vector<1x1xi32> to vector<1x1xi32>
    %broadcast_in_dim3A_959 = vector.broadcast %broadcast_in_dim3A_958 : vector<1x1xi32> to vector<16x1xi32>
    %broadcast_in_dim3A_960 = vector.broadcast %jit3A_957 : i32 to vector<16x1xi32>
    %select_n3A_961 = arith.select %eq3A_956, %broadcast_in_dim3A_959, %broadcast_in_dim3A_960 : vector<16x1xi1>, vector<16x1xi32>
    %add3A_962 = arith.addi %add3A_943, %select_n3A_961 : vector<16x1xi32>
    %eq3A_963 = arith.constant 9 : i32
    %eq3A_964 = vector.broadcast %eq3A_963 : i32 to vector<16x1xi32>
    %eq3A_965 = arith.cmpi eq, %iota3A_777, %eq3A_964 : vector<16x1xi32>
    %jit3A_966 = arith.constant 0 : i32
    %broadcast_in_dim3A_967 = vector.broadcast %jit3A_966 : i32 to vector<16x1xi32>
    %select_n3A_968 = arith.select %eq3A_965, %mul3A_776, %broadcast_in_dim3A_967 : vector<16x1xi1>, vector<16x1xi32>
    %reduce_sum3A_969 = arith.constant dense<0> : vector<1xi32>
    %reduce_sum3A_970 = vector.multi_reduction <add>, %select_n3A_968, %reduce_sum3A_969 [0] : vector<16x1xi32> to vector<1xi32>
    %broadcast_in_dim3A_971 = vector.shape_cast %reduce_sum3A_970 : vector<1xi32> to vector<1x1xi32>
    %add3A_972 = arith.addi %add3A_953, %broadcast_in_dim3A_971 : vector<1x1xi32>
    %eq3A_973 = arith.constant 10 : i32
    %eq3A_974 = vector.broadcast %eq3A_973 : i32 to vector<16x1xi32>
    %eq3A_975 = arith.cmpi eq, %iota3A_777, %eq3A_974 : vector<16x1xi32>
    %jit3A_976 = arith.constant 0 : i32
    %broadcast_in_dim3A_977 = vector.shape_cast %add3A_972 : vector<1x1xi32> to vector<1x1xi32>
    %broadcast_in_dim3A_978 = vector.broadcast %broadcast_in_dim3A_977 : vector<1x1xi32> to vector<16x1xi32>
    %broadcast_in_dim3A_979 = vector.broadcast %jit3A_976 : i32 to vector<16x1xi32>
    %select_n3A_980 = arith.select %eq3A_975, %broadcast_in_dim3A_978, %broadcast_in_dim3A_979 : vector<16x1xi1>, vector<16x1xi32>
    %add3A_981 = arith.addi %add3A_962, %select_n3A_980 : vector<16x1xi32>
    %eq3A_982 = arith.constant 10 : i32
    %eq3A_983 = vector.broadcast %eq3A_982 : i32 to vector<16x1xi32>
    %eq3A_984 = arith.cmpi eq, %iota3A_777, %eq3A_983 : vector<16x1xi32>
    %jit3A_985 = arith.constant 0 : i32
    %broadcast_in_dim3A_986 = vector.broadcast %jit3A_985 : i32 to vector<16x1xi32>
    %select_n3A_987 = arith.select %eq3A_984, %mul3A_776, %broadcast_in_dim3A_986 : vector<16x1xi1>, vector<16x1xi32>
    %reduce_sum3A_988 = arith.constant dense<0> : vector<1xi32>
    %reduce_sum3A_989 = vector.multi_reduction <add>, %select_n3A_987, %reduce_sum3A_988 [0] : vector<16x1xi32> to vector<1xi32>
    %broadcast_in_dim3A_990 = vector.shape_cast %reduce_sum3A_989 : vector<1xi32> to vector<1x1xi32>
    %add3A_991 = arith.addi %add3A_972, %broadcast_in_dim3A_990 : vector<1x1xi32>
    %eq3A_992 = arith.constant 11 : i32
    %eq3A_993 = vector.broadcast %eq3A_992 : i32 to vector<16x1xi32>
    %eq3A_994 = arith.cmpi eq, %iota3A_777, %eq3A_993 : vector<16x1xi32>
    %jit3A_995 = arith.constant 0 : i32
    %broadcast_in_dim3A_996 = vector.shape_cast %add3A_991 : vector<1x1xi32> to vector<1x1xi32>
    %broadcast_in_dim3A_997 = vector.broadcast %broadcast_in_dim3A_996 : vector<1x1xi32> to vector<16x1xi32>
    %broadcast_in_dim3A_998 = vector.broadcast %jit3A_995 : i32 to vector<16x1xi32>
    %select_n3A_999 = arith.select %eq3A_994, %broadcast_in_dim3A_997, %broadcast_in_dim3A_998 : vector<16x1xi1>, vector<16x1xi32>
    %add3A_1000 = arith.addi %add3A_981, %select_n3A_999 : vector<16x1xi32>
    %eq3A_1001 = arith.constant 11 : i32
    %eq3A_1002 = vector.broadcast %eq3A_1001 : i32 to vector<16x1xi32>
    %eq3A_1003 = arith.cmpi eq, %iota3A_777, %eq3A_1002 : vector<16x1xi32>
    %jit3A_1004 = arith.constant 0 : i32
    %broadcast_in_dim3A_1005 = vector.broadcast %jit3A_1004 : i32 to vector<16x1xi32>
    %select_n3A_1006 = arith.select %eq3A_1003, %mul3A_776, %broadcast_in_dim3A_1005 : vector<16x1xi1>, vector<16x1xi32>
    %reduce_sum3A_1007 = arith.constant dense<0> : vector<1xi32>
    %reduce_sum3A_1008 = vector.multi_reduction <add>, %select_n3A_1006, %reduce_sum3A_1007 [0] : vector<16x1xi32> to vector<1xi32>
    %broadcast_in_dim3A_1009 = vector.shape_cast %reduce_sum3A_1008 : vector<1xi32> to vector<1x1xi32>
    %add3A_1010 = arith.addi %add3A_991, %broadcast_in_dim3A_1009 : vector<1x1xi32>
    %eq3A_1011 = arith.constant 12 : i32
    %eq3A_1012 = vector.broadcast %eq3A_1011 : i32 to vector<16x1xi32>
    %eq3A_1013 = arith.cmpi eq, %iota3A_777, %eq3A_1012 : vector<16x1xi32>
    %jit3A_1014 = arith.constant 0 : i32
    %broadcast_in_dim3A_1015 = vector.shape_cast %add3A_1010 : vector<1x1xi32> to vector<1x1xi32>
    %broadcast_in_dim3A_1016 = vector.broadcast %broadcast_in_dim3A_1015 : vector<1x1xi32> to vector<16x1xi32>
    %broadcast_in_dim3A_1017 = vector.broadcast %jit3A_1014 : i32 to vector<16x1xi32>
    %select_n3A_1018 = arith.select %eq3A_1013, %broadcast_in_dim3A_1016, %broadcast_in_dim3A_1017 : vector<16x1xi1>, vector<16x1xi32>
    %add3A_1019 = arith.addi %add3A_1000, %select_n3A_1018 : vector<16x1xi32>
    %eq3A_1020 = arith.constant 12 : i32
    %eq3A_1021 = vector.broadcast %eq3A_1020 : i32 to vector<16x1xi32>
    %eq3A_1022 = arith.cmpi eq, %iota3A_777, %eq3A_1021 : vector<16x1xi32>
    %jit3A_1023 = arith.constant 0 : i32
    %broadcast_in_dim3A_1024 = vector.broadcast %jit3A_1023 : i32 to vector<16x1xi32>
    %select_n3A_1025 = arith.select %eq3A_1022, %mul3A_776, %broadcast_in_dim3A_1024 : vector<16x1xi1>, vector<16x1xi32>
    %reduce_sum3A_1026 = arith.constant dense<0> : vector<1xi32>
    %reduce_sum3A_1027 = vector.multi_reduction <add>, %select_n3A_1025, %reduce_sum3A_1026 [0] : vector<16x1xi32> to vector<1xi32>
    %broadcast_in_dim3A_1028 = vector.shape_cast %reduce_sum3A_1027 : vector<1xi32> to vector<1x1xi32>
    %add3A_1029 = arith.addi %add3A_1010, %broadcast_in_dim3A_1028 : vector<1x1xi32>
    %eq3A_1030 = arith.constant 13 : i32
    %eq3A_1031 = vector.broadcast %eq3A_1030 : i32 to vector<16x1xi32>
    %eq3A_1032 = arith.cmpi eq, %iota3A_777, %eq3A_1031 : vector<16x1xi32>
    %jit3A_1033 = arith.constant 0 : i32
    %broadcast_in_dim3A_1034 = vector.shape_cast %add3A_1029 : vector<1x1xi32> to vector<1x1xi32>
    %broadcast_in_dim3A_1035 = vector.broadcast %broadcast_in_dim3A_1034 : vector<1x1xi32> to vector<16x1xi32>
    %broadcast_in_dim3A_1036 = vector.broadcast %jit3A_1033 : i32 to vector<16x1xi32>
    %select_n3A_1037 = arith.select %eq3A_1032, %broadcast_in_dim3A_1035, %broadcast_in_dim3A_1036 : vector<16x1xi1>, vector<16x1xi32>
    %add3A_1038 = arith.addi %add3A_1019, %select_n3A_1037 : vector<16x1xi32>
    %eq3A_1039 = arith.constant 13 : i32
    %eq3A_1040 = vector.broadcast %eq3A_1039 : i32 to vector<16x1xi32>
    %eq3A_1041 = arith.cmpi eq, %iota3A_777, %eq3A_1040 : vector<16x1xi32>
    %jit3A_1042 = arith.constant 0 : i32
    %broadcast_in_dim3A_1043 = vector.broadcast %jit3A_1042 : i32 to vector<16x1xi32>
    %select_n3A_1044 = arith.select %eq3A_1041, %mul3A_776, %broadcast_in_dim3A_1043 : vector<16x1xi1>, vector<16x1xi32>
    %reduce_sum3A_1045 = arith.constant dense<0> : vector<1xi32>
    %reduce_sum3A_1046 = vector.multi_reduction <add>, %select_n3A_1044, %reduce_sum3A_1045 [0] : vector<16x1xi32> to vector<1xi32>
    %broadcast_in_dim3A_1047 = vector.shape_cast %reduce_sum3A_1046 : vector<1xi32> to vector<1x1xi32>
    %add3A_1048 = arith.addi %add3A_1029, %broadcast_in_dim3A_1047 : vector<1x1xi32>
    %eq3A_1049 = arith.constant 14 : i32
    %eq3A_1050 = vector.broadcast %eq3A_1049 : i32 to vector<16x1xi32>
    %eq3A_1051 = arith.cmpi eq, %iota3A_777, %eq3A_1050 : vector<16x1xi32>
    %jit3A_1052 = arith.constant 0 : i32
    %broadcast_in_dim3A_1053 = vector.shape_cast %add3A_1048 : vector<1x1xi32> to vector<1x1xi32>
    %broadcast_in_dim3A_1054 = vector.broadcast %broadcast_in_dim3A_1053 : vector<1x1xi32> to vector<16x1xi32>
    %broadcast_in_dim3A_1055 = vector.broadcast %jit3A_1052 : i32 to vector<16x1xi32>
    %select_n3A_1056 = arith.select %eq3A_1051, %broadcast_in_dim3A_1054, %broadcast_in_dim3A_1055 : vector<16x1xi1>, vector<16x1xi32>
    %add3A_1057 = arith.addi %add3A_1038, %select_n3A_1056 : vector<16x1xi32>
    %eq3A_1058 = arith.constant 14 : i32
    %eq3A_1059 = vector.broadcast %eq3A_1058 : i32 to vector<16x1xi32>
    %eq3A_1060 = arith.cmpi eq, %iota3A_777, %eq3A_1059 : vector<16x1xi32>
    %jit3A_1061 = arith.constant 0 : i32
    %broadcast_in_dim3A_1062 = vector.broadcast %jit3A_1061 : i32 to vector<16x1xi32>
    %select_n3A_1063 = arith.select %eq3A_1060, %mul3A_776, %broadcast_in_dim3A_1062 : vector<16x1xi1>, vector<16x1xi32>
    %reduce_sum3A_1064 = arith.constant dense<0> : vector<1xi32>
    %reduce_sum3A_1065 = vector.multi_reduction <add>, %select_n3A_1063, %reduce_sum3A_1064 [0] : vector<16x1xi32> to vector<1xi32>
    %broadcast_in_dim3A_1066 = vector.shape_cast %reduce_sum3A_1065 : vector<1xi32> to vector<1x1xi32>
    %add3A_1067 = arith.addi %add3A_1048, %broadcast_in_dim3A_1066 : vector<1x1xi32>
    %eq3A_1068 = arith.constant 15 : i32
    %eq3A_1069 = vector.broadcast %eq3A_1068 : i32 to vector<16x1xi32>
    %eq3A_1070 = arith.cmpi eq, %iota3A_777, %eq3A_1069 : vector<16x1xi32>
    %jit3A_1071 = arith.constant 0 : i32
    %broadcast_in_dim3A_1072 = vector.shape_cast %add3A_1067 : vector<1x1xi32> to vector<1x1xi32>
    %broadcast_in_dim3A_1073 = vector.broadcast %broadcast_in_dim3A_1072 : vector<1x1xi32> to vector<16x1xi32>
    %broadcast_in_dim3A_1074 = vector.broadcast %jit3A_1071 : i32 to vector<16x1xi32>
    %select_n3A_1075 = arith.select %eq3A_1070, %broadcast_in_dim3A_1073, %broadcast_in_dim3A_1074 : vector<16x1xi1>, vector<16x1xi32>
    %add3A_1076 = arith.addi %add3A_1057, %select_n3A_1075 : vector<16x1xi32>
    %add3A_1077 = vector.broadcast %add3A_1076 : vector<16x1xi32> to vector<16x4096xi32>
    %add3A_1078 = arith.addi %sub3A_739, %add3A_1077 : vector<16x4096xi32>
    %mul3A_1079 = arith.muli %add3A_1078, %convert_element_type3A_678 : vector<16x4096xi32>
    %reduce_sum3A_1080 = arith.constant dense<0> : vector<4096xi32>
    %reduce_sum3A_1081 = vector.multi_reduction <add>, %mul3A_1079, %reduce_sum3A_1080 [0] : vector<16x4096xi32> to vector<4096xi32>
    %broadcast_in_dim3A_1082 = vector.shape_cast %reduce_sum3A_1081 : vector<4096xi32> to vector<1x4096xi32>
    %reshape3A = vector.shape_cast %broadcast_in_dim3A_1082 : vector<1x4096xi32> to vector<32x128xi32>
    %swap3A_1083 = arith.constant 0 : index
    %swap3A_1084 = arith.constant 0 : index
    %swap3A_1085 = vector.load %arg6[%swap3A_1083, %swap3A_1084] : memref<32x128xi32, #tpu.memory_space<vmem>>, vector<32x128xi32>
    tpu.vector_store %arg6[%swap3A_1083, %swap3A_1084], %reshape3A {strides = array<i32>} : memref<32x128xi32, #tpu.memory_space<vmem>>, vector<32x128xi32>,
    %add3A_1086 = arith.addi %add3A_1076, %slice3A_740 : vector<16x1xi32>
    %add3A_1087 = arith.addi %add3A_1076, %mul3A_776 : vector<16x1xi32>
    %jit3A_1088 = arith.constant 256 : i32
    %div3A_1089 = vector.broadcast %jit3A_1088 : i32 to vector<16x1xi32>
    %div3A_1090 = arith.divsi %add3A_1087, %div3A_1089 : vector<16x1xi32>
    %sign3A_1091 = arith.constant 0 : i32
    %sign3A_1092 = vector.broadcast %sign3A_1091 : i32 to vector<16x1xi32>
    %sign3A_1093 = arith.cmpi sgt, %add3A_1087, %sign3A_1092 : vector<16x1xi32>
    %sign3A_1094 = arith.extui %sign3A_1093 : vector<16x1xi1> to vector<16x1xi32>
    %sign3A_1095 = arith.constant 0 : i32
    %sign3A_1096 = vector.broadcast %sign3A_1095 : i32 to vector<16x1xi32>
    %sign3A_1097 = arith.cmpi slt, %add3A_1087, %sign3A_1096 : vector<16x1xi32>
    %sign3A_1098 = arith.extui %sign3A_1097 : vector<16x1xi1> to vector<16x1xi32>
    %sign3A_1099 = arith.subi %sign3A_1094, %sign3A_1098 : vector<16x1xi32>
    %sign3A_1100 = arith.constant 0 : i32
    %sign3A_1101 = arith.cmpi sgt, %jit3A_1088, %sign3A_1100 : i32
    %sign3A_1102 = arith.extui %sign3A_1101 : i1 to i32
    %sign3A_1103 = arith.constant 0 : i32
    %sign3A_1104 = arith.cmpi slt, %jit3A_1088, %sign3A_1103 : i32
    %sign3A_1105 = arith.extui %sign3A_1104 : i1 to i32
    %sign3A_1106 = arith.subi %sign3A_1102, %sign3A_1105 : i32
    %ne3A_1107 = vector.broadcast %sign3A_1106 : i32 to vector<16x1xi32>
    %ne3A_1108 = arith.cmpi ne, %sign3A_1099, %ne3A_1107 : vector<16x1xi32>
    %rem3A_1109 = vector.broadcast %jit3A_1088 : i32 to vector<16x1xi32>
    %rem3A_1110 = arith.remsi %add3A_1087, %rem3A_1109 : vector<16x1xi32>
    %ne3A_1111 = arith.constant 0 : i32
    %ne3A_1112 = vector.broadcast %ne3A_1111 : i32 to vector<16x1xi32>
    %ne3A_1113 = arith.cmpi ne, %rem3A_1110, %ne3A_1112 : vector<16x1xi32>
    %and3A_1114 = arith.andi %ne3A_1108, %ne3A_1113 : vector<16x1xi1>
    %sub3A_1115 = arith.constant 1 : i32
    %sub3A_1116 = vector.broadcast %sub3A_1115 : i32 to vector<16x1xi32>
    %sub3A_1117 = arith.subi %div3A_1090, %sub3A_1116 : vector<16x1xi32>
    %select_n3A_1118 = arith.select %and3A_1114, %sub3A_1117, %div3A_1090 : vector<16x1xi1>, vector<16x1xi32>
    %broadcast_in_dim3A_1119 = arith.constant 0 : i32
    %broadcast_in_dim3A_1120 = vector.broadcast %broadcast_in_dim3A_1119 : i32 to vector<1x32xi32>
    %eq3A_1121 = arith.constant 0 : i32
    %eq3A_1122 = vector.broadcast %eq3A_1121 : i32 to vector<16x1xi32>
    %eq3A_1123 = arith.cmpi eq, %iota3A_777, %eq3A_1122 : vector<16x1xi32>
    %jit3A_1124 = arith.constant 0 : i32
    %broadcast_in_dim3A_1125 = vector.broadcast %jit3A_1124 : i32 to vector<16x1xi32>
    %select_n3A_1126 = arith.select %eq3A_1123, %select_n3A_1118, %broadcast_in_dim3A_1125 : vector<16x1xi1>, vector<16x1xi32>
    %reduce_sum3A_1127 = arith.constant dense<0> : vector<1xi32>
    %reduce_sum3A_1128 = vector.multi_reduction <add>, %select_n3A_1126, %reduce_sum3A_1127 [0] : vector<16x1xi32> to vector<1xi32>
    %broadcast_in_dim3A_1129 = vector.shape_cast %reduce_sum3A_1128 : vector<1xi32> to vector<1x1xi32>
    %ge3A = vector.broadcast %broadcast_in_dim3A_1129 : vector<1x1xi32> to vector<1x32xi32>
    %ge3A_1130 = arith.cmpi sge, %iota3A_778, %ge3A : vector<1x32xi32>
    %convert_element_type3A_1131 = arith.extui %ge3A_1130 : vector<1x32xi1> to vector<1x32xi32>
    %add3A_1132 = arith.addi %broadcast_in_dim3A_1120, %convert_element_type3A_1131 : vector<1x32xi32>
    %eq3A_1133 = arith.constant 1 : i32
    %eq3A_1134 = vector.broadcast %eq3A_1133 : i32 to vector<16x1xi32>
    %eq3A_1135 = arith.cmpi eq, %iota3A_777, %eq3A_1134 : vector<16x1xi32>
    %jit3A_1136 = arith.constant 0 : i32
    %broadcast_in_dim3A_1137 = vector.broadcast %jit3A_1136 : i32 to vector<16x1xi32>
    %select_n3A_1138 = arith.select %eq3A_1135, %select_n3A_1118, %broadcast_in_dim3A_1137 : vector<16x1xi1>, vector<16x1xi32>
    %reduce_sum3A_1139 = arith.constant dense<0> : vector<1xi32>
    %reduce_sum3A_1140 = vector.multi_reduction <add>, %select_n3A_1138, %reduce_sum3A_1139 [0] : vector<16x1xi32> to vector<1xi32>
    %broadcast_in_dim3A_1141 = vector.shape_cast %reduce_sum3A_1140 : vector<1xi32> to vector<1x1xi32>
    %ge3A_1142 = vector.broadcast %broadcast_in_dim3A_1141 : vector<1x1xi32> to vector<1x32xi32>
    %ge3A_1143 = arith.cmpi sge, %iota3A_778, %ge3A_1142 : vector<1x32xi32>
    %convert_element_type3A_1144 = arith.extui %ge3A_1143 : vector<1x32xi1> to vector<1x32xi32>
    %add3A_1145 = arith.addi %add3A_1132, %convert_element_type3A_1144 : vector<1x32xi32>
    %eq3A_1146 = arith.constant 2 : i32
    %eq3A_1147 = vector.broadcast %eq3A_1146 : i32 to vector<16x1xi32>
    %eq3A_1148 = arith.cmpi eq, %iota3A_777, %eq3A_1147 : vector<16x1xi32>
    %jit3A_1149 = arith.constant 0 : i32
    %broadcast_in_dim3A_1150 = vector.broadcast %jit3A_1149 : i32 to vector<16x1xi32>
    %select_n3A_1151 = arith.select %eq3A_1148, %select_n3A_1118, %broadcast_in_dim3A_1150 : vector<16x1xi1>, vector<16x1xi32>
    %reduce_sum3A_1152 = arith.constant dense<0> : vector<1xi32>
    %reduce_sum3A_1153 = vector.multi_reduction <add>, %select_n3A_1151, %reduce_sum3A_1152 [0] : vector<16x1xi32> to vector<1xi32>
    %broadcast_in_dim3A_1154 = vector.shape_cast %reduce_sum3A_1153 : vector<1xi32> to vector<1x1xi32>
    %ge3A_1155 = vector.broadcast %broadcast_in_dim3A_1154 : vector<1x1xi32> to vector<1x32xi32>
    %ge3A_1156 = arith.cmpi sge, %iota3A_778, %ge3A_1155 : vector<1x32xi32>
    %convert_element_type3A_1157 = arith.extui %ge3A_1156 : vector<1x32xi1> to vector<1x32xi32>
    %add3A_1158 = arith.addi %add3A_1145, %convert_element_type3A_1157 : vector<1x32xi32>
    %eq3A_1159 = arith.constant 3 : i32
    %eq3A_1160 = vector.broadcast %eq3A_1159 : i32 to vector<16x1xi32>
    %eq3A_1161 = arith.cmpi eq, %iota3A_777, %eq3A_1160 : vector<16x1xi32>
    %jit3A_1162 = arith.constant 0 : i32
    %broadcast_in_dim3A_1163 = vector.broadcast %jit3A_1162 : i32 to vector<16x1xi32>
    %select_n3A_1164 = arith.select %eq3A_1161, %select_n3A_1118, %broadcast_in_dim3A_1163 : vector<16x1xi1>, vector<16x1xi32>
    %reduce_sum3A_1165 = arith.constant dense<0> : vector<1xi32>
    %reduce_sum3A_1166 = vector.multi_reduction <add>, %select_n3A_1164, %reduce_sum3A_1165 [0] : vector<16x1xi32> to vector<1xi32>
    %broadcast_in_dim3A_1167 = vector.shape_cast %reduce_sum3A_1166 : vector<1xi32> to vector<1x1xi32>
    %ge3A_1168 = vector.broadcast %broadcast_in_dim3A_1167 : vector<1x1xi32> to vector<1x32xi32>
    %ge3A_1169 = arith.cmpi sge, %iota3A_778, %ge3A_1168 : vector<1x32xi32>
    %convert_element_type3A_1170 = arith.extui %ge3A_1169 : vector<1x32xi1> to vector<1x32xi32>
    %add3A_1171 = arith.addi %add3A_1158, %convert_element_type3A_1170 : vector<1x32xi32>
    %eq3A_1172 = arith.constant 4 : i32
    %eq3A_1173 = vector.broadcast %eq3A_1172 : i32 to vector<16x1xi32>
    %eq3A_1174 = arith.cmpi eq, %iota3A_777, %eq3A_1173 : vector<16x1xi32>
    %jit3A_1175 = arith.constant 0 : i32
    %broadcast_in_dim3A_1176 = vector.broadcast %jit3A_1175 : i32 to vector<16x1xi32>
    %select_n3A_1177 = arith.select %eq3A_1174, %select_n3A_1118, %broadcast_in_dim3A_1176 : vector<16x1xi1>, vector<16x1xi32>
    %reduce_sum3A_1178 = arith.constant dense<0> : vector<1xi32>
    %reduce_sum3A_1179 = vector.multi_reduction <add>, %select_n3A_1177, %reduce_sum3A_1178 [0] : vector<16x1xi32> to vector<1xi32>
    %broadcast_in_dim3A_1180 = vector.shape_cast %reduce_sum3A_1179 : vector<1xi32> to vector<1x1xi32>
    %ge3A_1181 = vector.broadcast %broadcast_in_dim3A_1180 : vector<1x1xi32> to vector<1x32xi32>
    %ge3A_1182 = arith.cmpi sge, %iota3A_778, %ge3A_1181 : vector<1x32xi32>
    %convert_element_type3A_1183 = arith.extui %ge3A_1182 : vector<1x32xi1> to vector<1x32xi32>
    %add3A_1184 = arith.addi %add3A_1171, %convert_element_type3A_1183 : vector<1x32xi32>
    %eq3A_1185 = arith.constant 5 : i32
    %eq3A_1186 = vector.broadcast %eq3A_1185 : i32 to vector<16x1xi32>
    %eq3A_1187 = arith.cmpi eq, %iota3A_777, %eq3A_1186 : vector<16x1xi32>
    %jit3A_1188 = arith.constant 0 : i32
    %broadcast_in_dim3A_1189 = vector.broadcast %jit3A_1188 : i32 to vector<16x1xi32>
    %select_n3A_1190 = arith.select %eq3A_1187, %select_n3A_1118, %broadcast_in_dim3A_1189 : vector<16x1xi1>, vector<16x1xi32>
    %reduce_sum3A_1191 = arith.constant dense<0> : vector<1xi32>
    %reduce_sum3A_1192 = vector.multi_reduction <add>, %select_n3A_1190, %reduce_sum3A_1191 [0] : vector<16x1xi32> to vector<1xi32>
    %broadcast_in_dim3A_1193 = vector.shape_cast %reduce_sum3A_1192 : vector<1xi32> to vector<1x1xi32>
    %ge3A_1194 = vector.broadcast %broadcast_in_dim3A_1193 : vector<1x1xi32> to vector<1x32xi32>
    %ge3A_1195 = arith.cmpi sge, %iota3A_778, %ge3A_1194 : vector<1x32xi32>
    %convert_element_type3A_1196 = arith.extui %ge3A_1195 : vector<1x32xi1> to vector<1x32xi32>
    %add3A_1197 = arith.addi %add3A_1184, %convert_element_type3A_1196 : vector<1x32xi32>
    %eq3A_1198 = arith.constant 6 : i32
    %eq3A_1199 = vector.broadcast %eq3A_1198 : i32 to vector<16x1xi32>
    %eq3A_1200 = arith.cmpi eq, %iota3A_777, %eq3A_1199 : vector<16x1xi32>
    %jit3A_1201 = arith.constant 0 : i32
    %broadcast_in_dim3A_1202 = vector.broadcast %jit3A_1201 : i32 to vector<16x1xi32>
    %select_n3A_1203 = arith.select %eq3A_1200, %select_n3A_1118, %broadcast_in_dim3A_1202 : vector<16x1xi1>, vector<16x1xi32>
    %reduce_sum3A_1204 = arith.constant dense<0> : vector<1xi32>
    %reduce_sum3A_1205 = vector.multi_reduction <add>, %select_n3A_1203, %reduce_sum3A_1204 [0] : vector<16x1xi32> to vector<1xi32>
    %broadcast_in_dim3A_1206 = vector.shape_cast %reduce_sum3A_1205 : vector<1xi32> to vector<1x1xi32>
    %ge3A_1207 = vector.broadcast %broadcast_in_dim3A_1206 : vector<1x1xi32> to vector<1x32xi32>
    %ge3A_1208 = arith.cmpi sge, %iota3A_778, %ge3A_1207 : vector<1x32xi32>
    %convert_element_type3A_1209 = arith.extui %ge3A_1208 : vector<1x32xi1> to vector<1x32xi32>
    %add3A_1210 = arith.addi %add3A_1197, %convert_element_type3A_1209 : vector<1x32xi32>
    %eq3A_1211 = arith.constant 7 : i32
    %eq3A_1212 = vector.broadcast %eq3A_1211 : i32 to vector<16x1xi32>
    %eq3A_1213 = arith.cmpi eq, %iota3A_777, %eq3A_1212 : vector<16x1xi32>
    %jit3A_1214 = arith.constant 0 : i32
    %broadcast_in_dim3A_1215 = vector.broadcast %jit3A_1214 : i32 to vector<16x1xi32>
    %select_n3A_1216 = arith.select %eq3A_1213, %select_n3A_1118, %broadcast_in_dim3A_1215 : vector<16x1xi1>, vector<16x1xi32>
    %reduce_sum3A_1217 = arith.constant dense<0> : vector<1xi32>
    %reduce_sum3A_1218 = vector.multi_reduction <add>, %select_n3A_1216, %reduce_sum3A_1217 [0] : vector<16x1xi32> to vector<1xi32>
    %broadcast_in_dim3A_1219 = vector.shape_cast %reduce_sum3A_1218 : vector<1xi32> to vector<1x1xi32>
    %ge3A_1220 = vector.broadcast %broadcast_in_dim3A_1219 : vector<1x1xi32> to vector<1x32xi32>
    %ge3A_1221 = arith.cmpi sge, %iota3A_778, %ge3A_1220 : vector<1x32xi32>
    %convert_element_type3A_1222 = arith.extui %ge3A_1221 : vector<1x32xi1> to vector<1x32xi32>
    %add3A_1223 = arith.addi %add3A_1210, %convert_element_type3A_1222 : vector<1x32xi32>
    %eq3A_1224 = arith.constant 8 : i32
    %eq3A_1225 = vector.broadcast %eq3A_1224 : i32 to vector<16x1xi32>
    %eq3A_1226 = arith.cmpi eq, %iota3A_777, %eq3A_1225 : vector<16x1xi32>
    %jit3A_1227 = arith.constant 0 : i32
    %broadcast_in_dim3A_1228 = vector.broadcast %jit3A_1227 : i32 to vector<16x1xi32>
    %select_n3A_1229 = arith.select %eq3A_1226, %select_n3A_1118, %broadcast_in_dim3A_1228 : vector<16x1xi1>, vector<16x1xi32>
    %reduce_sum3A_1230 = arith.constant dense<0> : vector<1xi32>
    %reduce_sum3A_1231 = vector.multi_reduction <add>, %select_n3A_1229, %reduce_sum3A_1230 [0] : vector<16x1xi32> to vector<1xi32>
    %broadcast_in_dim3A_1232 = vector.shape_cast %reduce_sum3A_1231 : vector<1xi32> to vector<1x1xi32>
    %ge3A_1233 = vector.broadcast %broadcast_in_dim3A_1232 : vector<1x1xi32> to vector<1x32xi32>
    %ge3A_1234 = arith.cmpi sge, %iota3A_778, %ge3A_1233 : vector<1x32xi32>
    %convert_element_type3A_1235 = arith.extui %ge3A_1234 : vector<1x32xi1> to vector<1x32xi32>
    %add3A_1236 = arith.addi %add3A_1223, %convert_element_type3A_1235 : vector<1x32xi32>
    %eq3A_1237 = arith.constant 9 : i32
    %eq3A_1238 = vector.broadcast %eq3A_1237 : i32 to vector<16x1xi32>
    %eq3A_1239 = arith.cmpi eq, %iota3A_777, %eq3A_1238 : vector<16x1xi32>
    %jit3A_1240 = arith.constant 0 : i32
    %broadcast_in_dim3A_1241 = vector.broadcast %jit3A_1240 : i32 to vector<16x1xi32>
    %select_n3A_1242 = arith.select %eq3A_1239, %select_n3A_1118, %broadcast_in_dim3A_1241 : vector<16x1xi1>, vector<16x1xi32>
    %reduce_sum3A_1243 = arith.constant dense<0> : vector<1xi32>
    %reduce_sum3A_1244 = vector.multi_reduction <add>, %select_n3A_1242, %reduce_sum3A_1243 [0] : vector<16x1xi32> to vector<1xi32>
    %broadcast_in_dim3A_1245 = vector.shape_cast %reduce_sum3A_1244 : vector<1xi32> to vector<1x1xi32>
    %ge3A_1246 = vector.broadcast %broadcast_in_dim3A_1245 : vector<1x1xi32> to vector<1x32xi32>
    %ge3A_1247 = arith.cmpi sge, %iota3A_778, %ge3A_1246 : vector<1x32xi32>
    %convert_element_type3A_1248 = arith.extui %ge3A_1247 : vector<1x32xi1> to vector<1x32xi32>
    %add3A_1249 = arith.addi %add3A_1236, %convert_element_type3A_1248 : vector<1x32xi32>
    %eq3A_1250 = arith.constant 10 : i32
    %eq3A_1251 = vector.broadcast %eq3A_1250 : i32 to vector<16x1xi32>
    %eq3A_1252 = arith.cmpi eq, %iota3A_777, %eq3A_1251 : vector<16x1xi32>
    %jit3A_1253 = arith.constant 0 : i32
    %broadcast_in_dim3A_1254 = vector.broadcast %jit3A_1253 : i32 to vector<16x1xi32>
    %select_n3A_1255 = arith.select %eq3A_1252, %select_n3A_1118, %broadcast_in_dim3A_1254 : vector<16x1xi1>, vector<16x1xi32>
    %reduce_sum3A_1256 = arith.constant dense<0> : vector<1xi32>
    %reduce_sum3A_1257 = vector.multi_reduction <add>, %select_n3A_1255, %reduce_sum3A_1256 [0] : vector<16x1xi32> to vector<1xi32>
    %broadcast_in_dim3A_1258 = vector.shape_cast %reduce_sum3A_1257 : vector<1xi32> to vector<1x1xi32>
    %ge3A_1259 = vector.broadcast %broadcast_in_dim3A_1258 : vector<1x1xi32> to vector<1x32xi32>
    %ge3A_1260 = arith.cmpi sge, %iota3A_778, %ge3A_1259 : vector<1x32xi32>
    %convert_element_type3A_1261 = arith.extui %ge3A_1260 : vector<1x32xi1> to vector<1x32xi32>
    %add3A_1262 = arith.addi %add3A_1249, %convert_element_type3A_1261 : vector<1x32xi32>
    %eq3A_1263 = arith.constant 11 : i32
    %eq3A_1264 = vector.broadcast %eq3A_1263 : i32 to vector<16x1xi32>
    %eq3A_1265 = arith.cmpi eq, %iota3A_777, %eq3A_1264 : vector<16x1xi32>
    %jit3A_1266 = arith.constant 0 : i32
    %broadcast_in_dim3A_1267 = vector.broadcast %jit3A_1266 : i32 to vector<16x1xi32>
    %select_n3A_1268 = arith.select %eq3A_1265, %select_n3A_1118, %broadcast_in_dim3A_1267 : vector<16x1xi1>, vector<16x1xi32>
    %reduce_sum3A_1269 = arith.constant dense<0> : vector<1xi32>
    %reduce_sum3A_1270 = vector.multi_reduction <add>, %select_n3A_1268, %reduce_sum3A_1269 [0] : vector<16x1xi32> to vector<1xi32>
    %broadcast_in_dim3A_1271 = vector.shape_cast %reduce_sum3A_1270 : vector<1xi32> to vector<1x1xi32>
    %ge3A_1272 = vector.broadcast %broadcast_in_dim3A_1271 : vector<1x1xi32> to vector<1x32xi32>
    %ge3A_1273 = arith.cmpi sge, %iota3A_778, %ge3A_1272 : vector<1x32xi32>
    %convert_element_type3A_1274 = arith.extui %ge3A_1273 : vector<1x32xi1> to vector<1x32xi32>
    %add3A_1275 = arith.addi %add3A_1262, %convert_element_type3A_1274 : vector<1x32xi32>
    %eq3A_1276 = arith.constant 12 : i32
    %eq3A_1277 = vector.broadcast %eq3A_1276 : i32 to vector<16x1xi32>
    %eq3A_1278 = arith.cmpi eq, %iota3A_777, %eq3A_1277 : vector<16x1xi32>
    %jit3A_1279 = arith.constant 0 : i32
    %broadcast_in_dim3A_1280 = vector.broadcast %jit3A_1279 : i32 to vector<16x1xi32>
    %select_n3A_1281 = arith.select %eq3A_1278, %select_n3A_1118, %broadcast_in_dim3A_1280 : vector<16x1xi1>, vector<16x1xi32>
    %reduce_sum3A_1282 = arith.constant dense<0> : vector<1xi32>
    %reduce_sum3A_1283 = vector.multi_reduction <add>, %select_n3A_1281, %reduce_sum3A_1282 [0] : vector<16x1xi32> to vector<1xi32>
    %broadcast_in_dim3A_1284 = vector.shape_cast %reduce_sum3A_1283 : vector<1xi32> to vector<1x1xi32>
    %ge3A_1285 = vector.broadcast %broadcast_in_dim3A_1284 : vector<1x1xi32> to vector<1x32xi32>
    %ge3A_1286 = arith.cmpi sge, %iota3A_778, %ge3A_1285 : vector<1x32xi32>
    %convert_element_type3A_1287 = arith.extui %ge3A_1286 : vector<1x32xi1> to vector<1x32xi32>
    %add3A_1288 = arith.addi %add3A_1275, %convert_element_type3A_1287 : vector<1x32xi32>
    %eq3A_1289 = arith.constant 13 : i32
    %eq3A_1290 = vector.broadcast %eq3A_1289 : i32 to vector<16x1xi32>
    %eq3A_1291 = arith.cmpi eq, %iota3A_777, %eq3A_1290 : vector<16x1xi32>
    %jit3A_1292 = arith.constant 0 : i32
    %broadcast_in_dim3A_1293 = vector.broadcast %jit3A_1292 : i32 to vector<16x1xi32>
    %select_n3A_1294 = arith.select %eq3A_1291, %select_n3A_1118, %broadcast_in_dim3A_1293 : vector<16x1xi1>, vector<16x1xi32>
    %reduce_sum3A_1295 = arith.constant dense<0> : vector<1xi32>
    %reduce_sum3A_1296 = vector.multi_reduction <add>, %select_n3A_1294, %reduce_sum3A_1295 [0] : vector<16x1xi32> to vector<1xi32>
    %broadcast_in_dim3A_1297 = vector.shape_cast %reduce_sum3A_1296 : vector<1xi32> to vector<1x1xi32>
    %ge3A_1298 = vector.broadcast %broadcast_in_dim3A_1297 : vector<1x1xi32> to vector<1x32xi32>
    %ge3A_1299 = arith.cmpi sge, %iota3A_778, %ge3A_1298 : vector<1x32xi32>
    %convert_element_type3A_1300 = arith.extui %ge3A_1299 : vector<1x32xi1> to vector<1x32xi32>
    %add3A_1301 = arith.addi %add3A_1288, %convert_element_type3A_1300 : vector<1x32xi32>
    %eq3A_1302 = arith.constant 14 : i32
    %eq3A_1303 = vector.broadcast %eq3A_1302 : i32 to vector<16x1xi32>
    %eq3A_1304 = arith.cmpi eq, %iota3A_777, %eq3A_1303 : vector<16x1xi32>
    %jit3A_1305 = arith.constant 0 : i32
    %broadcast_in_dim3A_1306 = vector.broadcast %jit3A_1305 : i32 to vector<16x1xi32>
    %select_n3A_1307 = arith.select %eq3A_1304, %select_n3A_1118, %broadcast_in_dim3A_1306 : vector<16x1xi1>, vector<16x1xi32>
    %reduce_sum3A_1308 = arith.constant dense<0> : vector<1xi32>
    %reduce_sum3A_1309 = vector.multi_reduction <add>, %select_n3A_1307, %reduce_sum3A_1308 [0] : vector<16x1xi32> to vector<1xi32>
    %broadcast_in_dim3A_1310 = vector.shape_cast %reduce_sum3A_1309 : vector<1xi32> to vector<1x1xi32>
    %ge3A_1311 = vector.broadcast %broadcast_in_dim3A_1310 : vector<1x1xi32> to vector<1x32xi32>
    %ge3A_1312 = arith.cmpi sge, %iota3A_778, %ge3A_1311 : vector<1x32xi32>
    %convert_element_type3A_1313 = arith.extui %ge3A_1312 : vector<1x32xi1> to vector<1x32xi32>
    %add3A_1314 = arith.addi %add3A_1301, %convert_element_type3A_1313 : vector<1x32xi32>
    %eq3A_1315 = arith.constant 15 : i32
    %eq3A_1316 = vector.broadcast %eq3A_1315 : i32 to vector<16x1xi32>
    %eq3A_1317 = arith.cmpi eq, %iota3A_777, %eq3A_1316 : vector<16x1xi32>
    %jit3A_1318 = arith.constant 0 : i32
    %broadcast_in_dim3A_1319 = vector.broadcast %jit3A_1318 : i32 to vector<16x1xi32>
    %select_n3A_1320 = arith.select %eq3A_1317, %select_n3A_1118, %broadcast_in_dim3A_1319 : vector<16x1xi1>, vector<16x1xi32>
    %reduce_sum3A_1321 = arith.constant dense<0> : vector<1xi32>
    %reduce_sum3A_1322 = vector.multi_reduction <add>, %select_n3A_1320, %reduce_sum3A_1321 [0] : vector<16x1xi32> to vector<1xi32>
    %broadcast_in_dim3A_1323 = vector.shape_cast %reduce_sum3A_1322 : vector<1xi32> to vector<1x1xi32>
    %ge3A_1324 = vector.broadcast %broadcast_in_dim3A_1323 : vector<1x1xi32> to vector<1x32xi32>
    %ge3A_1325 = arith.cmpi sge, %iota3A_778, %ge3A_1324 : vector<1x32xi32>
    %convert_element_type3A_1326 = arith.extui %ge3A_1325 : vector<1x32xi1> to vector<1x32xi32>
    %add3A_1327 = arith.addi %add3A_1314, %convert_element_type3A_1326 : vector<1x32xi32>
    %min3A = arith.constant 15 : i32
    %min3A_1328 = vector.broadcast %min3A : i32 to vector<1x32xi32>
    %min3A_1329 = arith.minsi %add3A_1327, %min3A_1328 : vector<1x32xi32>
    %broadcast_in_dim3A_1330 = arith.constant 0 : i32
    %broadcast_in_dim3A_1331 = vector.broadcast %broadcast_in_dim3A_1330 : i32 to vector<1x32xi32>
    %eq3A_1332 = arith.constant 0 : i32
    %eq3A_1333 = vector.broadcast %eq3A_1332 : i32 to vector<1x32xi32>
    %eq3A_1334 = arith.cmpi eq, %min3A_1329, %eq3A_1333 : vector<1x32xi32>
    %jit3A_1335 = arith.constant 1 : i32
    %jit3A_1336 = arith.constant 0 : i32
    %broadcast_in_dim3A_1337 = vector.broadcast %jit3A_1335 : i32 to vector<1x32xi32>
    %broadcast_in_dim3A_1338 = vector.broadcast %jit3A_1336 : i32 to vector<1x32xi32>
    %select_n3A_1339 = arith.select %eq3A_1334, %broadcast_in_dim3A_1337, %broadcast_in_dim3A_1338 : vector<1x32xi1>, vector<1x32xi32>
    %eq3A_1340 = arith.constant 0 : i32
    %eq3A_1341 = vector.broadcast %eq3A_1340 : i32 to vector<16x1xi32>
    %eq3A_1342 = arith.cmpi eq, %iota3A_777, %eq3A_1341 : vector<16x1xi32>
    %jit3A_1343 = arith.constant 0 : i32
    %broadcast_in_dim3A_1344 = vector.broadcast %jit3A_1343 : i32 to vector<16x1xi32>
    %select_n3A_1345 = arith.select %eq3A_1342, %add3A_1086, %broadcast_in_dim3A_1344 : vector<16x1xi1>, vector<16x1xi32>
    %reduce_sum3A_1346 = arith.constant dense<0> : vector<1xi32>
    %reduce_sum3A_1347 = vector.multi_reduction <add>, %select_n3A_1345, %reduce_sum3A_1346 [0] : vector<16x1xi32> to vector<1xi32>
    %broadcast_in_dim3A_1348 = vector.shape_cast %reduce_sum3A_1347 : vector<1xi32> to vector<1x1xi32>
    %mul3A_1349 = vector.broadcast %broadcast_in_dim3A_1348 : vector<1x1xi32> to vector<1x32xi32>
    %mul3A_1350 = arith.muli %select_n3A_1339, %mul3A_1349 : vector<1x32xi32>
    %add3A_1351 = arith.addi %broadcast_in_dim3A_1331, %mul3A_1350 : vector<1x32xi32>
    %eq3A_1352 = arith.constant 1 : i32
    %eq3A_1353 = vector.broadcast %eq3A_1352 : i32 to vector<1x32xi32>
    %eq3A_1354 = arith.cmpi eq, %min3A_1329, %eq3A_1353 : vector<1x32xi32>
    %jit3A_1355 = arith.constant 1 : i32
    %jit3A_1356 = arith.constant 0 : i32
    %broadcast_in_dim3A_1357 = vector.broadcast %jit3A_1355 : i32 to vector<1x32xi32>
    %broadcast_in_dim3A_1358 = vector.broadcast %jit3A_1356 : i32 to vector<1x32xi32>
    %select_n3A_1359 = arith.select %eq3A_1354, %broadcast_in_dim3A_1357, %broadcast_in_dim3A_1358 : vector<1x32xi1>, vector<1x32xi32>
    %eq3A_1360 = arith.constant 1 : i32
    %eq3A_1361 = vector.broadcast %eq3A_1360 : i32 to vector<16x1xi32>
    %eq3A_1362 = arith.cmpi eq, %iota3A_777, %eq3A_1361 : vector<16x1xi32>
    %jit3A_1363 = arith.constant 0 : i32
    %broadcast_in_dim3A_1364 = vector.broadcast %jit3A_1363 : i32 to vector<16x1xi32>
    %select_n3A_1365 = arith.select %eq3A_1362, %add3A_1086, %broadcast_in_dim3A_1364 : vector<16x1xi1>, vector<16x1xi32>
    %reduce_sum3A_1366 = arith.constant dense<0> : vector<1xi32>
    %reduce_sum3A_1367 = vector.multi_reduction <add>, %select_n3A_1365, %reduce_sum3A_1366 [0] : vector<16x1xi32> to vector<1xi32>
    %broadcast_in_dim3A_1368 = vector.shape_cast %reduce_sum3A_1367 : vector<1xi32> to vector<1x1xi32>
    %mul3A_1369 = vector.broadcast %broadcast_in_dim3A_1368 : vector<1x1xi32> to vector<1x32xi32>
    %mul3A_1370 = arith.muli %select_n3A_1359, %mul3A_1369 : vector<1x32xi32>
    %add3A_1371 = arith.addi %add3A_1351, %mul3A_1370 : vector<1x32xi32>
    %eq3A_1372 = arith.constant 2 : i32
    %eq3A_1373 = vector.broadcast %eq3A_1372 : i32 to vector<1x32xi32>
    %eq3A_1374 = arith.cmpi eq, %min3A_1329, %eq3A_1373 : vector<1x32xi32>
    %jit3A_1375 = arith.constant 1 : i32
    %jit3A_1376 = arith.constant 0 : i32
    %broadcast_in_dim3A_1377 = vector.broadcast %jit3A_1375 : i32 to vector<1x32xi32>
    %broadcast_in_dim3A_1378 = vector.broadcast %jit3A_1376 : i32 to vector<1x32xi32>
    %select_n3A_1379 = arith.select %eq3A_1374, %broadcast_in_dim3A_1377, %broadcast_in_dim3A_1378 : vector<1x32xi1>, vector<1x32xi32>
    %eq3A_1380 = arith.constant 2 : i32
    %eq3A_1381 = vector.broadcast %eq3A_1380 : i32 to vector<16x1xi32>
    %eq3A_1382 = arith.cmpi eq, %iota3A_777, %eq3A_1381 : vector<16x1xi32>
    %jit3A_1383 = arith.constant 0 : i32
    %broadcast_in_dim3A_1384 = vector.broadcast %jit3A_1383 : i32 to vector<16x1xi32>
    %select_n3A_1385 = arith.select %eq3A_1382, %add3A_1086, %broadcast_in_dim3A_1384 : vector<16x1xi1>, vector<16x1xi32>
    %reduce_sum3A_1386 = arith.constant dense<0> : vector<1xi32>
    %reduce_sum3A_1387 = vector.multi_reduction <add>, %select_n3A_1385, %reduce_sum3A_1386 [0] : vector<16x1xi32> to vector<1xi32>
    %broadcast_in_dim3A_1388 = vector.shape_cast %reduce_sum3A_1387 : vector<1xi32> to vector<1x1xi32>
    %mul3A_1389 = vector.broadcast %broadcast_in_dim3A_1388 : vector<1x1xi32> to vector<1x32xi32>
    %mul3A_1390 = arith.muli %select_n3A_1379, %mul3A_1389 : vector<1x32xi32>
    %add3A_1391 = arith.addi %add3A_1371, %mul3A_1390 : vector<1x32xi32>
    %eq3A_1392 = arith.constant 3 : i32
    %eq3A_1393 = vector.broadcast %eq3A_1392 : i32 to vector<1x32xi32>
    %eq3A_1394 = arith.cmpi eq, %min3A_1329, %eq3A_1393 : vector<1x32xi32>
    %jit3A_1395 = arith.constant 1 : i32
    %jit3A_1396 = arith.constant 0 : i32
    %broadcast_in_dim3A_1397 = vector.broadcast %jit3A_1395 : i32 to vector<1x32xi32>
    %broadcast_in_dim3A_1398 = vector.broadcast %jit3A_1396 : i32 to vector<1x32xi32>
    %select_n3A_1399 = arith.select %eq3A_1394, %broadcast_in_dim3A_1397, %broadcast_in_dim3A_1398 : vector<1x32xi1>, vector<1x32xi32>
    %eq3A_1400 = arith.constant 3 : i32
    %eq3A_1401 = vector.broadcast %eq3A_1400 : i32 to vector<16x1xi32>
    %eq3A_1402 = arith.cmpi eq, %iota3A_777, %eq3A_1401 : vector<16x1xi32>
    %jit3A_1403 = arith.constant 0 : i32
    %broadcast_in_dim3A_1404 = vector.broadcast %jit3A_1403 : i32 to vector<16x1xi32>
    %select_n3A_1405 = arith.select %eq3A_1402, %add3A_1086, %broadcast_in_dim3A_1404 : vector<16x1xi1>, vector<16x1xi32>
    %reduce_sum3A_1406 = arith.constant dense<0> : vector<1xi32>
    %reduce_sum3A_1407 = vector.multi_reduction <add>, %select_n3A_1405, %reduce_sum3A_1406 [0] : vector<16x1xi32> to vector<1xi32>
    %broadcast_in_dim3A_1408 = vector.shape_cast %reduce_sum3A_1407 : vector<1xi32> to vector<1x1xi32>
    %mul3A_1409 = vector.broadcast %broadcast_in_dim3A_1408 : vector<1x1xi32> to vector<1x32xi32>
    %mul3A_1410 = arith.muli %select_n3A_1399, %mul3A_1409 : vector<1x32xi32>
    %add3A_1411 = arith.addi %add3A_1391, %mul3A_1410 : vector<1x32xi32>
    %eq3A_1412 = arith.constant 4 : i32
    %eq3A_1413 = vector.broadcast %eq3A_1412 : i32 to vector<1x32xi32>
    %eq3A_1414 = arith.cmpi eq, %min3A_1329, %eq3A_1413 : vector<1x32xi32>
    %jit3A_1415 = arith.constant 1 : i32
    %jit3A_1416 = arith.constant 0 : i32
    %broadcast_in_dim3A_1417 = vector.broadcast %jit3A_1415 : i32 to vector<1x32xi32>
    %broadcast_in_dim3A_1418 = vector.broadcast %jit3A_1416 : i32 to vector<1x32xi32>
    %select_n3A_1419 = arith.select %eq3A_1414, %broadcast_in_dim3A_1417, %broadcast_in_dim3A_1418 : vector<1x32xi1>, vector<1x32xi32>
    %eq3A_1420 = arith.constant 4 : i32
    %eq3A_1421 = vector.broadcast %eq3A_1420 : i32 to vector<16x1xi32>
    %eq3A_1422 = arith.cmpi eq, %iota3A_777, %eq3A_1421 : vector<16x1xi32>
    %jit3A_1423 = arith.constant 0 : i32
    %broadcast_in_dim3A_1424 = vector.broadcast %jit3A_1423 : i32 to vector<16x1xi32>
    %select_n3A_1425 = arith.select %eq3A_1422, %add3A_1086, %broadcast_in_dim3A_1424 : vector<16x1xi1>, vector<16x1xi32>
    %reduce_sum3A_1426 = arith.constant dense<0> : vector<1xi32>
    %reduce_sum3A_1427 = vector.multi_reduction <add>, %select_n3A_1425, %reduce_sum3A_1426 [0] : vector<16x1xi32> to vector<1xi32>
    %broadcast_in_dim3A_1428 = vector.shape_cast %reduce_sum3A_1427 : vector<1xi32> to vector<1x1xi32>
    %mul3A_1429 = vector.broadcast %broadcast_in_dim3A_1428 : vector<1x1xi32> to vector<1x32xi32>
    %mul3A_1430 = arith.muli %select_n3A_1419, %mul3A_1429 : vector<1x32xi32>
    %add3A_1431 = arith.addi %add3A_1411, %mul3A_1430 : vector<1x32xi32>
    %eq3A_1432 = arith.constant 5 : i32
    %eq3A_1433 = vector.broadcast %eq3A_1432 : i32 to vector<1x32xi32>
    %eq3A_1434 = arith.cmpi eq, %min3A_1329, %eq3A_1433 : vector<1x32xi32>
    %jit3A_1435 = arith.constant 1 : i32
    %jit3A_1436 = arith.constant 0 : i32
    %broadcast_in_dim3A_1437 = vector.broadcast %jit3A_1435 : i32 to vector<1x32xi32>
    %broadcast_in_dim3A_1438 = vector.broadcast %jit3A_1436 : i32 to vector<1x32xi32>
    %select_n3A_1439 = arith.select %eq3A_1434, %broadcast_in_dim3A_1437, %broadcast_in_dim3A_1438 : vector<1x32xi1>, vector<1x32xi32>
    %eq3A_1440 = arith.constant 5 : i32
    %eq3A_1441 = vector.broadcast %eq3A_1440 : i32 to vector<16x1xi32>
    %eq3A_1442 = arith.cmpi eq, %iota3A_777, %eq3A_1441 : vector<16x1xi32>
    %jit3A_1443 = arith.constant 0 : i32
    %broadcast_in_dim3A_1444 = vector.broadcast %jit3A_1443 : i32 to vector<16x1xi32>
    %select_n3A_1445 = arith.select %eq3A_1442, %add3A_1086, %broadcast_in_dim3A_1444 : vector<16x1xi1>, vector<16x1xi32>
    %reduce_sum3A_1446 = arith.constant dense<0> : vector<1xi32>
    %reduce_sum3A_1447 = vector.multi_reduction <add>, %select_n3A_1445, %reduce_sum3A_1446 [0] : vector<16x1xi32> to vector<1xi32>
    %broadcast_in_dim3A_1448 = vector.shape_cast %reduce_sum3A_1447 : vector<1xi32> to vector<1x1xi32>
    %mul3A_1449 = vector.broadcast %broadcast_in_dim3A_1448 : vector<1x1xi32> to vector<1x32xi32>
    %mul3A_1450 = arith.muli %select_n3A_1439, %mul3A_1449 : vector<1x32xi32>
    %add3A_1451 = arith.addi %add3A_1431, %mul3A_1450 : vector<1x32xi32>
    %eq3A_1452 = arith.constant 6 : i32
    %eq3A_1453 = vector.broadcast %eq3A_1452 : i32 to vector<1x32xi32>
    %eq3A_1454 = arith.cmpi eq, %min3A_1329, %eq3A_1453 : vector<1x32xi32>
    %jit3A_1455 = arith.constant 1 : i32
    %jit3A_1456 = arith.constant 0 : i32
    %broadcast_in_dim3A_1457 = vector.broadcast %jit3A_1455 : i32 to vector<1x32xi32>
    %broadcast_in_dim3A_1458 = vector.broadcast %jit3A_1456 : i32 to vector<1x32xi32>
    %select_n3A_1459 = arith.select %eq3A_1454, %broadcast_in_dim3A_1457, %broadcast_in_dim3A_1458 : vector<1x32xi1>, vector<1x32xi32>
    %eq3A_1460 = arith.constant 6 : i32
    %eq3A_1461 = vector.broadcast %eq3A_1460 : i32 to vector<16x1xi32>
    %eq3A_1462 = arith.cmpi eq, %iota3A_777, %eq3A_1461 : vector<16x1xi32>
    %jit3A_1463 = arith.constant 0 : i32
    %broadcast_in_dim3A_1464 = vector.broadcast %jit3A_1463 : i32 to vector<16x1xi32>
    %select_n3A_1465 = arith.select %eq3A_1462, %add3A_1086, %broadcast_in_dim3A_1464 : vector<16x1xi1>, vector<16x1xi32>
    %reduce_sum3A_1466 = arith.constant dense<0> : vector<1xi32>
    %reduce_sum3A_1467 = vector.multi_reduction <add>, %select_n3A_1465, %reduce_sum3A_1466 [0] : vector<16x1xi32> to vector<1xi32>
    %broadcast_in_dim3A_1468 = vector.shape_cast %reduce_sum3A_1467 : vector<1xi32> to vector<1x1xi32>
    %mul3A_1469 = vector.broadcast %broadcast_in_dim3A_1468 : vector<1x1xi32> to vector<1x32xi32>
    %mul3A_1470 = arith.muli %select_n3A_1459, %mul3A_1469 : vector<1x32xi32>
    %add3A_1471 = arith.addi %add3A_1451, %mul3A_1470 : vector<1x32xi32>
    %eq3A_1472 = arith.constant 7 : i32
    %eq3A_1473 = vector.broadcast %eq3A_1472 : i32 to vector<1x32xi32>
    %eq3A_1474 = arith.cmpi eq, %min3A_1329, %eq3A_1473 : vector<1x32xi32>
    %jit3A_1475 = arith.constant 1 : i32
    %jit3A_1476 = arith.constant 0 : i32
    %broadcast_in_dim3A_1477 = vector.broadcast %jit3A_1475 : i32 to vector<1x32xi32>
    %broadcast_in_dim3A_1478 = vector.broadcast %jit3A_1476 : i32 to vector<1x32xi32>
    %select_n3A_1479 = arith.select %eq3A_1474, %broadcast_in_dim3A_1477, %broadcast_in_dim3A_1478 : vector<1x32xi1>, vector<1x32xi32>
    %eq3A_1480 = arith.constant 7 : i32
    %eq3A_1481 = vector.broadcast %eq3A_1480 : i32 to vector<16x1xi32>
    %eq3A_1482 = arith.cmpi eq, %iota3A_777, %eq3A_1481 : vector<16x1xi32>
    %jit3A_1483 = arith.constant 0 : i32
    %broadcast_in_dim3A_1484 = vector.broadcast %jit3A_1483 : i32 to vector<16x1xi32>
    %select_n3A_1485 = arith.select %eq3A_1482, %add3A_1086, %broadcast_in_dim3A_1484 : vector<16x1xi1>, vector<16x1xi32>
    %reduce_sum3A_1486 = arith.constant dense<0> : vector<1xi32>
    %reduce_sum3A_1487 = vector.multi_reduction <add>, %select_n3A_1485, %reduce_sum3A_1486 [0] : vector<16x1xi32> to vector<1xi32>
    %broadcast_in_dim3A_1488 = vector.shape_cast %reduce_sum3A_1487 : vector<1xi32> to vector<1x1xi32>
    %mul3A_1489 = vector.broadcast %broadcast_in_dim3A_1488 : vector<1x1xi32> to vector<1x32xi32>
    %mul3A_1490 = arith.muli %select_n3A_1479, %mul3A_1489 : vector<1x32xi32>
    %add3A_1491 = arith.addi %add3A_1471, %mul3A_1490 : vector<1x32xi32>
    %eq3A_1492 = arith.constant 8 : i32
    %eq3A_1493 = vector.broadcast %eq3A_1492 : i32 to vector<1x32xi32>
    %eq3A_1494 = arith.cmpi eq, %min3A_1329, %eq3A_1493 : vector<1x32xi32>
    %jit3A_1495 = arith.constant 1 : i32
    %jit3A_1496 = arith.constant 0 : i32
    %broadcast_in_dim3A_1497 = vector.broadcast %jit3A_1495 : i32 to vector<1x32xi32>
    %broadcast_in_dim3A_1498 = vector.broadcast %jit3A_1496 : i32 to vector<1x32xi32>
    %select_n3A_1499 = arith.select %eq3A_1494, %broadcast_in_dim3A_1497, %broadcast_in_dim3A_1498 : vector<1x32xi1>, vector<1x32xi32>
    %eq3A_1500 = arith.constant 8 : i32
    %eq3A_1501 = vector.broadcast %eq3A_1500 : i32 to vector<16x1xi32>
    %eq3A_1502 = arith.cmpi eq, %iota3A_777, %eq3A_1501 : vector<16x1xi32>
    %jit3A_1503 = arith.constant 0 : i32
    %broadcast_in_dim3A_1504 = vector.broadcast %jit3A_1503 : i32 to vector<16x1xi32>
    %select_n3A_1505 = arith.select %eq3A_1502, %add3A_1086, %broadcast_in_dim3A_1504 : vector<16x1xi1>, vector<16x1xi32>
    %reduce_sum3A_1506 = arith.constant dense<0> : vector<1xi32>
    %reduce_sum3A_1507 = vector.multi_reduction <add>, %select_n3A_1505, %reduce_sum3A_1506 [0] : vector<16x1xi32> to vector<1xi32>
    %broadcast_in_dim3A_1508 = vector.shape_cast %reduce_sum3A_1507 : vector<1xi32> to vector<1x1xi32>
    %mul3A_1509 = vector.broadcast %broadcast_in_dim3A_1508 : vector<1x1xi32> to vector<1x32xi32>
    %mul3A_1510 = arith.muli %select_n3A_1499, %mul3A_1509 : vector<1x32xi32>
    %add3A_1511 = arith.addi %add3A_1491, %mul3A_1510 : vector<1x32xi32>
    %eq3A_1512 = arith.constant 9 : i32
    %eq3A_1513 = vector.broadcast %eq3A_1512 : i32 to vector<1x32xi32>
    %eq3A_1514 = arith.cmpi eq, %min3A_1329, %eq3A_1513 : vector<1x32xi32>
    %jit3A_1515 = arith.constant 1 : i32
    %jit3A_1516 = arith.constant 0 : i32
    %broadcast_in_dim3A_1517 = vector.broadcast %jit3A_1515 : i32 to vector<1x32xi32>
    %broadcast_in_dim3A_1518 = vector.broadcast %jit3A_1516 : i32 to vector<1x32xi32>
    %select_n3A_1519 = arith.select %eq3A_1514, %broadcast_in_dim3A_1517, %broadcast_in_dim3A_1518 : vector<1x32xi1>, vector<1x32xi32>
    %eq3A_1520 = arith.constant 9 : i32
    %eq3A_1521 = vector.broadcast %eq3A_1520 : i32 to vector<16x1xi32>
    %eq3A_1522 = arith.cmpi eq, %iota3A_777, %eq3A_1521 : vector<16x1xi32>
    %jit3A_1523 = arith.constant 0 : i32
    %broadcast_in_dim3A_1524 = vector.broadcast %jit3A_1523 : i32 to vector<16x1xi32>
    %select_n3A_1525 = arith.select %eq3A_1522, %add3A_1086, %broadcast_in_dim3A_1524 : vector<16x1xi1>, vector<16x1xi32>
    %reduce_sum3A_1526 = arith.constant dense<0> : vector<1xi32>
    %reduce_sum3A_1527 = vector.multi_reduction <add>, %select_n3A_1525, %reduce_sum3A_1526 [0] : vector<16x1xi32> to vector<1xi32>
    %broadcast_in_dim3A_1528 = vector.shape_cast %reduce_sum3A_1527 : vector<1xi32> to vector<1x1xi32>
    %mul3A_1529 = vector.broadcast %broadcast_in_dim3A_1528 : vector<1x1xi32> to vector<1x32xi32>
    %mul3A_1530 = arith.muli %select_n3A_1519, %mul3A_1529 : vector<1x32xi32>
    %add3A_1531 = arith.addi %add3A_1511, %mul3A_1530 : vector<1x32xi32>
    %eq3A_1532 = arith.constant 10 : i32
    %eq3A_1533 = vector.broadcast %eq3A_1532 : i32 to vector<1x32xi32>
    %eq3A_1534 = arith.cmpi eq, %min3A_1329, %eq3A_1533 : vector<1x32xi32>
    %jit3A_1535 = arith.constant 1 : i32
    %jit3A_1536 = arith.constant 0 : i32
    %broadcast_in_dim3A_1537 = vector.broadcast %jit3A_1535 : i32 to vector<1x32xi32>
    %broadcast_in_dim3A_1538 = vector.broadcast %jit3A_1536 : i32 to vector<1x32xi32>
    %select_n3A_1539 = arith.select %eq3A_1534, %broadcast_in_dim3A_1537, %broadcast_in_dim3A_1538 : vector<1x32xi1>, vector<1x32xi32>
    %eq3A_1540 = arith.constant 10 : i32
    %eq3A_1541 = vector.broadcast %eq3A_1540 : i32 to vector<16x1xi32>
    %eq3A_1542 = arith.cmpi eq, %iota3A_777, %eq3A_1541 : vector<16x1xi32>
    %jit3A_1543 = arith.constant 0 : i32
    %broadcast_in_dim3A_1544 = vector.broadcast %jit3A_1543 : i32 to vector<16x1xi32>
    %select_n3A_1545 = arith.select %eq3A_1542, %add3A_1086, %broadcast_in_dim3A_1544 : vector<16x1xi1>, vector<16x1xi32>
    %reduce_sum3A_1546 = arith.constant dense<0> : vector<1xi32>
    %reduce_sum3A_1547 = vector.multi_reduction <add>, %select_n3A_1545, %reduce_sum3A_1546 [0] : vector<16x1xi32> to vector<1xi32>
    %broadcast_in_dim3A_1548 = vector.shape_cast %reduce_sum3A_1547 : vector<1xi32> to vector<1x1xi32>
    %mul3A_1549 = vector.broadcast %broadcast_in_dim3A_1548 : vector<1x1xi32> to vector<1x32xi32>
    %mul3A_1550 = arith.muli %select_n3A_1539, %mul3A_1549 : vector<1x32xi32>
    %add3A_1551 = arith.addi %add3A_1531, %mul3A_1550 : vector<1x32xi32>
    %eq3A_1552 = arith.constant 11 : i32
    %eq3A_1553 = vector.broadcast %eq3A_1552 : i32 to vector<1x32xi32>
    %eq3A_1554 = arith.cmpi eq, %min3A_1329, %eq3A_1553 : vector<1x32xi32>
    %jit3A_1555 = arith.constant 1 : i32
    %jit3A_1556 = arith.constant 0 : i32
    %broadcast_in_dim3A_1557 = vector.broadcast %jit3A_1555 : i32 to vector<1x32xi32>
    %broadcast_in_dim3A_1558 = vector.broadcast %jit3A_1556 : i32 to vector<1x32xi32>
    %select_n3A_1559 = arith.select %eq3A_1554, %broadcast_in_dim3A_1557, %broadcast_in_dim3A_1558 : vector<1x32xi1>, vector<1x32xi32>
    %eq3A_1560 = arith.constant 11 : i32
    %eq3A_1561 = vector.broadcast %eq3A_1560 : i32 to vector<16x1xi32>
    %eq3A_1562 = arith.cmpi eq, %iota3A_777, %eq3A_1561 : vector<16x1xi32>
    %jit3A_1563 = arith.constant 0 : i32
    %broadcast_in_dim3A_1564 = vector.broadcast %jit3A_1563 : i32 to vector<16x1xi32>
    %select_n3A_1565 = arith.select %eq3A_1562, %add3A_1086, %broadcast_in_dim3A_1564 : vector<16x1xi1>, vector<16x1xi32>
    %reduce_sum3A_1566 = arith.constant dense<0> : vector<1xi32>
    %reduce_sum3A_1567 = vector.multi_reduction <add>, %select_n3A_1565, %reduce_sum3A_1566 [0] : vector<16x1xi32> to vector<1xi32>
    %broadcast_in_dim3A_1568 = vector.shape_cast %reduce_sum3A_1567 : vector<1xi32> to vector<1x1xi32>
    %mul3A_1569 = vector.broadcast %broadcast_in_dim3A_1568 : vector<1x1xi32> to vector<1x32xi32>
    %mul3A_1570 = arith.muli %select_n3A_1559, %mul3A_1569 : vector<1x32xi32>
    %add3A_1571 = arith.addi %add3A_1551, %mul3A_1570 : vector<1x32xi32>
    %eq3A_1572 = arith.constant 12 : i32
    %eq3A_1573 = vector.broadcast %eq3A_1572 : i32 to vector<1x32xi32>
    %eq3A_1574 = arith.cmpi eq, %min3A_1329, %eq3A_1573 : vector<1x32xi32>
    %jit3A_1575 = arith.constant 1 : i32
    %jit3A_1576 = arith.constant 0 : i32
    %broadcast_in_dim3A_1577 = vector.broadcast %jit3A_1575 : i32 to vector<1x32xi32>
    %broadcast_in_dim3A_1578 = vector.broadcast %jit3A_1576 : i32 to vector<1x32xi32>
    %select_n3A_1579 = arith.select %eq3A_1574, %broadcast_in_dim3A_1577, %broadcast_in_dim3A_1578 : vector<1x32xi1>, vector<1x32xi32>
    %eq3A_1580 = arith.constant 12 : i32
    %eq3A_1581 = vector.broadcast %eq3A_1580 : i32 to vector<16x1xi32>
    %eq3A_1582 = arith.cmpi eq, %iota3A_777, %eq3A_1581 : vector<16x1xi32>
    %jit3A_1583 = arith.constant 0 : i32
    %broadcast_in_dim3A_1584 = vector.broadcast %jit3A_1583 : i32 to vector<16x1xi32>
    %select_n3A_1585 = arith.select %eq3A_1582, %add3A_1086, %broadcast_in_dim3A_1584 : vector<16x1xi1>, vector<16x1xi32>
    %reduce_sum3A_1586 = arith.constant dense<0> : vector<1xi32>
    %reduce_sum3A_1587 = vector.multi_reduction <add>, %select_n3A_1585, %reduce_sum3A_1586 [0] : vector<16x1xi32> to vector<1xi32>
    %broadcast_in_dim3A_1588 = vector.shape_cast %reduce_sum3A_1587 : vector<1xi32> to vector<1x1xi32>
    %mul3A_1589 = vector.broadcast %broadcast_in_dim3A_1588 : vector<1x1xi32> to vector<1x32xi32>
    %mul3A_1590 = arith.muli %select_n3A_1579, %mul3A_1589 : vector<1x32xi32>
    %add3A_1591 = arith.addi %add3A_1571, %mul3A_1590 : vector<1x32xi32>
    %eq3A_1592 = arith.constant 13 : i32
    %eq3A_1593 = vector.broadcast %eq3A_1592 : i32 to vector<1x32xi32>
    %eq3A_1594 = arith.cmpi eq, %min3A_1329, %eq3A_1593 : vector<1x32xi32>
    %jit3A_1595 = arith.constant 1 : i32
    %jit3A_1596 = arith.constant 0 : i32
    %broadcast_in_dim3A_1597 = vector.broadcast %jit3A_1595 : i32 to vector<1x32xi32>
    %broadcast_in_dim3A_1598 = vector.broadcast %jit3A_1596 : i32 to vector<1x32xi32>
    %select_n3A_1599 = arith.select %eq3A_1594, %broadcast_in_dim3A_1597, %broadcast_in_dim3A_1598 : vector<1x32xi1>, vector<1x32xi32>
    %eq3A_1600 = arith.constant 13 : i32
    %eq3A_1601 = vector.broadcast %eq3A_1600 : i32 to vector<16x1xi32>
    %eq3A_1602 = arith.cmpi eq, %iota3A_777, %eq3A_1601 : vector<16x1xi32>
    %jit3A_1603 = arith.constant 0 : i32
    %broadcast_in_dim3A_1604 = vector.broadcast %jit3A_1603 : i32 to vector<16x1xi32>
    %select_n3A_1605 = arith.select %eq3A_1602, %add3A_1086, %broadcast_in_dim3A_1604 : vector<16x1xi1>, vector<16x1xi32>
    %reduce_sum3A_1606 = arith.constant dense<0> : vector<1xi32>
    %reduce_sum3A_1607 = vector.multi_reduction <add>, %select_n3A_1605, %reduce_sum3A_1606 [0] : vector<16x1xi32> to vector<1xi32>
    %broadcast_in_dim3A_1608 = vector.shape_cast %reduce_sum3A_1607 : vector<1xi32> to vector<1x1xi32>
    %mul3A_1609 = vector.broadcast %broadcast_in_dim3A_1608 : vector<1x1xi32> to vector<1x32xi32>
    %mul3A_1610 = arith.muli %select_n3A_1599, %mul3A_1609 : vector<1x32xi32>
    %add3A_1611 = arith.addi %add3A_1591, %mul3A_1610 : vector<1x32xi32>
    %eq3A_1612 = arith.constant 14 : i32
    %eq3A_1613 = vector.broadcast %eq3A_1612 : i32 to vector<1x32xi32>
    %eq3A_1614 = arith.cmpi eq, %min3A_1329, %eq3A_1613 : vector<1x32xi32>
    %jit3A_1615 = arith.constant 1 : i32
    %jit3A_1616 = arith.constant 0 : i32
    %broadcast_in_dim3A_1617 = vector.broadcast %jit3A_1615 : i32 to vector<1x32xi32>
    %broadcast_in_dim3A_1618 = vector.broadcast %jit3A_1616 : i32 to vector<1x32xi32>
    %select_n3A_1619 = arith.select %eq3A_1614, %broadcast_in_dim3A_1617, %broadcast_in_dim3A_1618 : vector<1x32xi1>, vector<1x32xi32>
    %eq3A_1620 = arith.constant 14 : i32
    %eq3A_1621 = vector.broadcast %eq3A_1620 : i32 to vector<16x1xi32>
    %eq3A_1622 = arith.cmpi eq, %iota3A_777, %eq3A_1621 : vector<16x1xi32>
    %jit3A_1623 = arith.constant 0 : i32
    %broadcast_in_dim3A_1624 = vector.broadcast %jit3A_1623 : i32 to vector<16x1xi32>
    %select_n3A_1625 = arith.select %eq3A_1622, %add3A_1086, %broadcast_in_dim3A_1624 : vector<16x1xi1>, vector<16x1xi32>
    %reduce_sum3A_1626 = arith.constant dense<0> : vector<1xi32>
    %reduce_sum3A_1627 = vector.multi_reduction <add>, %select_n3A_1625, %reduce_sum3A_1626 [0] : vector<16x1xi32> to vector<1xi32>
    %broadcast_in_dim3A_1628 = vector.shape_cast %reduce_sum3A_1627 : vector<1xi32> to vector<1x1xi32>
    %mul3A_1629 = vector.broadcast %broadcast_in_dim3A_1628 : vector<1x1xi32> to vector<1x32xi32>
    %mul3A_1630 = arith.muli %select_n3A_1619, %mul3A_1629 : vector<1x32xi32>
    %add3A_1631 = arith.addi %add3A_1611, %mul3A_1630 : vector<1x32xi32>
    %eq3A_1632 = arith.constant 15 : i32
    %eq3A_1633 = vector.broadcast %eq3A_1632 : i32 to vector<1x32xi32>
    %eq3A_1634 = arith.cmpi eq, %min3A_1329, %eq3A_1633 : vector<1x32xi32>
    %jit3A_1635 = arith.constant 1 : i32
    %jit3A_1636 = arith.constant 0 : i32
    %broadcast_in_dim3A_1637 = vector.broadcast %jit3A_1635 : i32 to vector<1x32xi32>
    %broadcast_in_dim3A_1638 = vector.broadcast %jit3A_1636 : i32 to vector<1x32xi32>
    %select_n3A_1639 = arith.select %eq3A_1634, %broadcast_in_dim3A_1637, %broadcast_in_dim3A_1638 : vector<1x32xi1>, vector<1x32xi32>
    %eq3A_1640 = arith.constant 15 : i32
    %eq3A_1641 = vector.broadcast %eq3A_1640 : i32 to vector<16x1xi32>
    %eq3A_1642 = arith.cmpi eq, %iota3A_777, %eq3A_1641 : vector<16x1xi32>
    %jit3A_1643 = arith.constant 0 : i32
    %broadcast_in_dim3A_1644 = vector.broadcast %jit3A_1643 : i32 to vector<16x1xi32>
    %select_n3A_1645 = arith.select %eq3A_1642, %add3A_1086, %broadcast_in_dim3A_1644 : vector<16x1xi1>, vector<16x1xi32>
    %reduce_sum3A_1646 = arith.constant dense<0> : vector<1xi32>
    %reduce_sum3A_1647 = vector.multi_reduction <add>, %select_n3A_1645, %reduce_sum3A_1646 [0] : vector<16x1xi32> to vector<1xi32>
    %broadcast_in_dim3A_1648 = vector.shape_cast %reduce_sum3A_1647 : vector<1xi32> to vector<1x1xi32>
    %mul3A_1649 = vector.broadcast %broadcast_in_dim3A_1648 : vector<1x1xi32> to vector<1x32xi32>
    %mul3A_1650 = arith.muli %select_n3A_1639, %mul3A_1649 : vector<1x32xi32>
    %add3A_1651 = arith.addi %add3A_1631, %mul3A_1650 : vector<1x32xi32>
    %mul3A_1652 = arith.constant 256 : i32
    %mul3A_1653 = vector.broadcast %mul3A_1652 : i32 to vector<1x32xi32>
    %mul3A_1654 = arith.muli %iota3A_778, %mul3A_1653 : vector<1x32xi32>
    %sub3A_1655 = arith.subi %add3A_1651, %mul3A_1654 : vector<1x32xi32>
    %jit3A_1656 = arith.constant 0 : i32
    %jit3A_1657 = arith.constant 256 : i32
    %max3A = vector.broadcast %jit3A_1656 : i32 to vector<1x32xi32>
    %max3A_1658 = arith.maxsi %max3A, %sub3A_1655 : vector<1x32xi32>
    %min3A_1659 = vector.broadcast %jit3A_1657 : i32 to vector<1x32xi32>
    %min3A_1660 = arith.minsi %min3A_1659, %max3A_1658 : vector<1x32xi32>
    %reshape3A_1661 = vector.shape_cast %min3A_1660 : vector<1x32xi32> to vector<32xi32>
    %swap3A_1662 = arith.constant 0 : index
    %swap3A_1663 = vector.load %arg11[%swap3A_1662] : memref<32xi32, #tpu.memory_space<vmem>>, vector<32xi32>
    tpu.vector_store %arg11[%swap3A_1662], %reshape3A_1661 {strides = array<i32>} : memref<32xi32, #tpu.memory_space<vmem>>, vector<32xi32>,
    %reshape3A_1664 = vector.shape_cast %min3A_1329 : vector<1x32xi32> to vector<32xi32>
    %swap3A_1665 = arith.constant 0 : index
    %swap3A_1666 = vector.load %arg10[%swap3A_1665] : memref<32xi32, #tpu.memory_space<vmem>>, vector<32xi32>
    tpu.vector_store %arg10[%swap3A_1665], %reshape3A_1664 {strides = array<i32>} : memref<32xi32, #tpu.memory_space<vmem>>, vector<32xi32>,
    return
  }
}

module attributes {stable_mosaic.version = 14 : i64} {
  func.func @_mm_body(%arg0: i32, %arg1: memref<32xi32, #tpu.memory_space<smem>>, %arg2: memref<32xi32, #tpu.memory_space<smem>>, %arg3: memref<256x768xf32, #tpu.memory_space<vmem>>, %arg4: memref<256x128xf32, #tpu.memory_space<vmem>>, %arg5: memref<1x768x768xf32, #tpu.memory_space<vmem>>, %arg6: memref<1x1x768xf32, #tpu.memory_space<vmem>>, %arg7: memref<1x768x768xf32, #tpu.memory_space<vmem>>, %arg8: memref<16x768xf32, #tpu.memory_space<vmem>>, %arg9: memref<16x1xf32, #tpu.memory_space<vmem>>, %arg10: memref<1x1xf32, #tpu.memory_space<vmem>>, %arg11: memref<1x768xf32, #tpu.memory_space<vmem>>, %arg12: memref<1x768xf32, #tpu.memory_space<vmem>>, %arg13: memref<1x768xf32, #tpu.memory_space<vmem>>, %arg14: memref<1x1xf32, #tpu.memory_space<vmem>>, %arg15: memref<1x1xf32, #tpu.memory_space<vmem>>, %arg16: memref<1x1xf32, #tpu.memory_space<vmem>>, %arg17: memref<1x1xf32, #tpu.memory_space<vmem>>, %arg18: memref<1x1xf32, #tpu.memory_space<vmem>>, %arg19: memref<1x768xf32, #tpu.memory_space<vmem>>, %arg20: memref<1x768xf32, #tpu.memory_space<vmem>>) attributes {dimension_semantics = [#tpu.dimension_semantics<arbitrary>], iteration_bounds = array<i64: 32>, scalar_prefetch = 2 : i64, scratch_operands = 2 : i64, tpu.core_type = #tpu.core_type<tc>, window_params = [{transform_indices = @transform_0, window_bounds = array<i64: 256, 768>}, {transform_indices = @transform_1, window_bounds = array<i64: 256, 128>}, {transform_indices = @transform_2, window_bounds = array<i64: 1, 768, 768>}, {transform_indices = @transform_3, window_bounds = array<i64: 1, 1, 768>}, {transform_indices = @transform_4, window_bounds = array<i64: 1, 768, 768>}, {pipeline_mode = #tpu.pipeline_mode<synchronous>, transform_indices = @transform_5, window_bounds = array<i64: 16, 768>}, {pipeline_mode = #tpu.pipeline_mode<synchronous>, transform_indices = @transform_6, window_bounds = array<i64: 16, 1>}, {pipeline_mode = #tpu.pipeline_mode<synchronous>, transform_indices = @transform_7, window_bounds = array<i64: 1, 1>}, {pipeline_mode = #tpu.pipeline_mode<synchronous>, transform_indices = @transform_8, window_bounds = array<i64: 1, 768>}, {pipeline_mode = #tpu.pipeline_mode<synchronous>, transform_indices = @transform_9, window_bounds = array<i64: 1, 768>}, {pipeline_mode = #tpu.pipeline_mode<synchronous>, transform_indices = @transform_10, window_bounds = array<i64: 1, 768>}, {pipeline_mode = #tpu.pipeline_mode<synchronous>, transform_indices = @transform_11, window_bounds = array<i64: 1, 1>}, {pipeline_mode = #tpu.pipeline_mode<synchronous>, transform_indices = @transform_12, window_bounds = array<i64: 1, 1>}, {pipeline_mode = #tpu.pipeline_mode<synchronous>, transform_indices = @transform_13, window_bounds = array<i64: 1, 1>}, {pipeline_mode = #tpu.pipeline_mode<synchronous>, transform_indices = @transform_14, window_bounds = array<i64: 1, 1>}, {pipeline_mode = #tpu.pipeline_mode<synchronous>, transform_indices = @transform_15, window_bounds = array<i64: 1, 1>}]} {
    %eq3A = arith.constant 0 : i32
    %eq3A_0 = arith.cmpi eq, %arg0, %eq3A : i32
    %convert_element_type3A = arith.extui %eq3A_0 : i1 to i32
    %cond3A = arith.constant 0 : i32
    %cond3A_1 = arith.cmpi ne, %convert_element_type3A, %cond3A : i32
    scf.if %cond3A_1 {
      %broadcast_in_dim3A = arith.constant 0.000000e+00 : f32
      %broadcast_in_dim3A_12 = vector.broadcast %broadcast_in_dim3A : f32 to vector<1x768xf32>
      %swap3A = arith.constant 0 : index
      %swap3A_13 = arith.constant 0 : index
      %swap3A_14 = vector.load %arg19[%swap3A, %swap3A_13] : memref<1x768xf32, #tpu.memory_space<vmem>>, vector<1x768xf32>
      tpu.vector_store %arg19[%swap3A, %swap3A_13], %broadcast_in_dim3A_12 {strides = array<i32>} : memref<1x768xf32, #tpu.memory_space<vmem>>, vector<1x768xf32>,
      %broadcast_in_dim3A_15 = arith.constant 0.000000e+00 : f32
      %broadcast_in_dim3A_16 = vector.broadcast %broadcast_in_dim3A_15 : f32 to vector<1x768xf32>
      %swap3A_17 = arith.constant 0 : index
      %swap3A_18 = arith.constant 0 : index
      %swap3A_19 = vector.load %arg20[%swap3A_17, %swap3A_18] : memref<1x768xf32, #tpu.memory_space<vmem>>, vector<1x768xf32>
      tpu.vector_store %arg20[%swap3A_17, %swap3A_18], %broadcast_in_dim3A_16 {strides = array<i32>} : memref<1x768xf32, #tpu.memory_space<vmem>>, vector<1x768xf32>,
    } else {
    }
    %get3A = arith.index_cast %arg0 : i32 to index
    %get3A_2 = memref.load %arg2[%get3A] : memref<32xi32, #tpu.memory_space<smem>>
    %gt3A = arith.constant 0 : i32
    %gt3A_3 = arith.cmpi sgt, %get3A_2, %gt3A : i32
    %convert_element_type3A_4 = arith.extui %gt3A_3 : i1 to i32
    %cond3A_5 = arith.constant 0 : i32
    %cond3A_6 = arith.cmpi ne, %convert_element_type3A_4, %cond3A_5 : i32
    scf.if %cond3A_6 {
      %get3A_12 = arith.constant 0 : index
      %get3A_13 = arith.constant 0 : index
      %get3A_14 = vector.load %arg3[%get3A_12, %get3A_13] : memref<256x768xf32, #tpu.memory_space<vmem>>, vector<256x768xf32>
      %get3A_15 = arith.constant 0 : index
      %get3A_16 = arith.constant 0 : index
      %get3A_17 = arith.constant 0 : index
      %get3A_18 = vector.load %arg5[%get3A_15, %get3A_16, %get3A_17] : memref<1x768x768xf32, #tpu.memory_space<vmem>>, vector<1x768x768xf32>
      %get3A_19 = vector.shape_cast %get3A_18 : vector<1x768x768xf32> to vector<768x768xf32>
      %dot_general3A = arith.constant dense<0.000000e+00> : vector<256x768xf32>
      %dot_general3A_20 = tpu.matmul %get3A_14, %get3A_19, %dot_general3A {dimension_numbers = #tpu.dot_dimension_numbers<[1], [1], [0], [0], [0, 0, 1, 0], [], []>, transpose_lhs_hint = false} : vector<256x768xf32>, vector<768x768xf32>, vector<256x768xf32> -> vector<256x768xf32>
      %get3A_21 = arith.constant 0 : index
      %get3A_22 = arith.constant 0 : index
      %get3A_23 = arith.constant 0 : index
      %get3A_24 = vector.load %arg6[%get3A_21, %get3A_22, %get3A_23] : memref<1x1x768xf32, #tpu.memory_space<vmem>>, vector<1x1x768xf32>
      %get3A_25 = vector.shape_cast %get3A_24 : vector<1x1x768xf32> to vector<1x768xf32>
      %add3A = vector.broadcast %get3A_25 : vector<1x768xf32> to vector<256x768xf32>
      %add3A_26 = arith.addf %dot_general3A_20, %add3A : vector<256x768xf32>
      %max3A = arith.constant 0.000000e+00 : f32
      %max3A_27 = vector.broadcast %max3A : f32 to vector<256x768xf32>
      %max3A_28 = arith.maximumf %add3A_26, %max3A_27 : vector<256x768xf32>
      %iota3A = tpu.iota {dimensions = array<i32: 0>} : vector<256x1xi32>
      %lt3A = vector.broadcast %get3A_2 : i32 to vector<256x1xi32>
      %lt3A_29 = arith.cmpi slt, %iota3A, %lt3A : vector<256x1xi32>
      %get3A_30 = arith.constant 0 : index
      %get3A_31 = arith.constant 0 : index
      %get3A_32 = vector.load %arg4[%get3A_30, %get3A_31] : memref<256x128xf32, #tpu.memory_space<vmem>>, vector<256x1xf32>
      %jit3A = arith.constant 0.000000e+00 : f32
      %broadcast_in_dim3A = vector.broadcast %jit3A : f32 to vector<256x1xf32>
      %select_n3A = arith.select %lt3A_29, %get3A_32, %broadcast_in_dim3A : vector<256x1xi1>, vector<256x1xf32>
      %jit3A_33 = arith.constant 0.000000e+00 : f32
      %broadcast_in_dim3A_34 = vector.shape_cast %lt3A_29 : vector<256x1xi1> to vector<256x1xi1>
      %broadcast_in_dim3A_35 = vector.broadcast %broadcast_in_dim3A_34 : vector<256x1xi1> to vector<256x768xi1>
      %broadcast_in_dim3A_36 = vector.broadcast %jit3A_33 : f32 to vector<256x768xf32>
      %select_n3A_37 = arith.select %broadcast_in_dim3A_35, %max3A_28, %broadcast_in_dim3A_36 : vector<256x768xi1>, vector<256x768xf32>
      %mul3A = vector.broadcast %select_n3A : vector<256x1xf32> to vector<256x768xf32>
      %mul3A_38 = arith.mulf %select_n3A_37, %mul3A : vector<256x768xf32>
      %slice3A = vector.extract_strided_slice %mul3A_38 {offsets = [0, 0], sizes = [128, 768], strides = [1, 1]} : vector<256x768xf32> to vector<128x768xf32>
      %slice3A_39 = vector.extract_strided_slice %mul3A_38 {offsets = [128, 0], sizes = [128, 768], strides = [1, 1]} : vector<256x768xf32> to vector<128x768xf32>
      %add3A_40 = arith.addf %slice3A, %slice3A_39 : vector<128x768xf32>
      %slice3A_41 = vector.extract_strided_slice %add3A_40 {offsets = [0, 0], sizes = [64, 768], strides = [1, 1]} : vector<128x768xf32> to vector<64x768xf32>
      %slice3A_42 = vector.extract_strided_slice %add3A_40 {offsets = [64, 0], sizes = [64, 768], strides = [1, 1]} : vector<128x768xf32> to vector<64x768xf32>
      %add3A_43 = arith.addf %slice3A_41, %slice3A_42 : vector<64x768xf32>
      %slice3A_44 = vector.extract_strided_slice %add3A_43 {offsets = [0, 0], sizes = [32, 768], strides = [1, 1]} : vector<64x768xf32> to vector<32x768xf32>
      %slice3A_45 = vector.extract_strided_slice %add3A_43 {offsets = [32, 0], sizes = [32, 768], strides = [1, 1]} : vector<64x768xf32> to vector<32x768xf32>
      %add3A_46 = arith.addf %slice3A_44, %slice3A_45 : vector<32x768xf32>
      %slice3A_47 = vector.extract_strided_slice %add3A_46 {offsets = [0, 0], sizes = [16, 768], strides = [1, 1]} : vector<32x768xf32> to vector<16x768xf32>
      %slice3A_48 = vector.extract_strided_slice %add3A_46 {offsets = [16, 0], sizes = [16, 768], strides = [1, 1]} : vector<32x768xf32> to vector<16x768xf32>
      %add3A_49 = arith.addf %slice3A_47, %slice3A_48 : vector<16x768xf32>
      %slice3A_50 = vector.extract_strided_slice %add3A_49 {offsets = [0, 0], sizes = [8, 768], strides = [1, 1]} : vector<16x768xf32> to vector<8x768xf32>
      %slice3A_51 = vector.extract_strided_slice %add3A_49 {offsets = [8, 0], sizes = [8, 768], strides = [1, 1]} : vector<16x768xf32> to vector<8x768xf32>
      %add3A_52 = arith.addf %slice3A_50, %slice3A_51 : vector<8x768xf32>
      %get3A_53 = arith.constant 0 : index
      %get3A_54 = arith.constant 0 : index
      %get3A_55 = vector.load %arg20[%get3A_53, %get3A_54] : memref<1x768xf32, #tpu.memory_space<vmem>>, vector<1x768xf32>
      %reduce_sum3A = arith.constant dense<0.000000e+00> : vector<768xf32>
      %reduce_sum3A_56 = vector.multi_reduction <add>, %add3A_52, %reduce_sum3A [0] : vector<8x768xf32> to vector<768xf32>
      %broadcast_in_dim3A_57 = vector.shape_cast %reduce_sum3A_56 : vector<768xf32> to vector<1x768xf32>
      %add3A_58 = arith.addf %get3A_55, %broadcast_in_dim3A_57 : vector<1x768xf32>
      %swap3A = arith.constant 0 : index
      %swap3A_59 = arith.constant 0 : index
      %swap3A_60 = vector.load %arg20[%swap3A, %swap3A_59] : memref<1x768xf32, #tpu.memory_space<vmem>>, vector<1x768xf32>
      tpu.vector_store %arg20[%swap3A, %swap3A_59], %add3A_58 {strides = array<i32>} : memref<1x768xf32, #tpu.memory_space<vmem>>, vector<1x768xf32>,
      %add3A_61 = arith.constant 1 : i32
      %add3A_62 = arith.addi %arg0, %add3A_61 : i32
      %min3A = arith.constant 31 : i32
      %min3A_63 = arith.minsi %add3A_62, %min3A : i32
      %eq3A_64 = arith.constant 31 : i32
      %eq3A_65 = arith.cmpi eq, %arg0, %eq3A_64 : i32
      %get3A_66 = arith.index_cast %min3A_63 : i32 to index
      %get3A_67 = memref.load %arg1[%get3A_66] : memref<32xi32, #tpu.memory_space<smem>>
      %get3A_68 = arith.index_cast %arg0 : i32 to index
      %get3A_69 = memref.load %arg1[%get3A_68] : memref<32xi32, #tpu.memory_space<smem>>
      %ne3A = arith.cmpi ne, %get3A_67, %get3A_69 : i32
      %or3A = arith.ori %eq3A_65, %ne3A : i1
      %get3A_70 = arith.index_cast %min3A_63 : i32 to index
      %get3A_71 = memref.load %arg2[%get3A_70] : memref<32xi32, #tpu.memory_space<smem>>
      %eq3A_72 = arith.constant 0 : i32
      %eq3A_73 = arith.cmpi eq, %get3A_71, %eq3A_72 : i32
      %or3A_74 = arith.ori %or3A, %eq3A_73 : i1
      %convert_element_type3A_75 = arith.extui %or3A_74 : i1 to i32
      %cond3A_76 = arith.constant 0 : i32
      %cond3A_77 = arith.cmpi ne, %convert_element_type3A_75, %cond3A_76 : i32
      scf.if %cond3A_77 {
        %get3A_78 = arith.constant 0 : index
        %get3A_79 = arith.constant 0 : index
        %get3A_80 = arith.constant 0 : index
        %get3A_81 = vector.load %arg7[%get3A_78, %get3A_79, %get3A_80] : memref<1x768x768xf32, #tpu.memory_space<vmem>>, vector<1x768x768xf32>
        %get3A_82 = vector.shape_cast %get3A_81 : vector<1x768x768xf32> to vector<768x768xf32>
        %get3A_83 = arith.constant 0 : index
        %get3A_84 = arith.constant 0 : index
        %get3A_85 = vector.load %arg20[%get3A_83, %get3A_84] : memref<1x768xf32, #tpu.memory_space<vmem>>, vector<1x768xf32>
        %mul3A_86 = vector.broadcast %get3A_85 : vector<1x768xf32> to vector<768x768xf32>
        %mul3A_87 = arith.mulf %get3A_82, %mul3A_86 : vector<768x768xf32>
        %reduce_sum3A_88 = arith.constant dense<0.000000e+00> : vector<768xf32>
        %reduce_sum3A_89 = vector.multi_reduction <add>, %mul3A_87, %reduce_sum3A_88 [1] : vector<768x768xf32> to vector<768xf32>
        %broadcast_in_dim3A_90 = vector.shape_cast %reduce_sum3A_89 : vector<768xf32> to vector<768x1xf32>
        %get3A_91 = arith.constant 0 : index
        %get3A_92 = arith.constant 0 : index
        %get3A_93 = vector.load %arg19[%get3A_91, %get3A_92] : memref<1x768xf32, #tpu.memory_space<vmem>>, vector<1x768xf32>
        %reshape3A = vector.shape_cast %broadcast_in_dim3A_90 : vector<768x1xf32> to vector<1x768xf32>
        %add3A_94 = arith.addf %get3A_93, %reshape3A : vector<1x768xf32>
        %swap3A_95 = arith.constant 0 : index
        %swap3A_96 = arith.constant 0 : index
        %swap3A_97 = vector.load %arg19[%swap3A_95, %swap3A_96] : memref<1x768xf32, #tpu.memory_space<vmem>>, vector<1x768xf32>
        tpu.vector_store %arg19[%swap3A_95, %swap3A_96], %add3A_94 {strides = array<i32>} : memref<1x768xf32, #tpu.memory_space<vmem>>, vector<1x768xf32>,
        %broadcast_in_dim3A_98 = arith.constant 0.000000e+00 : f32
        %broadcast_in_dim3A_99 = vector.broadcast %broadcast_in_dim3A_98 : f32 to vector<1x768xf32>
        %swap3A_100 = arith.constant 0 : index
        %swap3A_101 = arith.constant 0 : index
        %swap3A_102 = vector.load %arg20[%swap3A_100, %swap3A_101] : memref<1x768xf32, #tpu.memory_space<vmem>>, vector<1x768xf32>
        tpu.vector_store %arg20[%swap3A_100, %swap3A_101], %broadcast_in_dim3A_99 {strides = array<i32>} : memref<1x768xf32, #tpu.memory_space<vmem>>, vector<1x768xf32>,
      } else {
      }
    } else {
    }
    %eq3A_7 = arith.constant 31 : i32
    %eq3A_8 = arith.cmpi eq, %arg0, %eq3A_7 : i32
    %convert_element_type3A_9 = arith.extui %eq3A_8 : i1 to i32
    %cond3A_10 = arith.constant 0 : i32
    %cond3A_11 = arith.cmpi ne, %convert_element_type3A_9, %cond3A_10 : i32
    scf.if %cond3A_11 {
      %get3A_12 = arith.constant 0 : index
      %get3A_13 = arith.constant 0 : index
      %get3A_14 = vector.load %arg19[%get3A_12, %get3A_13] : memref<1x768xf32, #tpu.memory_space<vmem>>, vector<1x768xf32>
      %get3A_15 = arith.constant 0 : index
      %get3A_16 = arith.constant 0 : index
      %get3A_17 = vector.load %arg9[%get3A_15, %get3A_16] : memref<16x1xf32, #tpu.memory_space<vmem>>, vector<16x1xf32>
      %get3A_18 = arith.constant 0 : index
      %get3A_19 = arith.constant 0 : index
      %get3A_20 = vector.load %arg8[%get3A_18, %get3A_19] : memref<16x768xf32, #tpu.memory_space<vmem>>, vector<16x768xf32>
      %dot_general3A = arith.constant dense<0.000000e+00> : vector<1x768xf32>
      %dot_general3A_21 = tpu.matmul %get3A_17, %get3A_20, %dot_general3A {dimension_numbers = #tpu.dot_dimension_numbers<[0], [0], [1], [1], [0, 1, 1, 1], [], []>, precision = #tpu.contract_precision<fp32>, transpose_lhs_hint = false} : vector<16x1xf32>, vector<16x768xf32>, vector<1x768xf32> -> vector<1x768xf32>
      %add3A = arith.addf %get3A_14, %dot_general3A_21 : vector<1x768xf32>
      %reduce_sum3A = vector.shape_cast %add3A : vector<1x768xf32> to vector<1x1x768xf32>
      %reduce_sum3A_22 = arith.constant dense<0.000000e+00> : vector<1xf32>
      %reduce_sum3A_23 = vector.multi_reduction <add>, %reduce_sum3A, %reduce_sum3A_22 [1, 2] : vector<1x1x768xf32> to vector<1xf32>
      %reduce_sum3A_24 = vector.shape_cast %reduce_sum3A_23 : vector<1xf32> to vector<1x1x1xf32>
      %reduce_sum3A_25 = vector.extract %reduce_sum3A_24[0, 0, 0] : f32 from vector<1x1x1xf32>
      %broadcast_in_dim3A = vector.broadcast %reduce_sum3A_25 : f32 to vector<1x1xf32>
      %div3A = arith.constant 7.680000e+02 : f32
      %div3A_26 = vector.broadcast %div3A : f32 to vector<1x1xf32>
      %div3A_27 = arith.divf %broadcast_in_dim3A, %div3A_26 : vector<1x1xf32>
      %sub3A = vector.broadcast %div3A_27 : vector<1x1xf32> to vector<1x768xf32>
      %sub3A_28 = arith.subf %add3A, %sub3A : vector<1x768xf32>
      %integer_pow3A = arith.mulf %sub3A_28, %sub3A_28 : vector<1x768xf32>
      %reduce_sum3A_29 = vector.shape_cast %integer_pow3A : vector<1x768xf32> to vector<1x1x768xf32>
      %reduce_sum3A_30 = arith.constant dense<0.000000e+00> : vector<1xf32>
      %reduce_sum3A_31 = vector.multi_reduction <add>, %reduce_sum3A_29, %reduce_sum3A_30 [1, 2] : vector<1x1x768xf32> to vector<1xf32>
      %reduce_sum3A_32 = vector.shape_cast %reduce_sum3A_31 : vector<1xf32> to vector<1x1x1xf32>
      %reduce_sum3A_33 = vector.extract %reduce_sum3A_32[0, 0, 0] : f32 from vector<1x1x1xf32>
      %broadcast_in_dim3A_34 = vector.broadcast %reduce_sum3A_33 : f32 to vector<1x1xf32>
      %div3A_35 = arith.constant 7.680000e+02 : f32
      %div3A_36 = vector.broadcast %div3A_35 : f32 to vector<1x1xf32>
      %div3A_37 = arith.divf %broadcast_in_dim3A_34, %div3A_36 : vector<1x1xf32>
      %sub3A_38 = vector.broadcast %div3A_27 : vector<1x1xf32> to vector<1x768xf32>
      %sub3A_39 = arith.subf %add3A, %sub3A_38 : vector<1x768xf32>
      %add3A_40 = arith.constant 9.99999974E-6 : f32
      %add3A_41 = vector.broadcast %add3A_40 : f32 to vector<1x1xf32>
      %add3A_42 = arith.addf %div3A_37, %add3A_41 : vector<1x1xf32>
      %sqrt3A = math.sqrt %add3A_42 : vector<1x1xf32>
      %div3A_43 = vector.broadcast %sqrt3A : vector<1x1xf32> to vector<1x768xf32>
      %div3A_44 = arith.divf %sub3A_39, %div3A_43 : vector<1x768xf32>
      %get3A_45 = arith.constant 0 : index
      %get3A_46 = arith.constant 0 : index
      %get3A_47 = vector.load %arg11[%get3A_45, %get3A_46] : memref<1x768xf32, #tpu.memory_space<vmem>>, vector<1x768xf32>
      %mul3A = arith.mulf %div3A_44, %get3A_47 : vector<1x768xf32>
      %get3A_48 = arith.constant 0 : index
      %get3A_49 = arith.constant 0 : index
      %get3A_50 = vector.load %arg12[%get3A_48, %get3A_49] : memref<1x768xf32, #tpu.memory_space<vmem>>, vector<1x768xf32>
      %add3A_51 = arith.addf %mul3A, %get3A_50 : vector<1x768xf32>
      %get3A_52 = arith.constant 0 : index
      %get3A_53 = arith.constant 0 : index
      %get3A_54 = vector.load %arg13[%get3A_52, %get3A_53] : memref<1x768xf32, #tpu.memory_space<vmem>>, vector<1x768xf32>
      %mul3A_55 = arith.mulf %add3A_51, %get3A_54 : vector<1x768xf32>
      %reduce_sum3A_56 = vector.shape_cast %mul3A_55 : vector<1x768xf32> to vector<1x1x768xf32>
      %reduce_sum3A_57 = arith.constant dense<0.000000e+00> : vector<1xf32>
      %reduce_sum3A_58 = vector.multi_reduction <add>, %reduce_sum3A_56, %reduce_sum3A_57 [1, 2] : vector<1x1x768xf32> to vector<1xf32>
      %reduce_sum3A_59 = vector.shape_cast %reduce_sum3A_58 : vector<1xf32> to vector<1x1x1xf32>
      %reduce_sum3A_60 = vector.extract %reduce_sum3A_59[0, 0, 0] : f32 from vector<1x1x1xf32>
      %broadcast_in_dim3A_61 = vector.broadcast %reduce_sum3A_60 : f32 to vector<1x1xf32>
      %get3A_62 = arith.constant 0 : index
      %get3A_63 = arith.constant 0 : index
      %get3A_64 = vector.load %arg14[%get3A_62, %get3A_63] : memref<1x1xf32, #tpu.memory_space<vmem>>, vector<1x1xf32>
      %add3A_65 = arith.addf %broadcast_in_dim3A_61, %get3A_64 : vector<1x1xf32>
      %logistic3A = arith.negf %add3A_65 : vector<1x1xf32>
      %logistic3A_66 = math.exp %logistic3A : vector<1x1xf32>
      %logistic3A_67 = arith.constant 1.000000e+00 : f32
      %logistic3A_68 = vector.broadcast %logistic3A_67 : f32 to vector<1x1xf32>
      %logistic3A_69 = arith.addf %logistic3A_68, %logistic3A_66 : vector<1x1xf32>
      %logistic3A_70 = arith.divf %logistic3A_68, %logistic3A_69 : vector<1x1xf32>
      %swap3A = arith.constant 0 : index
      %swap3A_71 = arith.constant 0 : index
      %swap3A_72 = vector.load %arg16[%swap3A, %swap3A_71] : memref<1x1xf32, #tpu.memory_space<vmem>>, vector<1x1xf32>
      tpu.vector_store %arg16[%swap3A, %swap3A_71], %logistic3A_70 {strides = array<i32>} : memref<1x1xf32, #tpu.memory_space<vmem>>, vector<1x1xf32>,
      %get3A_73 = arith.constant 0 : index
      %get3A_74 = arith.constant 0 : index
      %get3A_75 = vector.load %arg10[%get3A_73, %get3A_74] : memref<1x1xf32, #tpu.memory_space<vmem>>, vector<1x1xf32>
      %mul3A_76 = arith.constant 0.00999999977 : f32
      %mul3A_77 = vector.broadcast %mul3A_76 : f32 to vector<1x1xf32>
      %mul3A_78 = arith.mulf %get3A_75, %mul3A_77 : vector<1x1xf32>
      %swap3A_79 = arith.constant 0 : index
      %swap3A_80 = arith.constant 0 : index
      %swap3A_81 = vector.load %arg17[%swap3A_79, %swap3A_80] : memref<1x1xf32, #tpu.memory_space<vmem>>, vector<1x1xf32>
      tpu.vector_store %arg17[%swap3A_79, %swap3A_80], %mul3A_78 {strides = array<i32>} : memref<1x1xf32, #tpu.memory_space<vmem>>, vector<1x1xf32>,
      %get3A_82 = arith.constant 0 : index
      %get3A_83 = arith.constant 0 : index
      %get3A_84 = vector.load %arg15[%get3A_82, %get3A_83] : memref<1x1xf32, #tpu.memory_space<vmem>>, vector<1x1xf32>
      %sub3A_85 = arith.subf %logistic3A_70, %get3A_84 : vector<1x1xf32>
      %integer_pow3A_86 = arith.mulf %sub3A_85, %sub3A_85 : vector<1x1xf32>
      %swap3A_87 = arith.constant 0 : index
      %swap3A_88 = arith.constant 0 : index
      %swap3A_89 = vector.load %arg18[%swap3A_87, %swap3A_88] : memref<1x1xf32, #tpu.memory_space<vmem>>, vector<1x1xf32>
      tpu.vector_store %arg18[%swap3A_87, %swap3A_88], %integer_pow3A_86 {strides = array<i32>} : memref<1x1xf32, #tpu.memory_space<vmem>>, vector<1x1xf32>,
    } else {
    }
    return
  }
  func.func @transform_0(%arg0: i32, %arg1: memref<32xi32, #tpu.memory_space<smem>>, %arg2: memref<32xi32, #tpu.memory_space<smem>>) -> (i32, i32) {
    %get3A = arith.index_cast %arg0 : i32 to index
    %get3A_0 = memref.load %arg2[%get3A] : memref<32xi32, #tpu.memory_space<smem>>
    %gt3A = arith.constant 0 : i32
    %gt3A_1 = arith.cmpi sgt, %get3A_0, %gt3A : i32
    %jit3A = arith.constant 0 : i32
    %select_n3A = arith.select %gt3A_1, %arg0, %jit3A : i32
    %c0_i32 = arith.constant 0 : i32
    %c0_i32_2 = arith.constant 0 : i32
    return %select_n3A, %c0_i32 : i32, i32
  }
  func.func @transform_1(%arg0: i32, %arg1: memref<32xi32, #tpu.memory_space<smem>>, %arg2: memref<32xi32, #tpu.memory_space<smem>>) -> (i32, i32) {
    %get3A = arith.index_cast %arg0 : i32 to index
    %get3A_0 = memref.load %arg2[%get3A] : memref<32xi32, #tpu.memory_space<smem>>
    %gt3A = arith.constant 0 : i32
    %gt3A_1 = arith.cmpi sgt, %get3A_0, %gt3A : i32
    %jit3A = arith.constant 0 : i32
    %select_n3A = arith.select %gt3A_1, %arg0, %jit3A : i32
    %c0_i32 = arith.constant 0 : i32
    %c0_i32_2 = arith.constant 0 : i32
    return %select_n3A, %c0_i32 : i32, i32
  }
  func.func @transform_2(%arg0: i32, %arg1: memref<32xi32, #tpu.memory_space<smem>>, %arg2: memref<32xi32, #tpu.memory_space<smem>>) -> (i32, i32, i32) {
    %get3A = arith.index_cast %arg0 : i32 to index
    %get3A_0 = memref.load %arg1[%get3A] : memref<32xi32, #tpu.memory_space<smem>>
    %c0_i32 = arith.constant 0 : i32
    %c0_i32_1 = arith.constant 0 : i32
    %c0_i32_2 = arith.constant 0 : i32
    return %get3A_0, %c0_i32, %c0_i32_1 : i32, i32, i32
  }
  func.func @transform_3(%arg0: i32, %arg1: memref<32xi32, #tpu.memory_space<smem>>, %arg2: memref<32xi32, #tpu.memory_space<smem>>) -> (i32, i32, i32) {
    %get3A = arith.index_cast %arg0 : i32 to index
    %get3A_0 = memref.load %arg1[%get3A] : memref<32xi32, #tpu.memory_space<smem>>
    %c0_i32 = arith.constant 0 : i32
    %c0_i32_1 = arith.constant 0 : i32
    %c0_i32_2 = arith.constant 0 : i32
    return %get3A_0, %c0_i32, %c0_i32_1 : i32, i32, i32
  }
  func.func @transform_4(%arg0: i32, %arg1: memref<32xi32, #tpu.memory_space<smem>>, %arg2: memref<32xi32, #tpu.memory_space<smem>>) -> (i32, i32, i32) {
    %get3A = arith.index_cast %arg0 : i32 to index
    %get3A_0 = memref.load %arg1[%get3A] : memref<32xi32, #tpu.memory_space<smem>>
    %c0_i32 = arith.constant 0 : i32
    %c0_i32_1 = arith.constant 0 : i32
    %c0_i32_2 = arith.constant 0 : i32
    return %get3A_0, %c0_i32, %c0_i32_1 : i32, i32, i32
  }
  func.func @transform_5(%arg0: i32, %arg1: memref<32xi32, #tpu.memory_space<smem>>, %arg2: memref<32xi32, #tpu.memory_space<smem>>) -> (i32, i32) {
    %c0_i32 = arith.constant 0 : i32
    %c0_i32_0 = arith.constant 0 : i32
    %c0_i32_1 = arith.constant 0 : i32
    return %c0_i32, %c0_i32_0 : i32, i32
  }
  func.func @transform_6(%arg0: i32, %arg1: memref<32xi32, #tpu.memory_space<smem>>, %arg2: memref<32xi32, #tpu.memory_space<smem>>) -> (i32, i32) {
    %c0_i32 = arith.constant 0 : i32
    %c0_i32_0 = arith.constant 0 : i32
    %c0_i32_1 = arith.constant 0 : i32
    return %c0_i32, %c0_i32_0 : i32, i32
  }
  func.func @transform_7(%arg0: i32, %arg1: memref<32xi32, #tpu.memory_space<smem>>, %arg2: memref<32xi32, #tpu.memory_space<smem>>) -> (i32, i32) {
    %c0_i32 = arith.constant 0 : i32
    %c0_i32_0 = arith.constant 0 : i32
    %c0_i32_1 = arith.constant 0 : i32
    return %c0_i32, %c0_i32_0 : i32, i32
  }
  func.func @transform_8(%arg0: i32, %arg1: memref<32xi32, #tpu.memory_space<smem>>, %arg2: memref<32xi32, #tpu.memory_space<smem>>) -> (i32, i32) {
    %c0_i32 = arith.constant 0 : i32
    %c0_i32_0 = arith.constant 0 : i32
    %c0_i32_1 = arith.constant 0 : i32
    return %c0_i32, %c0_i32_0 : i32, i32
  }
  func.func @transform_9(%arg0: i32, %arg1: memref<32xi32, #tpu.memory_space<smem>>, %arg2: memref<32xi32, #tpu.memory_space<smem>>) -> (i32, i32) {
    %c0_i32 = arith.constant 0 : i32
    %c0_i32_0 = arith.constant 0 : i32
    %c0_i32_1 = arith.constant 0 : i32
    return %c0_i32, %c0_i32_0 : i32, i32
  }
  func.func @transform_10(%arg0: i32, %arg1: memref<32xi32, #tpu.memory_space<smem>>, %arg2: memref<32xi32, #tpu.memory_space<smem>>) -> (i32, i32) {
    %c0_i32 = arith.constant 0 : i32
    %c0_i32_0 = arith.constant 0 : i32
    %c0_i32_1 = arith.constant 0 : i32
    return %c0_i32, %c0_i32_0 : i32, i32
  }
  func.func @transform_11(%arg0: i32, %arg1: memref<32xi32, #tpu.memory_space<smem>>, %arg2: memref<32xi32, #tpu.memory_space<smem>>) -> (i32, i32) {
    %c0_i32 = arith.constant 0 : i32
    %c0_i32_0 = arith.constant 0 : i32
    %c0_i32_1 = arith.constant 0 : i32
    return %c0_i32, %c0_i32_0 : i32, i32
  }
  func.func @transform_12(%arg0: i32, %arg1: memref<32xi32, #tpu.memory_space<smem>>, %arg2: memref<32xi32, #tpu.memory_space<smem>>) -> (i32, i32) {
    %c0_i32 = arith.constant 0 : i32
    %c0_i32_0 = arith.constant 0 : i32
    %c0_i32_1 = arith.constant 0 : i32
    return %c0_i32, %c0_i32_0 : i32, i32
  }
  func.func @transform_13(%arg0: i32, %arg1: memref<32xi32, #tpu.memory_space<smem>>, %arg2: memref<32xi32, #tpu.memory_space<smem>>) -> (i32, i32) {
    %c0_i32 = arith.constant 0 : i32
    %c0_i32_0 = arith.constant 0 : i32
    %c0_i32_1 = arith.constant 0 : i32
    return %c0_i32, %c0_i32_0 : i32, i32
  }
  func.func @transform_14(%arg0: i32, %arg1: memref<32xi32, #tpu.memory_space<smem>>, %arg2: memref<32xi32, #tpu.memory_space<smem>>) -> (i32, i32) {
    %c0_i32 = arith.constant 0 : i32
    %c0_i32_0 = arith.constant 0 : i32
    %c0_i32_1 = arith.constant 0 : i32
    return %c0_i32, %c0_i32_0 : i32, i32
  }
  func.func @transform_15(%arg0: i32, %arg1: memref<32xi32, #tpu.memory_space<smem>>, %arg2: memref<32xi32, #tpu.memory_space<smem>>) -> (i32, i32) {
    %c0_i32 = arith.constant 0 : i32
    %c0_i32_0 = arith.constant 0 : i32
    %c0_i32_1 = arith.constant 0 : i32
    return %c0_i32, %c0_i32_0 : i32, i32
  }
}

</mosaic_0001>

<sc_bundles>
// kernel: kernel.5.cloned.1.call-start
scs
__scs_entry_jumppad:
0x0: {  	(pc) =	sbr.rel $0x88, $3  }
0x1: {  	(tag) =	ssettag $0x0;
	lr =	simm.s32 $0x1  }
0x2: {  	[smem:$0x3F94] =	sst lr;
	_ =	strace $0xD0000000  }
0x3: {  	_ = 	snop  }
0x4: {  	_ = 	snop  }
0x5: {  	_ = 	snop  }
0x6: {  	_ = 	snop  }
0x7: {  	_ = 	snop  }
__scs_overlays_trampoline_lowered:
0x8: {  	[smem:$0x3FA3] =	sst s0  }
0x9: {  	[smem:$0x3FA4] =	sst s1  }
0xa: {  	[smem:$0x3FA5] =	sst s2  }
0xb: {  	[smem:$0x3FA6] =	sst s3  }
0xc: {  	[smem:$0x3FA7] =	sst s4  }
0xd: {  	[smem:$0x3FA8] =	sst s5  }
0xe: {  	[smem:$0x3FA9] =	sst s6  }
0xf: {  	[smem:$0x3FAA] =	sst s7  }
0x10: {  	[smem:$0x3FAB] =	sst s8  }
0x11: {  	[smem:$0x3FAC] =	sst s9;
	s0 =	simm.s32 @!p0 $0x0  }
0x12: {  	s1 =	sld [smem:$0x3F92];
	s0 =	simm.s32 @p0 $0x1  }
0x13: {  	[smem:$0x3FAD] =	sst s0;
	s0 =	simm.s32 @!p1 $0x0  }
0x14: {  	s2 =	sld [smem:$0x3F91];
	s0 =	simm.s32 @p1 $0x1  }
0x15: {  	[smem:$0x3FAE] =	sst s0;
	s0 =	simm.s32 @!p2 $0x0  }
0x16: {  	s3 =	sld [smem:$0x3FDB];
	s0 =	simm.s32 @p2 $0x1  }
0x17: {  	s4 =	simm.s32 $0x1BF5;
	[smem:$0x3FB0] =	sst s0  }
0x18: {  	s0 =	sld [smem:$0x3F93];
	_ =	swait.ge [sflag:s4], $0x0  }
0x19: {  	s7 =	sld [smem:$0x3F94]  }
0x1a: {  	s8 =	sadd.s32 $0xFFFFE003, lr  }
0x1b: {  	s9 =	sadd.s32 $0xFFFFFEF7, lr;
	s5 =	simm.s32 $0xFFFFFFFF;
	p2 =	slt.u32 s8, $0xFFFFF086  }
0x1c: {  	p1 =	slt.u32 s9, $0xF7A;
	s5 =	simm.s32 @!p2 $0x0  }
0x1d: {  	s5 =	simm.s32 @p1 $0x1;
	p0 =	seq.s32 s7, s2  }
0x1e: {  	s7 =	smul.u32 @!p0 $0xF7A, s2;
	p2 =	seq.s32 @!p0 s5, $0x0  }
0x1f: {  	s9 =	smul.u32 $0xF7A, s1;
	s8 =	simm.s32 @!p0 $0x1BF5;
	p2 =	por !p2, p0  }
0x20: {  	[sflag:s8] =	ssyncset.s32 @!p0 $0xFFFFF086;
	s6 =	sadd.s32 @!p0 s3, s7;
	s7 =	simm.s32 @!p0 $0x108  }
0x21: {  	s3 =	sadd.s32 s3, s9;
	s6 =	sadd.s32 @!p0 $0x88, s6;
	s7 =	simm.s32 @p2 $0x1082  }
0x22: {  	[simem:s7], [sflag:s8] =	dma.local @!p0 [hbm:s6], $0xF7A  }
0x23: {  	s9 =	sor.u32 $0xD0000000, s2;
	s6 =	simm.s32 $0x108;
	_ =	swait.ge @!p0 [sflag:s8], $0x0  }
0x24: {  	s3 =	sadd.s32 $0x88, s3;
	s6 =	simm.s32 @!p1 $0x1082;
	[sflag:s4] =	ssyncset.s32 $0xFFFFF086  }
0x25: {  	[simem:s6], [sflag:s4] =	dma.local [hbm:s3], $0xF7A  }
0x26: {  	[smem:$0x3F94] =	sst s1;
	(tag) =	ssettag s2;
	_ =	strace s9  }
0x27: {  	s1 =	sld [smem:$0x3FA4]  }
0x28: {  	s2 =	sld [smem:$0x3FA5]  }
0x29: {  	s4 =	sld [smem:$0x3FA7]  }
0x2a: {  	p0 =	seq.s32 s5, $0x0;
	s5 =	sld [smem:$0x3FA8]  }
0x2b: {  	s6 =	sld [smem:$0x3FA9]  }
0x2c: {  	s7 =	sld [smem:$0x3FAA]  }
0x2d: {  	s3 =	simm.s32 $0x108;
	s8 =	sld [smem:$0x3FAB]  }
0x2e: {  	s3 =	simm.s32 @!p0 $0x1082;
	s9 =	sld [smem:$0x3FAC]  }
0x2f: {  	lr =	sadd.s32 s0, s3;
	s0 =	sld [smem:$0x3FA3]  }
0x30: {  	s3 =	sld [smem:$0x3FA6]  }
0x31: {  	[smem:$0x3FAF] =	sst s10  }
0x32: {  	s10 =	sld [smem:$0x3FAD];
	_ =	sdelay $0x3  }
0x33: {  	p0 =	seq.s32 s10, $0x1;
	s10 =	sld [smem:$0x3FAF];
	_ =	sdelay $0x3  }
0x34: {  	[smem:$0x3FAF] =	sst s10  }
0x35: {  	s10 =	sld [smem:$0x3FAE];
	_ =	sdelay $0x3  }
0x36: {  	p1 =	seq.s32 s10, $0x1;
	s10 =	sld [smem:$0x3FAF];
	_ =	sdelay $0x3  }
0x37: {  	[smem:$0x3FAF] =	sst s10  }
0x38: {  	s10 =	sld [smem:$0x3FB0]  }
0x39: {  	_ = 	snop;
	(pc) =	sbr.ind lr, $3  }
0x3a: {  	_ = 	snop  }
0x3b: {  	_ = 	snop  }
0x3c: {  	p2 =	seq.s32 s10, $0x1;
	s10 =	sld [smem:$0x3FAF]  }
0x3d: {  	_ =	shalt  }
0x3e: {  	_ =	shalt  }
0x3f: {  	_ =	shalt  }
0x40: {  	_ =	shalt  }
0x41: {  	_ =	shalt  }
0x42: {  	_ =	shalt  }
0x43: {  	_ =	shalt  }
0x44: {  	_ =	shalt  }
0x45: {  	_ =	shalt  }
0x46: {  	_ =	shalt  }
0x47: {  	_ =	shalt  }
0x48: {  	_ =	shalt  }
0x49: {  	_ =	shalt  }
0x4a: {  	_ =	shalt  }
0x4b: {  	_ =	shalt  }
0x4c: {  	_ =	shalt  }
0x4d: {  	_ =	shalt  }
0x4e: {  	_ =	shalt  }
0x4f: {  	_ =	shalt  }
0x50: {  	_ =	shalt  }
0x51: {  	_ =	shalt  }
0x52: {  	_ =	shalt  }
0x53: {  	_ =	shalt  }
0x54: {  	_ =	shalt  }
0x55: {  	_ =	shalt  }
0x56: {  	_ =	shalt  }
0x57: {  	_ =	shalt  }
0x58: {  	_ =	shalt  }
0x59: {  	_ =	shalt  }
0x5a: {  	_ =	shalt  }
0x5b: {  	_ =	shalt  }
0x5c: {  	_ =	shalt  }
0x5d: {  	_ =	shalt  }
0x5e: {  	_ =	shalt  }
0x5f: {  	_ =	shalt  }
0x60: {  	_ =	shalt  }
0x61: {  	_ =	shalt  }
0x62: {  	_ =	shalt  }
0x63: {  	_ =	shalt  }
0x64: {  	_ =	shalt  }
0x65: {  	_ =	shalt  }
0x66: {  	_ =	shalt  }
0x67: {  	_ =	shalt  }
0x68: {  	_ =	shalt  }
0x69: {  	_ =	shalt  }
0x6a: {  	_ =	shalt  }
0x6b: {  	_ =	shalt  }
0x6c: {  	_ =	shalt  }
0x6d: {  	_ =	shalt  }
0x6e: {  	_ =	shalt  }
0x6f: {  	_ =	shalt  }
0x70: {  	_ =	shalt  }
0x71: {  	_ =	shalt  }
0x72: {  	_ =	shalt  }
0x73: {  	_ =	shalt  }
0x74: {  	_ =	shalt  }
0x75: {  	_ =	shalt  }
0x76: {  	_ =	shalt  }
0x77: {  	_ =	shalt  }
0x78: {  	_ =	shalt  }
0x79: {  	_ =	shalt  }
0x7a: {  	_ =	shalt  }
0x7b: {  	_ =	shalt  }
0x7c: {  	_ =	shalt  }
0x7d: {  	_ =	shalt  }
0x7e: {  	_ =	shalt  }
0x7f: {  	_ =	shalt  }
0x80: {  	_ =	shalt  }
0x81: {  	_ =	shalt  }
0x82: {  	_ =	shalt  }
0x83: {  	_ =	shalt  }
0x84: {  	_ =	shalt  }
0x85: {  	_ =	shalt  }
0x86: {  	_ =	shalt  }
0x87: {  	_ =	shalt  }
.Lfunc_end0:
.L_simem_size_0:
called_computation_lowered:
.L_overlay_start_0:
0x88: {  	s2 =	sld [smem:$0x3FD9]  }
0x89: {  	s3 =	sld [smem:$0x3FFE];
	_ =	sdelay $0x1  }
0x8a: {  	s1 =	srdreg.scid  }
0x8b: {  	s0 =	sand.u32 $0x1, s1  }
0x8c: {  	s17 =	sshll.u32 s0, $0xA;
	s2 =	sadd.s32 s3, s2  }
0x8d: {  	s2 =	sadd.s32 s2, s17  }
0x8e: {  	[smem:$0x3FBB] =	sst s2  }
0x8f: {  	_ = 	snop  }
0x90: {  	s2 =	sld [smem:$0x3FC9];
	(tm) =	ssettm $0x1  }
0x91: {  	s18 =	sld [smem:$0x3FFB];
	_ =	sdelay $0x3  }
0x92: {  	_ =	strace s18  }
0x93: {  	s3 =	sld [smem:$0x3FFC];
	_ =	sdelay $0x3  }
0x94: {  	_ =	strace s3  }
0x95: {  	s3 =	sld [smem:$0x3FFD];
	_ =	sdelay $0x3  }
0x96: {  	_ =	strace s3  }
0x97: {  	_ =	strace $0x8FFFFFFF  }
0x98: {  	s19 =	sld [smem:$0x3FDB];
	_ =	sdelay $0x1  }
0x99: {  	s4 =	simm.s32 $_scs_section_size  }
0x9a: {  	s5 =	simm.s32 $_size__tile_overlayer_lowered;
	s6 =	simm.s32 $_tile_overlayer_lowered  }
0x9b: {  	s22 =	simm.s32 $0x1BFF;
	s21 =	sshll.u32 s6, $0x1;
	s3 =	sadd.s32 s4, s19  }
0x9c: {  	s7 =	simm.s32 $0x0;
	s20 =	sshll.u32 s5, $0x1;
	s5 =	sadd.s32 s21, s3  }
0x9d: {  	[timem:s7], [sflag:s22] =	dma.local [hbm:s5], s20  }
0x9e: {  	_ =	swait.ge [sflag:s22], s20  }
0x9f: {  	s4 =	ssub.s32 $0x0, s20;
	[sflag:s22] =	ssyncset.done $0x0  }
0xa0: {  	[sflag:s22] =	ssyncadd.s32 s4;
	_ =	sdelay $0x1  }
0xa1: {  	s23 =	simm.s32 $0x1B8B  }
0xa2: {  	_ =	swait.ge [sflag:s23], $0x1  }
0xa3: {  	[sflag:s23] =	ssyncset.done $0x0  }
0xa4: {  	s25 =	simm.s32 $0x1B8E;
	s24 =	sld [smem:$0x3FFE];
	[sflag:s23] =	ssyncadd.s32 $0xFFFFFFFF  }
0xa5: {  	s26 =	simm.s32 $execute0_lowered;
	[smem:$0x3FD2] =	sst s25  }
0xa6: {  	s5 =	sshll.u32 s26, $0x1;
	_ =	strace $0x80000046;
	[dreg:$0x1] =	wrdreg $0xFFFFFFFF  }
0xa7: {  	s28 =	simm.s32 $_size_execute0_lowered;
	s3 =	sadd.s32 s3, s5;
	[dreg:$0x0] =	wrdreg $0x0  }
0xa8: {  	s5 =	sshll.u32 s28, $0x1;
	[dreg:$0x2] =	wrdreg s3  }
0xa9: {  	[dreg:$0x3] =	wrdreg s5  }
0xaa: {  	[dreg:$0x4] =	wrdreg $0xC0  }
0xab: {  	_ =	task [dreg:s7], $0x5FFFF  }
0xac: {  	[dreg:$0x1] =	wrdreg $0xFFFFFFFF  }
0xad: {  	[dreg:$0x0] =	wrdreg $0x60  }
0xae: {  	[dreg:$0x2] =	wrdreg s24  }
0xaf: {  	[dreg:$0x3] =	wrdreg s2  }
0xb0: {  	[dreg:$0x4] =	wrdreg $0x9  }
0xb1: {  	_ =	task.clear_ibuf [dreg:s7], $0x5FFFF;
	_ =	strace $0x90000046  }
0xb2: {  	s29 =	simm.s32 $0x9;
	_ =	strace $0x80000048  }
0xb3: {  	_ =	swait.ge [sflag:s29], $0x1  }
0xb4: {  	[sflag:s29] =	ssyncadd.s32 $0xFFFFFFFF  }
0xb5: {  	_ =	strace $0x90000048  }
0xb6: {  	_ =	sfence  }
0xb7: {  	s30 =	sld [smem:$0x0];
	_ =	sdelay $0x2  }
0xb8: {  	s31 =	sshll.u32 s1, $0xD;
	s1 =	sshrl.u32 s1, $0x2  }
0xb9: {  	s3 =	sand.u32 $0x4000, s31;
	s1 =	sadd.s32 s1, s30  }
0xba: {  	s0 =	sor.u32 s3, s0;
	s1 =	sshll.u32 s1, $0x11  }
0xbb: {  	s0 =	sor.u32 s1, s0  }
0xbc: {  	s0 =	sadd.s32 $0x8F2B, s0  }
0xbd: {  	[sflag:s0] =	ssyncadd.remote.s32 $0x1  }
0xbe: {  	_ =	sfence.sel $0xFFFF  }
0xbf: {  	[dreg:$0x0] =	wrdreg $0xFFFFFFFF;
	(pc) =	sbr.abs _section_cstart, $3  }
0xc0: {  	[dreg:$0x1] =	wrdreg $0xFFFFFFFF  }
0xc1: {  	_ =	task.clear_ibuf [dreg:s7], $0x2FFFF;
	_ =	strace $0x9FFFFFFF  }
0xc2: {  	(tm) =	ssettm $0x7FFFFFFF  }
0xc3: {  	_ =	shalt  }
tec
execute0_lowered:
.L_overlay_start_1:
0x0: {  	(tag) =	ssettag $0x1  }
0x1: {  	s1 =	rddreg [dreg:$0x0];
	s2 =	srdreg.scid  }
0x2: {  	s3 =	rddreg [dreg:$0x1];
	s4 =	sand.u32 $0x1, s2;
	s2 =	simm.s32 $0x0  }
0x3: {  	s8 =	sadd.s32 $0x12400, s1;
	[smem:$0x7FF] =	sst s2  }
0x4: {  	s22 =	simm.s32 $0x4880;
	_ =	strace $0x80000047;
	[dreg:$0x3] =	wrdreg s8  }
0x5: {  	s23 =	simm.s32 $0x5080;
	[dreg:$0x7] =	wrdreg s22  }
0x6: {  	s24 =	simm.s32 $0x5880;
	[dreg:$0x8] =	wrdreg s23  }
0x7: {  	s25 =	simm.s32 $0x6080;
	[dreg:$0x9] =	wrdreg s24  }
0x8: {  	s0 =	stileid.u32;
	s26 =	simm.s32 $0x6880;
	[dreg:$0xa] =	wrdreg s25  }
0x9: {  	s5 =	sshll.u32 s0, $0x1;
	s0 =	simm.s32 $0x7080;
	[dreg:$0xb] =	wrdreg s26  }
0xa: {  	s9 =	simm.s32 $0x9880;
	[dreg:$0xc] =	wrdreg s0  }
0xb: {  	s10 =	simm.s32 $0xA080;
	[dreg:$0x11] =	wrdreg s9  }
0xc: {  	s11 =	simm.s32 $0xA880;
	[dreg:$0x12] =	wrdreg s10  }
0xd: {  	s12 =	simm.s32 $0xB080;
	s13 =	simm.s32 $0xB880;
	[dreg:$0x13] =	wrdreg s11  }
0xe: {  	s14 =	simm.s32 $0xC080;
	s15 =	simm.s32 $0xC880;
	[dreg:$0x14] =	wrdreg s12  }
0xf: {  	s16 =	simm.s32 $0xD080;
	s17 =	simm.s32 $0xD880;
	[dreg:$0x15] =	wrdreg s13  }
0x10: {  	s18 =	simm.s32 $0xE080;
	s20 =	simm.s32 $0xE880;
	[dreg:$0x16] =	wrdreg s14  }
0x11: {  	s21 =	simm.s32 $0xF080;
	s28 =	simm.s32 $0x1A880;
	[dreg:$0x17] =	wrdreg s15  }
0x12: {  	s29 =	simm.s32 $0x1B080;
	s30 =	simm.s32 $0x1B880;
	[dreg:$0x18] =	wrdreg s16  }
0x13: {  	s31 =	simm.s32 $0x1;
	s5 =	sor.u32 s4, s5;
	[dreg:$0x19] =	wrdreg s17  }
0x14: {  	s4 =	ssub.s32 $0x2, s4;
	s6 =	sshll.u32 s5, $0x4;
	[dreg:$0x1a] =	wrdreg s18  }
0x15: {  	s5 =	sshll.u32 s5, $0xB;
	s8 =	simm.s32 $0x9080;
	[dreg:$0x1b] =	wrdreg s20  }
0x16: {  	s19 =	sshrl.u32 s4, $0x1;
	[dreg:$0x1c] =	wrdreg s21;
	s22 =	simm.s32 $0xF880  }
0x17: {  	s23 =	simm.s32 $0x10080;
	s24 =	simm.s32 $0x10880;
	s25 =	simm.s32 $0x11080  }
0x18: {  	s26 =	simm.s32 $0x11880;
	s9 =	simm.s32 $0x4080;
	s11 =	simm.s32 $0x12880  }
0x19: {  	s12 =	simm.s32 $0x13080;
	s13 =	simm.s32 $0x13880;
	s14 =	simm.s32 $0x14080  }
0x1a: {  	s15 =	simm.s32 $0x14880;
	s16 =	simm.s32 $0x15080;
	[dreg:$0x10] =	wrdreg s8  }
0x1b: {  	s17 =	simm.s32 $0x15880;
	s18 =	simm.s32 $0x16080;
	[dreg:$0x1d] =	wrdreg s22  }
0x1c: {  	s20 =	simm.s32 $0x17080;
	s21 =	simm.s32 $0x17880;
	[dreg:$0x1e] =	wrdreg s23  }
0x1d: {  	s7 =	sadd.s32 s6, s1;
	s5 =	sadd.s32 s5, s1;
	[dreg:$0x1f] =	wrdreg s24  }
0x1e: {  	s6 =	sand.u32 $0xF0, s6;
	s8 =	simm.s32 $0x80;
	[smem:$0x7FC] =	sst s25  }
0x1f: {  	[smem:$0x7FD] =	sst s26;
	s22 =	simm.s32 $0x18080;
	s7 =	sadd.s32 $0x12200, s7  }
0x20: {  	s23 =	simm.s32 $0x18880;
	s5 =	sadd.s32 $0x2200, s5;
	[dreg:$0x4] =	wrdreg s7  }
0x21: {  	s6 =	smul.u32 $0x300, s6;
	[dreg:$0x5] =	wrdreg s5;
	s5 =	simm.s32 $0x7880  }
0x22: {  	s24 =	simm.s32 $0x19080;
	s7 =	simm.s32 $0x8880;
	[dreg:$0xd] =	wrdreg s5  }
0x23: {  	s25 =	simm.s32 $0x19880;
	s3 =	sadd.s32 s3, s6;
	[dreg:$0xf] =	wrdreg s7  }
0x24: {  	s26 =	simm.s32 $0x1A080;
	s6 =	simm.s32 $0x8080;
	[dreg:$0x6] =	wrdreg s3  }
0x25: {  	v2 =	vlaneseq.u32;
	s5 =	sadd.s32 $0x32600, s1;
	s7 =	simm.s32 $0x3;
	[dreg:$0xe] =	wrdreg s6  }
0x26: {  	vm0 =	vmmov $0xffff;
	v1 =	vshrl.u32 v2, $0x3;
	s3 =	sadd.s32 $0x32400, s1;
	s6 =	ssub.s32 s4, s19;
	s4 =	sadd.s32 $0x32500, s1  }
0x27: {  	v0 =	vand.u32 $0x7, v2;
	v2 =	vor.u32 $0x8, v2;
	v1 =	vmul.u32 $0x8, v1;
	s19 =	simm.s32 $0x16880;
	s1 =	simm.s32 $0x2;
	s6 =	smax.u32 s6, $0x1  }
.LBB2_1:
0x28: {  	s0 =	rddreg [dreg:$0x4]  }
0x29: {  	[tilespmem:s2], [sflag:$0x3] =	stream.linear.gather [hbm4b:s0+s2], $0x80, $0x38;
	[tilespmem:$0x1C080] =	vst v63  }
0x2a: {  	_ =	swait.ge [sflag:s7], $0x80  }
0x2b: {  	[sflag:s7] =	ssyncset.done $0x0  }
0x2c: {  	s10 =	rddreg [dreg:$0x5];
	[sflag:s7] =	ssyncadd.s32 $0xFFFFFF80  }
0x2d: {  	[tilespmem:s8], [sflag:$0x3] =	stream.linear.gather [hbm4b:s10+s2], $0x4000, $0x38;
	[tilespmem:$0x1C080] =	vst v63  }
0x2e: {  	_ =	swait.ge [sflag:s7], $0x4000  }
0x2f: {  	[sflag:s7] =	ssyncset.done $0x0  }
0x30: {  	s10 =	rddreg [dreg:$0x6];
	[sflag:s7] =	ssyncadd.s32 $0xFFFFC000  }
0x31: {  	[tilespmem:s9], [sflag:$0x3] =	stream.linear.gather [hbm4b:s10+s2], $0x18000, $0x38;
	[tilespmem:$0x1C080] =	vst v63  }
0x32: {  	_ =	swait.ge [sflag:s7], $0x18000  }
0x33: {  	[sflag:s7] =	ssyncset.done $0x0  }
0x34: {  	[sflag:s7] =	ssyncadd.s32 $0xFFFE8000  }
0x35: {  	v3 =	vld [tilespmem:$0x0];
	_ =	sdelay $0x4  }
0x36: {  	v4 =	vshrl.u32 v3, $0x3  }
0x37: {  	v4 =	vmul.u32 $0x30, v4  }
0x38: {  	v3 =	vand.u32 $0x7, v3  }
0x39: {  	v3 =	vor.u32 v3, v4  }
0x3a: {  	v4 =	vperm.xlane v3, v0;
	_ =	sdelay $0x1  }
0x3b: {  	v4 =	vadd.s32 v1, v4;
	_ =	sdelay $0x3  }
0x3c: {  	v3 =	vperm.xlane v3, v2  }
0x3d: {  	[hbm4b:s3+s2] =	stream.indirect_vreg.scatter [tilespmem:s9], [sflag:$0x1], $0x80, v4, vm0, $0xb8;
	[tilespmem:$0x1C080] =	vst v63  }
0x3e: {  	s0 =	rddreg [dreg:$0x7];
	v3 =	vadd.s32 v1, v3  }
0x3f: {  	[hbm4b:s4+s2] =	stream.indirect_vreg.scatter [tilespmem:s0], [sflag:$0x1], $0x80, v4, vm0, $0xb8;
	[tilespmem:$0x1C080] =	vst v63  }
0x40: {  	s10 =	rddreg [dreg:$0x8]  }
0x41: {  	[hbm4b:s5+s2] =	stream.indirect_vreg.scatter [tilespmem:s10], [sflag:$0x1], $0x80, v4, vm0, $0xb8;
	[tilespmem:$0x1C080] =	vst v63  }
0x42: {  	s0 =	rddreg [dreg:$0x9]  }
0x43: {  	[hbm4b:s3+s2] =	stream.indirect_vreg.scatter [tilespmem:s0], [sflag:$0x1], $0x80, v3, vm0, $0xb8;
	[tilespmem:$0x1C080] =	vst v63  }
0x44: {  	s10 =	rddreg [dreg:$0xa]  }
0x45: {  	[hbm4b:s4+s2] =	stream.indirect_vreg.scatter [tilespmem:s10], [sflag:$0x1], $0x80, v3, vm0, $0xb8;
	[tilespmem:$0x1C080] =	vst v63  }
0x46: {  	s0 =	rddreg [dreg:$0xb]  }
0x47: {  	[hbm4b:s5+s2] =	stream.indirect_vreg.scatter [tilespmem:s0], [sflag:$0x1], $0x80, v3, vm0, $0xb8;
	[tilespmem:$0x1C080] =	vst v63  }
0x48: {  	v3 =	vld [tilespmem:$0x10];
	_ =	sdelay $0x4  }
0x49: {  	v57 =	vshrl.u32 v3, $0x3  }
0x4a: {  	v4 =	vmul.u32 $0x30, v57  }
0x4b: {  	v3 =	vand.u32 $0x7, v3  }
0x4c: {  	v3 =	vor.u32 v3, v4  }
0x4d: {  	v4 =	vperm.xlane v3, v0;
	_ =	sdelay $0x1  }
0x4e: {  	v4 =	vadd.s32 v1, v4;
	_ =	sdelay $0x3  }
0x4f: {  	s0 =	rddreg [dreg:$0xc];
	v3 =	vperm.xlane v3, v2  }
0x50: {  	[hbm4b:s3+s2] =	stream.indirect_vreg.scatter [tilespmem:s0], [sflag:$0x1], $0x80, v4, vm0, $0xb8;
	[tilespmem:$0x1C080] =	vst v63  }
0x51: {  	s10 =	rddreg [dreg:$0xd];
	v3 =	vadd.s32 v1, v3  }
0x52: {  	[hbm4b:s4+s2] =	stream.indirect_vreg.scatter [tilespmem:s10], [sflag:$0x1], $0x80, v4, vm0, $0xb8;
	[tilespmem:$0x1C080] =	vst v63  }
0x53: {  	s0 =	rddreg [dreg:$0xe]  }
0x54: {  	[hbm4b:s5+s2] =	stream.indirect_vreg.scatter [tilespmem:s0], [sflag:$0x1], $0x80, v4, vm0, $0xb8;
	[tilespmem:$0x1C080] =	vst v63  }
0x55: {  	s10 =	rddreg [dreg:$0xf]  }
0x56: {  	[hbm4b:s3+s2] =	stream.indirect_vreg.scatter [tilespmem:s10], [sflag:$0x1], $0x80, v3, vm0, $0xb8;
	[tilespmem:$0x1C080] =	vst v63  }
0x57: {  	s0 =	rddreg [dreg:$0x10]  }
0x58: {  	[hbm4b:s4+s2] =	stream.indirect_vreg.scatter [tilespmem:s0], [sflag:$0x1], $0x80, v3, vm0, $0xb8;
	[tilespmem:$0x1C080] =	vst v63  }
0x59: {  	s10 =	rddreg [dreg:$0x11]  }
0x5a: {  	[hbm4b:s5+s2] =	stream.indirect_vreg.scatter [tilespmem:s10], [sflag:$0x1], $0x80, v3, vm0, $0xb8;
	[tilespmem:$0x1C080] =	vst v63  }
0x5b: {  	v3 =	vld [tilespmem:$0x20];
	_ =	sdelay $0x4  }
0x5c: {  	v58 =	vshrl.u32 v3, $0x3  }
0x5d: {  	v4 =	vmul.u32 $0x30, v58  }
0x5e: {  	v3 =	vand.u32 $0x7, v3  }
0x5f: {  	v3 =	vor.u32 v3, v4  }
0x60: {  	v4 =	vperm.xlane v3, v0;
	_ =	sdelay $0x1  }
0x61: {  	v4 =	vadd.s32 v1, v4;
	_ =	sdelay $0x3  }
0x62: {  	s0 =	rddreg [dreg:$0x12];
	v3 =	vperm.xlane v3, v2  }
0x63: {  	[hbm4b:s3+s2] =	stream.indirect_vreg.scatter [tilespmem:s0], [sflag:$0x1], $0x80, v4, vm0, $0xb8;
	[tilespmem:$0x1C080] =	vst v63  }
0x64: {  	s10 =	rddreg [dreg:$0x13];
	v3 =	vadd.s32 v1, v3  }
0x65: {  	[hbm4b:s4+s2] =	stream.indirect_vreg.scatter [tilespmem:s10], [sflag:$0x1], $0x80, v4, vm0, $0xb8;
	[tilespmem:$0x1C080] =	vst v63  }
0x66: {  	s0 =	rddreg [dreg:$0x14]  }
0x67: {  	[hbm4b:s5+s2] =	stream.indirect_vreg.scatter [tilespmem:s0], [sflag:$0x1], $0x80, v4, vm0, $0xb8;
	[tilespmem:$0x1C080] =	vst v63  }
0x68: {  	s10 =	rddreg [dreg:$0x15]  }
0x69: {  	[hbm4b:s3+s2] =	stream.indirect_vreg.scatter [tilespmem:s10], [sflag:$0x1], $0x80, v3, vm0, $0xb8;
	[tilespmem:$0x1C080] =	vst v63  }
0x6a: {  	s0 =	rddreg [dreg:$0x16]  }
0x6b: {  	[hbm4b:s4+s2] =	stream.indirect_vreg.scatter [tilespmem:s0], [sflag:$0x1], $0x80, v3, vm0, $0xb8;
	[tilespmem:$0x1C080] =	vst v63  }
0x6c: {  	s10 =	rddreg [dreg:$0x17]  }
0x6d: {  	[hbm4b:s5+s2] =	stream.indirect_vreg.scatter [tilespmem:s10], [sflag:$0x1], $0x80, v3, vm0, $0xb8;
	[tilespmem:$0x1C080] =	vst v63  }
0x6e: {  	v3 =	vld [tilespmem:$0x30];
	_ =	sdelay $0x4  }
0x6f: {  	v59 =	vshrl.u32 v3, $0x3  }
0x70: {  	v4 =	vmul.u32 $0x30, v59  }
0x71: {  	v3 =	vand.u32 $0x7, v3  }
0x72: {  	v3 =	vor.u32 v3, v4  }
0x73: {  	v4 =	vperm.xlane v3, v0;
	_ =	sdelay $0x1  }
0x74: {  	v4 =	vadd.s32 v1, v4;
	_ =	sdelay $0x3  }
0x75: {  	s0 =	rddreg [dreg:$0x18];
	v3 =	vperm.xlane v3, v2  }
0x76: {  	[hbm4b:s3+s2] =	stream.indirect_vreg.scatter [tilespmem:s0], [sflag:$0x1], $0x80, v4, vm0, $0xb8;
	[tilespmem:$0x1C080] =	vst v63  }
0x77: {  	s10 =	rddreg [dreg:$0x19];
	v3 =	vadd.s32 v1, v3  }
0x78: {  	[hbm4b:s4+s2] =	stream.indirect_vreg.scatter [tilespmem:s10], [sflag:$0x1], $0x80, v4, vm0, $0xb8;
	[tilespmem:$0x1C080] =	vst v63  }
0x79: {  	s0 =	rddreg [dreg:$0x1a]  }
0x7a: {  	[hbm4b:s5+s2] =	stream.indirect_vreg.scatter [tilespmem:s0], [sflag:$0x1], $0x80, v4, vm0, $0xb8;
	[tilespmem:$0x1C080] =	vst v63  }
0x7b: {  	s10 =	rddreg [dreg:$0x1b]  }
0x7c: {  	[hbm4b:s3+s2] =	stream.indirect_vreg.scatter [tilespmem:s10], [sflag:$0x1], $0x80, v3, vm0, $0xb8;
	[tilespmem:$0x1C080] =	vst v63  }
0x7d: {  	s0 =	rddreg [dreg:$0x1c]  }
0x7e: {  	[hbm4b:s4+s2] =	stream.indirect_vreg.scatter [tilespmem:s0], [sflag:$0x1], $0x80, v3, vm0, $0xb8;
	[tilespmem:$0x1C080] =	vst v63  }
0x7f: {  	s10 =	rddreg [dreg:$0x1d]  }
0x80: {  	[hbm4b:s5+s2] =	stream.indirect_vreg.scatter [tilespmem:s10], [sflag:$0x1], $0x80, v3, vm0, $0xb8;
	[tilespmem:$0x1C080] =	vst v63  }
0x81: {  	v3 =	vld [tilespmem:$0x40];
	_ =	sdelay $0x4  }
0x82: {  	v60 =	vshrl.u32 v3, $0x3  }
0x83: {  	v4 =	vmul.u32 $0x30, v60  }
0x84: {  	v3 =	vand.u32 $0x7, v3  }
0x85: {  	v3 =	vor.u32 v3, v4  }
0x86: {  	v4 =	vperm.xlane v3, v0;
	_ =	sdelay $0x1  }
0x87: {  	v4 =	vadd.s32 v1, v4;
	_ =	sdelay $0x2  }
0x88: {  	s0 =	rddreg [dreg:$0x1e]  }
0x89: {  	s10 =	rddreg [dreg:$0x1f];
	v3 =	vperm.xlane v3, v2  }
0x8a: {  	[hbm4b:s3+s2] =	stream.indirect_vreg.scatter [tilespmem:s0], [sflag:$0x1], $0x80, v4, vm0, $0xb8;
	[tilespmem:$0x1C080] =	vst v63  }
0x8b: {  	v3 =	vadd.s32 v1, v3;
	s0 =	sld [smem:$0x7FC]  }
0x8c: {  	[hbm4b:s4+s2] =	stream.indirect_vreg.scatter [tilespmem:s10], [sflag:$0x1], $0x80, v4, vm0, $0xb8;
	[tilespmem:$0x1C080] =	vst v63  }
0x8d: {  	s10 =	sld [smem:$0x7FD]  }
0x8e: {  	[hbm4b:s5+s2] =	stream.indirect_vreg.scatter [tilespmem:s0], [sflag:$0x1], $0x80, v4, vm0, $0xb8;
	[tilespmem:$0x1C080] =	vst v63  }
0x8f: {  	_ = 	snop  }
0x90: {  	[hbm4b:s3+s2] =	stream.indirect_vreg.scatter [tilespmem:s10], [sflag:$0x1], $0x80, v3, vm0, $0xb8;
	[tilespmem:$0x1C080] =	vst v63  }
0x91: {  	s10 =	simm.s32 $0x12080  }
0x92: {  	[hbm4b:s4+s2] =	stream.indirect_vreg.scatter [tilespmem:s10], [sflag:$0x1], $0x80, v3, vm0, $0xb8;
	[tilespmem:$0x1C080] =	vst v63  }
0x93: {  	_ = 	snop  }
0x94: {  	[hbm4b:s5+s2] =	stream.indirect_vreg.scatter [tilespmem:s11], [sflag:$0x1], $0x80, v3, vm0, $0xb8;
	[tilespmem:$0x1C080] =	vst v63  }
0x95: {  	v3 =	vld [tilespmem:$0x50];
	_ =	sdelay $0x4  }
0x96: {  	v61 =	vshrl.u32 v3, $0x3  }
0x97: {  	v4 =	vmul.u32 $0x30, v61  }
0x98: {  	v3 =	vand.u32 $0x7, v3  }
0x99: {  	v3 =	vor.u32 v3, v4  }
0x9a: {  	v4 =	vperm.xlane v3, v0;
	_ =	sdelay $0x1  }
0x9b: {  	v4 =	vadd.s32 v1, v4;
	_ =	sdelay $0x3  }
0x9c: {  	v3 =	vperm.xlane v3, v2  }
0x9d: {  	[hbm4b:s3+s2] =	stream.indirect_vreg.scatter [tilespmem:s12], [sflag:$0x1], $0x80, v4, vm0, $0xb8;
	[tilespmem:$0x1C080] =	vst v63  }
0x9e: {  	v3 =	vadd.s32 v1, v3  }
0x9f: {  	[hbm4b:s4+s2] =	stream.indirect_vreg.scatter [tilespmem:s13], [sflag:$0x1], $0x80, v4, vm0, $0xb8;
	[tilespmem:$0x1C080] =	vst v63  }
0xa0: {  	_ = 	snop  }
0xa1: {  	[hbm4b:s5+s2] =	stream.indirect_vreg.scatter [tilespmem:s14], [sflag:$0x1], $0x80, v4, vm0, $0xb8;
	[tilespmem:$0x1C080] =	vst v63  }
0xa2: {  	_ = 	snop  }
0xa3: {  	[hbm4b:s3+s2] =	stream.indirect_vreg.scatter [tilespmem:s15], [sflag:$0x1], $0x80, v3, vm0, $0xb8;
	[tilespmem:$0x1C080] =	vst v63  }
0xa4: {  	_ = 	snop  }
0xa5: {  	[hbm4b:s4+s2] =	stream.indirect_vreg.scatter [tilespmem:s16], [sflag:$0x1], $0x80, v3, vm0, $0xb8;
	[tilespmem:$0x1C080] =	vst v63  }
0xa6: {  	_ = 	snop  }
0xa7: {  	[hbm4b:s5+s2] =	stream.indirect_vreg.scatter [tilespmem:s17], [sflag:$0x1], $0x80, v3, vm0, $0xb8;
	[tilespmem:$0x1C080] =	vst v63  }
0xa8: {  	v3 =	vld [tilespmem:$0x60];
	_ =	sdelay $0x4  }
0xa9: {  	v62 =	vshrl.u32 v3, $0x3  }
0xaa: {  	v4 =	vmul.u32 $0x30, v62  }
0xab: {  	v3 =	vand.u32 $0x7, v3  }
0xac: {  	v3 =	vor.u32 v3, v4  }
0xad: {  	v4 =	vperm.xlane v3, v0;
	_ =	sdelay $0x1  }
0xae: {  	v4 =	vadd.s32 v1, v4;
	_ =	sdelay $0x3  }
0xaf: {  	v3 =	vperm.xlane v3, v2  }
0xb0: {  	[hbm4b:s3+s2] =	stream.indirect_vreg.scatter [tilespmem:s18], [sflag:$0x1], $0x80, v4, vm0, $0xb8;
	[tilespmem:$0x1C080] =	vst v63  }
0xb1: {  	v3 =	vadd.s32 v1, v3  }
0xb2: {  	[hbm4b:s4+s2] =	stream.indirect_vreg.scatter [tilespmem:s19], [sflag:$0x1], $0x80, v4, vm0, $0xb8;
	[tilespmem:$0x1C080] =	vst v63  }
0xb3: {  	_ = 	snop  }
0xb4: {  	[hbm4b:s5+s2] =	stream.indirect_vreg.scatter [tilespmem:s20], [sflag:$0x1], $0x80, v4, vm0, $0xb8;
	[tilespmem:$0x1C080] =	vst v63  }
0xb5: {  	_ = 	snop  }
0xb6: {  	[hbm4b:s3+s2] =	stream.indirect_vreg.scatter [tilespmem:s21], [sflag:$0x1], $0x80, v3, vm0, $0xb8;
	[tilespmem:$0x1C080] =	vst v63  }
0xb7: {  	_ = 	snop  }
0xb8: {  	[hbm4b:s4+s2] =	stream.indirect_vreg.scatter [tilespmem:s22], [sflag:$0x1], $0x80, v3, vm0, $0xb8;
	[tilespmem:$0x1C080] =	vst v63  }
0xb9: {  	_ = 	snop  }
0xba: {  	[hbm4b:s5+s2] =	stream.indirect_vreg.scatter [tilespmem:s23], [sflag:$0x1], $0x80, v3, vm0, $0xb8;
	[tilespmem:$0x1C080] =	vst v63  }
0xbb: {  	v3 =	vld [tilespmem:$0x70];
	_ =	sdelay $0x4  }
0xbc: {  	v63 =	vshrl.u32 v3, $0x3  }
0xbd: {  	v4 =	vmul.u32 $0x30, v63  }
0xbe: {  	v3 =	vand.u32 $0x7, v3  }
0xbf: {  	v3 =	vor.u32 v3, v4  }
0xc0: {  	v4 =	vperm.xlane v3, v0;
	_ =	sdelay $0x1  }
0xc1: {  	v4 =	vadd.s32 v1, v4;
	_ =	sdelay $0x3  }
0xc2: {  	v3 =	vperm.xlane v3, v2  }
0xc3: {  	[hbm4b:s3+s2] =	stream.indirect_vreg.scatter [tilespmem:s24], [sflag:$0x1], $0x80, v4, vm0, $0xb8;
	[tilespmem:$0x1C080] =	vst v63  }
0xc4: {  	v3 =	vadd.s32 v1, v3  }
0xc5: {  	[hbm4b:s4+s2] =	stream.indirect_vreg.scatter [tilespmem:s25], [sflag:$0x1], $0x80, v4, vm0, $0xb8;
	[tilespmem:$0x1C080] =	vst v63  }
0xc6: {  	_ = 	snop  }
0xc7: {  	[hbm4b:s5+s2] =	stream.indirect_vreg.scatter [tilespmem:s26], [sflag:$0x1], $0x80, v4, vm0, $0xb8;
	[tilespmem:$0x1C080] =	vst v63  }
0xc8: {  	_ = 	snop  }
0xc9: {  	[hbm4b:s3+s2] =	stream.indirect_vreg.scatter [tilespmem:s28], [sflag:$0x1], $0x80, v3, vm0, $0xb8;
	[tilespmem:$0x1C080] =	vst v63  }
0xca: {  	_ = 	snop  }
0xcb: {  	[hbm4b:s4+s2] =	stream.indirect_vreg.scatter [tilespmem:s29], [sflag:$0x1], $0x80, v3, vm0, $0xb8;
	[tilespmem:$0x1C080] =	vst v63  }
0xcc: {  	_ = 	snop  }
0xcd: {  	[hbm4b:s5+s2] =	stream.indirect_vreg.scatter [tilespmem:s30], [sflag:$0x1], $0x80, v3, vm0, $0xb8;
	[tilespmem:$0x1C080] =	vst v63  }
0xce: {  	_ =	swait.ge [sflag:s31], $0x18000  }
0xcf: {  	p0 =	sne.s32 s6, $0x1;
	[sflag:s31] =	ssyncset.done $0x0  }
.Ltmp0:
0xd0: {  	s10 =	rddreg [dreg:$0x3];
	[sflag:s31] =	ssyncadd.s32 $0xFFFE8000;
	(pc) =	sbr.rel @p0 .LBB2_1-.Ltmp0, $4  }
0xd1: {  	[hbm4b:s10+s8] =	stream.indirect.scatter [tilespmem:s8], [sflag:$0x2], $0x80, s2, s8, $0xb8;
	[tilespmem:$0x1C080] =	vst v63  }
0xd2: {  	_ =	swait.ge [sflag:s1], $0x4000  }
0xd3: {  	[sflag:s1] =	ssyncset.done $0x0  }
0xd4: {  	s6 =	sadd.s32 $0xFFFFFFFF, s6;
	[sflag:s1] =	ssyncadd.s32 $0xFFFFC000  }
0xd5: {  	_ =	sfence.sel $0x180000  }
0xd6: {  	[bflag:$0x0] =	sbarrier.arrive $0xFFFF  }
0xd7: {  	_ =	strace $0x90000047  }
0xd8: {  	s0 =	stileid.u32;
	[bflag:$0x2] =	sbarrier.arrive $0xFFFF  }
0xd9: {  	p0 =	sne.s32 s0, $0x0;
	s0 =	rddreg [dreg:$0x2]  }
0xda: {  	s0 =	sadd.s32 @!p0 $0x100000, s0  }
0xdb: {  	[sflag:s0] =	ssyncadd.tile.s32 @!p0 $0x1;
	_ =	shalt  }
.Lfunc_end2:
_tile_overlayer_lowered:
.L_overlay_start_2:
0xdc: {  	(tag) =	ssettag $0x2  }
0xdd: {  	s0 =	rddreg [dreg:$0x0];
	s2 =	stileid.u32  }
0xde: {  	s1 =	rddreg [dreg:$0x1];
	p0 =	sne.s32 s2, $0x0  }
0xdf: {  	s3 =	rddreg [dreg:$0x2];
	[bflag:$0x3] =	sbarrier.arrive $0xFFFF;
	s2 =	simm.s32 @!p0 $0x1C03  }
0xe0: {  	[timem:s3], [sflag:s2] =	dma.local @!p0 [hbm:s0], s1  }
0xe1: {  	s0 =	simm.s32 @!p0 $0x3  }
0xe2: {  	_ =	swait.ge @!p0 [sflag:s0], s1  }
0xe3: {  	s1 =	ssub.s32 @!p0 $0x0, s1;
	[sflag:s0] =	ssyncset.done @!p0 $0x0  }
0xe4: {  	[sflag:s0] =	ssyncadd.s32 @!p0 s1  }
0xe5: {  	[bflag:$0x3] =	sbarrier.arrive $0xFFFF  }
0xe6: {  	_ =	shalt  }

</sc_bundles>
